<compile_context>
chip_gen: v7x
topology: tpu7x:2x2x1
jax: 0.10.2.dev20260603
libtpu: 0.0.44.dev20260713+nightly
codegen_flags: <defaults>
</compile_context>

<pallas_src>
import functools

import jax
import jax.numpy as jnp
from jax import lax
from jax.experimental import pallas as pl
from jax.experimental.pallas import tpu as pltpu
from jax.experimental.pallas import tpu_sc as plsc

_BINS = (1, 2, 3, 4, 8, 16, 32, 64)
_N = 1048576
_D = 20
_NC = 2
_NS = 16
_NW = _NC * _NS
_CHUNK = _N // _NW
_T = 2048
_NT = _CHUNK // _T


@functools.partial(
    pl.kernel,
    out_type=jax.ShapeDtypeStruct((_D, _N), jnp.float32),
    mesh=plsc.VectorSubcoreMesh(core_axis_name="c", subcore_axis_name="s"),
    compiler_params=pltpu.CompilerParams(
        use_tc_tiling_on_sc=True, needs_layout_passes=False
    ),
    scratch_types=[
        pltpu.VMEM((9, _D), jnp.float32),
        pltpu.VMEM((2, _T), jnp.int32),
        pltpu.VMEM((2, _D, _T), jnp.float32),
        pltpu.SemaphoreType.DMA,
        pltpu.SemaphoreType.DMA,
    ],
)
def _distance_sc(len_hbm, table_hbm, out_hbm, tbl_v, len_v, outT_v, sem_in, sem_out):
    wid = lax.axis_index("s") * _NC + lax.axis_index("c")
    base = wid * _CHUNK
    pltpu.sync_copy(table_hbm, tbl_v)

    rows9 = jnp.minimum(lax.iota(jnp.int32, 16), 8)
    tcols = [
        plsc.load_gather(tbl_v, [rows9, jnp.full((16,), jj, jnp.int32)])
        for jj in range(_D)
    ]

    def in_copy(t, buf):
        return pltpu.make_async_copy(
            len_hbm.at[pl.ds(base + t * _T, _T)], len_v.at[buf], sem_in
        )

    def out_copy(t, buf):
        return pltpu.make_async_copy(
            outT_v.at[buf], out_hbm.at[:, pl.ds(base + t * _T, _T)], sem_out
        )

    in_copy(0, 0).start()

    def round_body(g, carry):
        for b in range(2):
            t = g * 2 + b
            in_copy(t, b).wait()

            @pl.when(t + 1 < _NT)
            def _():
                in_copy(t + 1, (b + 1) % 2).start()

            @pl.when(t >= 2)
            def _():
                out_copy(t - 2, b).wait()

            def vec_body(j, c):
                v = len_v[b, pl.ds(j * 16, 16)]
                acc = jnp.zeros((16,), jnp.int32)
                for bb in _BINS:
                    acc = acc + jnp.where(v >= bb, 1, 0).astype(jnp.int32)
                for jj in range(_D):
                    outT_v[b, jj, pl.ds(j * 16, 16)] = (
                        tcols[jj].at[acc].get(mode="promise_in_bounds")
                    )
                return c

            lax.fori_loop(0, _T // 16, vec_body, 0, unroll=2)
            out_copy(t, b).start()
        return carry

    lax.fori_loop(0, _NT // 2, round_body, 0)
    out_copy(_NT - 2, 0).wait()
    out_copy(_NT - 1, 1).wait()


def kernel(lengths, table):
    out_t = _distance_sc(lengths, table)
    return out_t.T

# --- scband reference (transcript-rebuilt; emitter-appended) ---
"""Pipeline reference for scband-distance-61607010894553 (READ-ONLY COPY).

The authoritative reference and input builder live on the scoring server;
editing this copy changes nothing except your own understanding.
"""

import jax, jax.numpy as jnp
import numpy as np

BINS = jnp.array([1, 2, 3, 4, 8, 16, 32, 64], dtype=jnp.int32)
DISTANCE_DIM = 20
N = 1048576


def setup_inputs(seed: int = 0) -> dict:
    key = jax.random.key(seed)
    k1, k2 = jax.random.split(key)
    lengths = jax.random.randint(k1, (N,), 0, 128, dtype=jnp.int32)
    # Embedding table: len(bins) + 1 = 9 rows, distance_dim cols
    table = jax.random.normal(k2, (len(BINS) + 1, DISTANCE_DIM), dtype=jnp.float32) * 0.02
    return {"lengths": lengths, "table": table}


def stoi(lengths):
    # For each num: sum(num >= b for b in bins) == searchsorted(bins, num, side='right')
    return jnp.searchsorted(BINS, lengths, side="right")


def reference(lengths, table):
    # stoi binning followed by embedding lookup.
    # Dropout(0.3) is identity at eval time and is omitted from the deterministic reference.
    idx = stoi(lengths)
    return jnp.take(table, idx, axis=0)

if __name__ == "__main__":
    import jax
    _d = setup_inputs()
    print(jax.jit(kernel)(*tuple(_d.values())))

</pallas_src>

<mosaic_0001>
#map = affine_map<(d0, d1) -> (0)>
#map1 = affine_map<(d0, d1) -> (0, 0)>
module attributes {stable_mosaic.version = 14 : i64} {
  func.func @_distance_sc(%arg0: i32, %arg1: i32, %arg2: memref<1048576xi32, #tpu.memory_space<hbm>>, %arg3: memref<9x20xf32, #tpu.memory_space<hbm>>, %arg4: memref<20x1048576xf32, #tpu.memory_space<hbm>>, %arg5: memref<9x20xf32, #tpu.memory_space<vmem>>, %arg6: memref<2x2048xi32, #tpu.memory_space<vmem>>, %arg7: memref<2x20x2048xf32, #tpu.memory_space<vmem>>, %arg8: memref<!tpu.dma_semaphore, #tpu.memory_space<semaphore_mem>>, %arg9: memref<!tpu.dma_semaphore, #tpu.memory_space<semaphore_mem>>) attributes {dimension_semantics = [#tpu.dimension_semantics<core_parallel>, #tpu.dimension_semantics<subcore_parallel>], iteration_bounds = array<i64: 2, 16>, scalar_prefetch = 0 : i64, scratch_operands = 5 : i64, tpu.core_type = #tpu.core_type<sc_vector_subcore>, window_params = [{transform_indices = #map}, {transform_indices = #map1}, {transform_indices = #map1}]} {
    %mul3A = arith.constant 2 : i32
    %mul3A_0 = arith.muli %arg1, %mul3A : i32
    %add3A = arith.addi %mul3A_0, %arg0 : i32
    %mul3A_1 = arith.constant 32768 : i32
    %mul3A_2 = arith.muli %add3A, %mul3A_1 : i32
    "tpu.region"() ({
      %run_scoped3A = tpu.sem_alloc : memref<!tpu.dma_semaphore, #tpu.memory_space<semaphore_mem>>
      tpu.enqueue_dma source(%arg3 : memref<9x20xf32, #tpu.memory_space<hbm>>) target(%arg5 : memref<9x20xf32, #tpu.memory_space<vmem>>) target_semaphore(%run_scoped3A : memref<!tpu.dma_semaphore, #tpu.memory_space<semaphore_mem>>)
      tpu.wait_dma2 semaphore(%run_scoped3A : memref<!tpu.dma_semaphore, #tpu.memory_space<semaphore_mem>>) src(%arg3 : memref<9x20xf32, #tpu.memory_space<hbm>>) dst(%arg5 : memref<9x20xf32, #tpu.memory_space<vmem>>)
      tpu.yield
    }) : () -> ()
    %iota3A = tpu.iota {dimensions = array<i32: 0>} : vector<16xi32>
    %min3A = arith.constant 8 : i32
    %min3A_3 = vector.broadcast %min3A : i32 to vector<16xi32>
    %min3A_4 = arith.minsi %iota3A, %min3A_3 : vector<16xi32>
    %broadcast_in_dim3A = arith.constant 0 : i32
    %broadcast_in_dim3A_5 = vector.broadcast %broadcast_in_dim3A : i32 to vector<16xi32>
    %gather3A = tpu.vector_load_idx %arg5[%min3A_4, %broadcast_in_dim3A_5] : memref<9x20xf32, #tpu.memory_space<vmem>>[vector<16xi32>, vector<16xi32>], vector<16xf32>,
    %broadcast_in_dim3A_6 = arith.constant 1 : i32
    %broadcast_in_dim3A_7 = vector.broadcast %broadcast_in_dim3A_6 : i32 to vector<16xi32>
    %gather3A_8 = tpu.vector_load_idx %arg5[%min3A_4, %broadcast_in_dim3A_7] : memref<9x20xf32, #tpu.memory_space<vmem>>[vector<16xi32>, vector<16xi32>], vector<16xf32>,
    %broadcast_in_dim3A_9 = arith.constant 2 : i32
    %broadcast_in_dim3A_10 = vector.broadcast %broadcast_in_dim3A_9 : i32 to vector<16xi32>
    %gather3A_11 = tpu.vector_load_idx %arg5[%min3A_4, %broadcast_in_dim3A_10] : memref<9x20xf32, #tpu.memory_space<vmem>>[vector<16xi32>, vector<16xi32>], vector<16xf32>,
    %broadcast_in_dim3A_12 = arith.constant 3 : i32
    %broadcast_in_dim3A_13 = vector.broadcast %broadcast_in_dim3A_12 : i32 to vector<16xi32>
    %gather3A_14 = tpu.vector_load_idx %arg5[%min3A_4, %broadcast_in_dim3A_13] : memref<9x20xf32, #tpu.memory_space<vmem>>[vector<16xi32>, vector<16xi32>], vector<16xf32>,
    %broadcast_in_dim3A_15 = arith.constant 4 : i32
    %broadcast_in_dim3A_16 = vector.broadcast %broadcast_in_dim3A_15 : i32 to vector<16xi32>
    %gather3A_17 = tpu.vector_load_idx %arg5[%min3A_4, %broadcast_in_dim3A_16] : memref<9x20xf32, #tpu.memory_space<vmem>>[vector<16xi32>, vector<16xi32>], vector<16xf32>,
    %broadcast_in_dim3A_18 = arith.constant 5 : i32
    %broadcast_in_dim3A_19 = vector.broadcast %broadcast_in_dim3A_18 : i32 to vector<16xi32>
    %gather3A_20 = tpu.vector_load_idx %arg5[%min3A_4, %broadcast_in_dim3A_19] : memref<9x20xf32, #tpu.memory_space<vmem>>[vector<16xi32>, vector<16xi32>], vector<16xf32>,
    %broadcast_in_dim3A_21 = arith.constant 6 : i32
    %broadcast_in_dim3A_22 = vector.broadcast %broadcast_in_dim3A_21 : i32 to vector<16xi32>
    %gather3A_23 = tpu.vector_load_idx %arg5[%min3A_4, %broadcast_in_dim3A_22] : memref<9x20xf32, #tpu.memory_space<vmem>>[vector<16xi32>, vector<16xi32>], vector<16xf32>,
    %broadcast_in_dim3A_24 = arith.constant 7 : i32
    %broadcast_in_dim3A_25 = vector.broadcast %broadcast_in_dim3A_24 : i32 to vector<16xi32>
    %gather3A_26 = tpu.vector_load_idx %arg5[%min3A_4, %broadcast_in_dim3A_25] : memref<9x20xf32, #tpu.memory_space<vmem>>[vector<16xi32>, vector<16xi32>], vector<16xf32>,
    %broadcast_in_dim3A_27 = arith.constant 8 : i32
    %broadcast_in_dim3A_28 = vector.broadcast %broadcast_in_dim3A_27 : i32 to vector<16xi32>
    %gather3A_29 = tpu.vector_load_idx %arg5[%min3A_4, %broadcast_in_dim3A_28] : memref<9x20xf32, #tpu.memory_space<vmem>>[vector<16xi32>, vector<16xi32>], vector<16xf32>,
    %broadcast_in_dim3A_30 = arith.constant 9 : i32
    %broadcast_in_dim3A_31 = vector.broadcast %broadcast_in_dim3A_30 : i32 to vector<16xi32>
    %gather3A_32 = tpu.vector_load_idx %arg5[%min3A_4, %broadcast_in_dim3A_31] : memref<9x20xf32, #tpu.memory_space<vmem>>[vector<16xi32>, vector<16xi32>], vector<16xf32>,
    %broadcast_in_dim3A_33 = arith.constant 10 : i32
    %broadcast_in_dim3A_34 = vector.broadcast %broadcast_in_dim3A_33 : i32 to vector<16xi32>
    %gather3A_35 = tpu.vector_load_idx %arg5[%min3A_4, %broadcast_in_dim3A_34] : memref<9x20xf32, #tpu.memory_space<vmem>>[vector<16xi32>, vector<16xi32>], vector<16xf32>,
    %broadcast_in_dim3A_36 = arith.constant 11 : i32
    %broadcast_in_dim3A_37 = vector.broadcast %broadcast_in_dim3A_36 : i32 to vector<16xi32>
    %gather3A_38 = tpu.vector_load_idx %arg5[%min3A_4, %broadcast_in_dim3A_37] : memref<9x20xf32, #tpu.memory_space<vmem>>[vector<16xi32>, vector<16xi32>], vector<16xf32>,
    %broadcast_in_dim3A_39 = arith.constant 12 : i32
    %broadcast_in_dim3A_40 = vector.broadcast %broadcast_in_dim3A_39 : i32 to vector<16xi32>
    %gather3A_41 = tpu.vector_load_idx %arg5[%min3A_4, %broadcast_in_dim3A_40] : memref<9x20xf32, #tpu.memory_space<vmem>>[vector<16xi32>, vector<16xi32>], vector<16xf32>,
    %broadcast_in_dim3A_42 = arith.constant 13 : i32
    %broadcast_in_dim3A_43 = vector.broadcast %broadcast_in_dim3A_42 : i32 to vector<16xi32>
    %gather3A_44 = tpu.vector_load_idx %arg5[%min3A_4, %broadcast_in_dim3A_43] : memref<9x20xf32, #tpu.memory_space<vmem>>[vector<16xi32>, vector<16xi32>], vector<16xf32>,
    %broadcast_in_dim3A_45 = arith.constant 14 : i32
    %broadcast_in_dim3A_46 = vector.broadcast %broadcast_in_dim3A_45 : i32 to vector<16xi32>
    %gather3A_47 = tpu.vector_load_idx %arg5[%min3A_4, %broadcast_in_dim3A_46] : memref<9x20xf32, #tpu.memory_space<vmem>>[vector<16xi32>, vector<16xi32>], vector<16xf32>,
    %broadcast_in_dim3A_48 = arith.constant 15 : i32
    %broadcast_in_dim3A_49 = vector.broadcast %broadcast_in_dim3A_48 : i32 to vector<16xi32>
    %gather3A_50 = tpu.vector_load_idx %arg5[%min3A_4, %broadcast_in_dim3A_49] : memref<9x20xf32, #tpu.memory_space<vmem>>[vector<16xi32>, vector<16xi32>], vector<16xf32>,
    %broadcast_in_dim3A_51 = arith.constant 16 : i32
    %broadcast_in_dim3A_52 = vector.broadcast %broadcast_in_dim3A_51 : i32 to vector<16xi32>
    %gather3A_53 = tpu.vector_load_idx %arg5[%min3A_4, %broadcast_in_dim3A_52] : memref<9x20xf32, #tpu.memory_space<vmem>>[vector<16xi32>, vector<16xi32>], vector<16xf32>,
    %broadcast_in_dim3A_54 = arith.constant 17 : i32
    %broadcast_in_dim3A_55 = vector.broadcast %broadcast_in_dim3A_54 : i32 to vector<16xi32>
    %gather3A_56 = tpu.vector_load_idx %arg5[%min3A_4, %broadcast_in_dim3A_55] : memref<9x20xf32, #tpu.memory_space<vmem>>[vector<16xi32>, vector<16xi32>], vector<16xf32>,
    %broadcast_in_dim3A_57 = arith.constant 18 : i32
    %broadcast_in_dim3A_58 = vector.broadcast %broadcast_in_dim3A_57 : i32 to vector<16xi32>
    %gather3A_59 = tpu.vector_load_idx %arg5[%min3A_4, %broadcast_in_dim3A_58] : memref<9x20xf32, #tpu.memory_space<vmem>>[vector<16xi32>, vector<16xi32>], vector<16xf32>,
    %broadcast_in_dim3A_60 = arith.constant 19 : i32
    %broadcast_in_dim3A_61 = vector.broadcast %broadcast_in_dim3A_60 : i32 to vector<16xi32>
    %gather3A_62 = tpu.vector_load_idx %arg5[%min3A_4, %broadcast_in_dim3A_61] : memref<9x20xf32, #tpu.memory_space<vmem>>[vector<16xi32>, vector<16xi32>], vector<16xf32>,
    %add3A_63 = arith.constant 0 : i32
    %add3A_64 = arith.addi %mul3A_2, %add3A_63 : i32
    %dma_start3A = arith.constant 0 : i32
    %dma_start3A_65 = arith.constant 0 : i32
    %dma_start3A_66 = tpu.memref_slice %arg6[%dma_start3A, %dma_start3A_65] : memref<2x2048xi32, #tpu.memory_space<vmem>> -> memref<1x2048xi32, #tpu.memory_space<vmem>>
    %dma_start3A_67 = tpu.memref_squeeze %dma_start3A_66 : memref<1x2048xi32, #tpu.memory_space<vmem>> -> memref<2048xi32, #tpu.memory_space<vmem>>
    %dma_start3A_68 = tpu.memref_slice %arg2[%add3A_64] : memref<1048576xi32, #tpu.memory_space<hbm>> -> memref<2048xi32, #tpu.memory_space<hbm>>
    %dma_start3A_69 = arith.constant 0 : i32
    %dma_start3A_70 = tpu.memref_slice %arg6[%dma_start3A, %dma_start3A_69] : memref<2x2048xi32, #tpu.memory_space<vmem>> -> memref<1x2048xi32, #tpu.memory_space<vmem>>
    %dma_start3A_71 = tpu.memref_squeeze %dma_start3A_70 : memref<1x2048xi32, #tpu.memory_space<vmem>> -> memref<2048xi32, #tpu.memory_space<vmem>>
    %dma_start3A_72 = tpu.memref_slice %arg2[%add3A_64] : memref<1048576xi32, #tpu.memory_space<hbm>> -> memref<2048xi32, #tpu.memory_space<hbm>>
    tpu.enqueue_dma source(%dma_start3A_72 : memref<2048xi32, #tpu.memory_space<hbm>>) target(%dma_start3A_71 : memref<2048xi32, #tpu.memory_space<vmem>>) target_semaphore(%arg8 : memref<!tpu.dma_semaphore, #tpu.memory_space<semaphore_mem>>)
    %scan3A = arith.constant 0 : i32
    %scan3A_73 = arith.constant 0 : i32
    %scan3A_74 = arith.constant 8 : i32
    %scan3A_75 = arith.addi %scan3A_73, %scan3A_74 : i32
    %scan3A_76 = arith.constant 1 : i32
    scf.for %scan3A_107 = %scan3A_73 to %scan3A_75 step %scan3A_76  : i32 {
      %mul3A_108 = arith.constant 2 : i32
      %mul3A_109 = arith.muli %scan3A_107, %mul3A_108 : i32
      %add3A_110 = arith.constant 0 : i32
      %add3A_111 = arith.addi %mul3A_109, %add3A_110 : i32
      %mul3A_112 = arith.constant 2048 : i32
      %mul3A_113 = arith.muli %add3A_111, %mul3A_112 : i32
      %add3A_114 = arith.addi %mul3A_2, %mul3A_113 : i32
      %dma_wait3A_115 = arith.constant 0 : i32
      %dma_wait3A_116 = arith.constant 0 : i32
      %dma_wait3A_117 = tpu.memref_slice %arg6[%dma_wait3A_115, %dma_wait3A_116] : memref<2x2048xi32, #tpu.memory_space<vmem>> -> memref<1x2048xi32, #tpu.memory_space<vmem>>
      %dma_wait3A_118 = tpu.memref_squeeze %dma_wait3A_117 : memref<1x2048xi32, #tpu.memory_space<vmem>> -> memref<2048xi32, #tpu.memory_space<vmem>>
      %dma_wait3A_119 = tpu.memref_slice %arg2[%add3A_114] : memref<1048576xi32, #tpu.memory_space<hbm>> -> memref<2048xi32, #tpu.memory_space<hbm>>
      %dma_wait3A_120 = arith.constant 0 : i32
      %dma_wait3A_121 = tpu.memref_slice %arg6[%dma_wait3A_115, %dma_wait3A_120] : memref<2x2048xi32, #tpu.memory_space<vmem>> -> memref<1x2048xi32, #tpu.memory_space<vmem>>
      %dma_wait3A_122 = tpu.memref_squeeze %dma_wait3A_121 : memref<1x2048xi32, #tpu.memory_space<vmem>> -> memref<2048xi32, #tpu.memory_space<vmem>>
      %dma_wait3A_123 = tpu.memref_slice %arg2[%add3A_114] : memref<1048576xi32, #tpu.memory_space<hbm>> -> memref<2048xi32, #tpu.memory_space<hbm>>
      tpu.wait_dma2 semaphore(%arg8 : memref<!tpu.dma_semaphore, #tpu.memory_space<semaphore_mem>>) src(%dma_wait3A_123 : memref<2048xi32, #tpu.memory_space<hbm>>) dst(%dma_wait3A_122 : memref<2048xi32, #tpu.memory_space<vmem>>)
      %add3A_124 = arith.constant 1 : i32
      %add3A_125 = arith.addi %add3A_111, %add3A_124 : i32
      %lt3A = arith.constant 16 : i32
      %lt3A_126 = arith.cmpi slt, %add3A_125, %lt3A : i32
      %convert_element_type3A = arith.extui %lt3A_126 : i1 to i32
      %cond3A = arith.constant 0 : i32
      %cond3A_127 = arith.cmpi ne, %convert_element_type3A, %cond3A : i32
      scf.if %cond3A_127 {
        %add3A_204 = arith.constant 1 : i32
        %add3A_205 = arith.addi %add3A_111, %add3A_204 : i32
        %mul3A_206 = arith.constant 2048 : i32
        %mul3A_207 = arith.muli %add3A_205, %mul3A_206 : i32
        %add3A_208 = arith.addi %mul3A_2, %mul3A_207 : i32
        %dma_start3A_209 = arith.constant 1 : i32
        %dma_start3A_210 = arith.constant 0 : i32
        %dma_start3A_211 = tpu.memref_slice %arg6[%dma_start3A_209, %dma_start3A_210] : memref<2x2048xi32, #tpu.memory_space<vmem>> -> memref<1x2048xi32, #tpu.memory_space<vmem>>
        %dma_start3A_212 = tpu.memref_squeeze %dma_start3A_211 : memref<1x2048xi32, #tpu.memory_space<vmem>> -> memref<2048xi32, #tpu.memory_space<vmem>>
        %dma_start3A_213 = tpu.memref_slice %arg2[%add3A_208] : memref<1048576xi32, #tpu.memory_space<hbm>> -> memref<2048xi32, #tpu.memory_space<hbm>>
        %dma_start3A_214 = arith.constant 0 : i32
        %dma_start3A_215 = tpu.memref_slice %arg6[%dma_start3A_209, %dma_start3A_214] : memref<2x2048xi32, #tpu.memory_space<vmem>> -> memref<1x2048xi32, #tpu.memory_space<vmem>>
        %dma_start3A_216 = tpu.memref_squeeze %dma_start3A_215 : memref<1x2048xi32, #tpu.memory_space<vmem>> -> memref<2048xi32, #tpu.memory_space<vmem>>
        %dma_start3A_217 = tpu.memref_slice %arg2[%add3A_208] : memref<1048576xi32, #tpu.memory_space<hbm>> -> memref<2048xi32, #tpu.memory_space<hbm>>
        tpu.enqueue_dma source(%dma_start3A_217 : memref<2048xi32, #tpu.memory_space<hbm>>) target(%dma_start3A_216 : memref<2048xi32, #tpu.memory_space<vmem>>) target_semaphore(%arg8 : memref<!tpu.dma_semaphore, #tpu.memory_space<semaphore_mem>>)
      } else {
      }
      %ge3A = arith.constant 2 : i32
      %ge3A_128 = arith.cmpi sge, %add3A_111, %ge3A : i32
      %convert_element_type3A_129 = arith.extui %ge3A_128 : i1 to i32
      %cond3A_130 = arith.constant 0 : i32
      %cond3A_131 = arith.cmpi ne, %convert_element_type3A_129, %cond3A_130 : i32
      scf.if %cond3A_131 {
        %sub3A = arith.constant 2 : i32
        %sub3A_204 = arith.subi %add3A_111, %sub3A : i32
        %mul3A_205 = arith.constant 2048 : i32
        %mul3A_206 = arith.muli %sub3A_204, %mul3A_205 : i32
        %add3A_207 = arith.addi %mul3A_2, %mul3A_206 : i32
        %dma_wait3A_208 = arith.constant 0 : i32
        %dma_wait3A_209 = arith.constant 0 : i32
        %dma_wait3A_210 = arith.constant 0 : i32
        %dma_wait3A_211 = tpu.memref_slice %arg7[%dma_wait3A_208, %dma_wait3A_209, %dma_wait3A_210] : memref<2x20x2048xf32, #tpu.memory_space<vmem>> -> memref<1x20x2048xf32, #tpu.memory_space<vmem>>
        %dma_wait3A_212 = tpu.memref_squeeze %dma_wait3A_211 : memref<1x20x2048xf32, #tpu.memory_space<vmem>> -> memref<20x2048xf32, #tpu.memory_space<vmem>>
        %dma_wait3A_213 = arith.constant 0 : i32
        %dma_wait3A_214 = tpu.memref_slice %arg4[%dma_wait3A_213, %add3A_207] : memref<20x1048576xf32, #tpu.memory_space<hbm>> -> memref<20x2048xf32, #tpu.memory_space<hbm>>
        %dma_wait3A_215 = arith.constant 0 : i32
        %dma_wait3A_216 = tpu.memref_slice %arg4[%dma_wait3A_215, %add3A_207] : memref<20x1048576xf32, #tpu.memory_space<hbm>> -> memref<20x2048xf32, #tpu.memory_space<hbm>>
        %dma_wait3A_217 = arith.constant 0 : i32
        %dma_wait3A_218 = arith.constant 0 : i32
        %dma_wait3A_219 = tpu.memref_slice %arg7[%dma_wait3A_208, %dma_wait3A_217, %dma_wait3A_218] : memref<2x20x2048xf32, #tpu.memory_space<vmem>> -> memref<1x20x2048xf32, #tpu.memory_space<vmem>>
        %dma_wait3A_220 = tpu.memref_squeeze %dma_wait3A_219 : memref<1x20x2048xf32, #tpu.memory_space<vmem>> -> memref<20x2048xf32, #tpu.memory_space<vmem>>
        tpu.wait_dma2 semaphore(%arg9 : memref<!tpu.dma_semaphore, #tpu.memory_space<semaphore_mem>>) src(%dma_wait3A_220 : memref<20x2048xf32, #tpu.memory_space<vmem>>) dst(%dma_wait3A_216 : memref<20x2048xf32, #tpu.memory_space<hbm>>)
      } else {
      }
      %scan3A_132 = arith.constant 0 : i32
      %scan3A_133 = arith.constant 0 : i32
      %scan3A_134 = arith.constant 128 : i32
      %scan3A_135 = arith.addi %scan3A_133, %scan3A_134 : i32
      %scan3A_136 = arith.constant 2 : i32
      scf.for %scan3A_204 = %scan3A_133 to %scan3A_135 step %scan3A_136  : i32 {
        %mul3A_205 = arith.constant 16 : i32
        %mul3A_206 = arith.muli %scan3A_204, %mul3A_205 : i32
        %get3A = arith.constant 0 : i32
        %get3A_207 = arith.index_cast %get3A : i32 to index
        %get3A_208 = arith.index_cast %mul3A_206 : i32 to index
        %get3A_209 = tpu.vector_load %arg6[%get3A_207, %get3A_208] {strides = array<i32>} : memref<2x2048xi32, #tpu.memory_space<vmem>>, vector<16xi32>,
        %broadcast_in_dim3A_210 = arith.constant 0 : i32
        %broadcast_in_dim3A_211 = vector.broadcast %broadcast_in_dim3A_210 : i32 to vector<16xi32>
        %ge3A_212 = arith.constant 1 : i32
        %ge3A_213 = vector.broadcast %ge3A_212 : i32 to vector<16xi32>
        %ge3A_214 = arith.cmpi sge, %get3A_209, %ge3A_213 : vector<16xi32>
        %jit3A = arith.constant 1 : i32
        %jit3A_215 = arith.constant 0 : i32
        %broadcast_in_dim3A_216 = vector.broadcast %jit3A : i32 to vector<16xi32>
        %broadcast_in_dim3A_217 = vector.broadcast %jit3A_215 : i32 to vector<16xi32>
        %select_n3A = arith.select %ge3A_214, %broadcast_in_dim3A_216, %broadcast_in_dim3A_217 : vector<16xi1>, vector<16xi32>
        %add3A_218 = arith.addi %broadcast_in_dim3A_211, %select_n3A : vector<16xi32>
        %ge3A_219 = arith.constant 2 : i32
        %ge3A_220 = vector.broadcast %ge3A_219 : i32 to vector<16xi32>
        %ge3A_221 = arith.cmpi sge, %get3A_209, %ge3A_220 : vector<16xi32>
        %jit3A_222 = arith.constant 1 : i32
        %jit3A_223 = arith.constant 0 : i32
        %broadcast_in_dim3A_224 = vector.broadcast %jit3A_222 : i32 to vector<16xi32>
        %broadcast_in_dim3A_225 = vector.broadcast %jit3A_223 : i32 to vector<16xi32>
        %select_n3A_226 = arith.select %ge3A_221, %broadcast_in_dim3A_224, %broadcast_in_dim3A_225 : vector<16xi1>, vector<16xi32>
        %add3A_227 = arith.addi %add3A_218, %select_n3A_226 : vector<16xi32>
        %ge3A_228 = arith.constant 3 : i32
        %ge3A_229 = vector.broadcast %ge3A_228 : i32 to vector<16xi32>
        %ge3A_230 = arith.cmpi sge, %get3A_209, %ge3A_229 : vector<16xi32>
        %jit3A_231 = arith.constant 1 : i32
        %jit3A_232 = arith.constant 0 : i32
        %broadcast_in_dim3A_233 = vector.broadcast %jit3A_231 : i32 to vector<16xi32>
        %broadcast_in_dim3A_234 = vector.broadcast %jit3A_232 : i32 to vector<16xi32>
        %select_n3A_235 = arith.select %ge3A_230, %broadcast_in_dim3A_233, %broadcast_in_dim3A_234 : vector<16xi1>, vector<16xi32>
        %add3A_236 = arith.addi %add3A_227, %select_n3A_235 : vector<16xi32>
        %ge3A_237 = arith.constant 4 : i32
        %ge3A_238 = vector.broadcast %ge3A_237 : i32 to vector<16xi32>
        %ge3A_239 = arith.cmpi sge, %get3A_209, %ge3A_238 : vector<16xi32>
        %jit3A_240 = arith.constant 1 : i32
        %jit3A_241 = arith.constant 0 : i32
        %broadcast_in_dim3A_242 = vector.broadcast %jit3A_240 : i32 to vector<16xi32>
        %broadcast_in_dim3A_243 = vector.broadcast %jit3A_241 : i32 to vector<16xi32>
        %select_n3A_244 = arith.select %ge3A_239, %broadcast_in_dim3A_242, %broadcast_in_dim3A_243 : vector<16xi1>, vector<16xi32>
        %add3A_245 = arith.addi %add3A_236, %select_n3A_244 : vector<16xi32>
        %ge3A_246 = arith.constant 8 : i32
        %ge3A_247 = vector.broadcast %ge3A_246 : i32 to vector<16xi32>
        %ge3A_248 = arith.cmpi sge, %get3A_209, %ge3A_247 : vector<16xi32>
        %jit3A_249 = arith.constant 1 : i32
        %jit3A_250 = arith.constant 0 : i32
        %broadcast_in_dim3A_251 = vector.broadcast %jit3A_249 : i32 to vector<16xi32>
        %broadcast_in_dim3A_252 = vector.broadcast %jit3A_250 : i32 to vector<16xi32>
        %select_n3A_253 = arith.select %ge3A_248, %broadcast_in_dim3A_251, %broadcast_in_dim3A_252 : vector<16xi1>, vector<16xi32>
        %add3A_254 = arith.addi %add3A_245, %select_n3A_253 : vector<16xi32>
        %ge3A_255 = arith.constant 16 : i32
        %ge3A_256 = vector.broadcast %ge3A_255 : i32 to vector<16xi32>
        %ge3A_257 = arith.cmpi sge, %get3A_209, %ge3A_256 : vector<16xi32>
        %jit3A_258 = arith.constant 1 : i32
        %jit3A_259 = arith.constant 0 : i32
        %broadcast_in_dim3A_260 = vector.broadcast %jit3A_258 : i32 to vector<16xi32>
        %broadcast_in_dim3A_261 = vector.broadcast %jit3A_259 : i32 to vector<16xi32>
        %select_n3A_262 = arith.select %ge3A_257, %broadcast_in_dim3A_260, %broadcast_in_dim3A_261 : vector<16xi1>, vector<16xi32>
        %add3A_263 = arith.addi %add3A_254, %select_n3A_262 : vector<16xi32>
        %ge3A_264 = arith.constant 32 : i32
        %ge3A_265 = vector.broadcast %ge3A_264 : i32 to vector<16xi32>
        %ge3A_266 = arith.cmpi sge, %get3A_209, %ge3A_265 : vector<16xi32>
        %jit3A_267 = arith.constant 1 : i32
        %jit3A_268 = arith.constant 0 : i32
        %broadcast_in_dim3A_269 = vector.broadcast %jit3A_267 : i32 to vector<16xi32>
        %broadcast_in_dim3A_270 = vector.broadcast %jit3A_268 : i32 to vector<16xi32>
        %select_n3A_271 = arith.select %ge3A_266, %broadcast_in_dim3A_269, %broadcast_in_dim3A_270 : vector<16xi1>, vector<16xi32>
        %add3A_272 = arith.addi %add3A_263, %select_n3A_271 : vector<16xi32>
        %ge3A_273 = arith.constant 64 : i32
        %ge3A_274 = vector.broadcast %ge3A_273 : i32 to vector<16xi32>
        %ge3A_275 = arith.cmpi sge, %get3A_209, %ge3A_274 : vector<16xi32>
        %jit3A_276 = arith.constant 1 : i32
        %jit3A_277 = arith.constant 0 : i32
        %broadcast_in_dim3A_278 = vector.broadcast %jit3A_276 : i32 to vector<16xi32>
        %broadcast_in_dim3A_279 = vector.broadcast %jit3A_277 : i32 to vector<16xi32>
        %select_n3A_280 = arith.select %ge3A_275, %broadcast_in_dim3A_278, %broadcast_in_dim3A_279 : vector<16xi1>, vector<16xi32>
        %add3A_281 = arith.addi %add3A_272, %select_n3A_280 : vector<16xi32>
        %lt3A_282 = arith.constant 0 : i32
        %lt3A_283 = vector.broadcast %lt3A_282 : i32 to vector<16xi32>
        %lt3A_284 = arith.cmpi slt, %add3A_281, %lt3A_283 : vector<16xi32>
        %add3A_285 = arith.constant 16 : i32
        %add3A_286 = vector.broadcast %add3A_285 : i32 to vector<16xi32>
        %add3A_287 = arith.addi %add3A_281, %add3A_286 : vector<16xi32>
        %select_n3A_288 = arith.select %lt3A_284, %add3A_287, %add3A_281 : vector<16xi1>, vector<16xi32>
        %broadcast_in_dim3A_289 = vector.shape_cast %select_n3A_288 : vector<16xi32> to vector<16x1xi32>
        %gather3A_290 = vector.shape_cast %broadcast_in_dim3A_289 : vector<16x1xi32> to vector<16xi32>
        %gather3A_291 = tpu.dynamic_gather %gather3A[%gather3A_290] in [0] : vector<16xf32>, vector<16xi32> -> vector<16xf32>
        %mul3A_292 = arith.constant 16 : i32
        %mul3A_293 = arith.muli %scan3A_204, %mul3A_292 : i32
        %swap3A = arith.constant 0 : i32
        %swap3A_294 = arith.constant 0 : i32
        %swap3A_295 = arith.index_cast %swap3A : i32 to index
        %swap3A_296 = arith.index_cast %swap3A_294 : i32 to index
        %swap3A_297 = arith.index_cast %mul3A_293 : i32 to index
        %swap3A_298 = tpu.vector_load %arg7[%swap3A_295, %swap3A_296, %swap3A_297] {strides = array<i32>} : memref<2x20x2048xf32, #tpu.memory_space<vmem>>, vector<16xf32>,
        tpu.vector_store %arg7[%swap3A_295, %swap3A_296, %swap3A_297], %gather3A_291 {strides = array<i32>} : memref<2x20x2048xf32, #tpu.memory_space<vmem>>, vector<16xf32>,
        %lt3A_299 = arith.constant 0 : i32
        %lt3A_300 = vector.broadcast %lt3A_299 : i32 to vector<16xi32>
        %lt3A_301 = arith.cmpi slt, %add3A_281, %lt3A_300 : vector<16xi32>
        %add3A_302 = arith.constant 16 : i32
        %add3A_303 = vector.broadcast %add3A_302 : i32 to vector<16xi32>
        %add3A_304 = arith.addi %add3A_281, %add3A_303 : vector<16xi32>
        %select_n3A_305 = arith.select %lt3A_301, %add3A_304, %add3A_281 : vector<16xi1>, vector<16xi32>
        %broadcast_in_dim3A_306 = vector.shape_cast %select_n3A_305 : vector<16xi32> to vector<16x1xi32>
        %gather3A_307 = vector.shape_cast %broadcast_in_dim3A_306 : vector<16x1xi32> to vector<16xi32>
        %gather3A_308 = tpu.dynamic_gather %gather3A_8[%gather3A_307] in [0] : vector<16xf32>, vector<16xi32> -> vector<16xf32>
        %mul3A_309 = arith.constant 16 : i32
        %mul3A_310 = arith.muli %scan3A_204, %mul3A_309 : i32
        %swap3A_311 = arith.constant 0 : i32
        %swap3A_312 = arith.constant 1 : i32
        %swap3A_313 = arith.index_cast %swap3A_311 : i32 to index
        %swap3A_314 = arith.index_cast %swap3A_312 : i32 to index
        %swap3A_315 = arith.index_cast %mul3A_310 : i32 to index
        %swap3A_316 = tpu.vector_load %arg7[%swap3A_313, %swap3A_314, %swap3A_315] {strides = array<i32>} : memref<2x20x2048xf32, #tpu.memory_space<vmem>>, vector<16xf32>,
        tpu.vector_store %arg7[%swap3A_313, %swap3A_314, %swap3A_315], %gather3A_308 {strides = array<i32>} : memref<2x20x2048xf32, #tpu.memory_space<vmem>>, vector<16xf32>,
        %lt3A_317 = arith.constant 0 : i32
        %lt3A_318 = vector.broadcast %lt3A_317 : i32 to vector<16xi32>
        %lt3A_319 = arith.cmpi slt, %add3A_281, %lt3A_318 : vector<16xi32>
        %add3A_320 = arith.constant 16 : i32
        %add3A_321 = vector.broadcast %add3A_320 : i32 to vector<16xi32>
        %add3A_322 = arith.addi %add3A_281, %add3A_321 : vector<16xi32>
        %select_n3A_323 = arith.select %lt3A_319, %add3A_322, %add3A_281 : vector<16xi1>, vector<16xi32>
        %broadcast_in_dim3A_324 = vector.shape_cast %select_n3A_323 : vector<16xi32> to vector<16x1xi32>
        %gather3A_325 = vector.shape_cast %broadcast_in_dim3A_324 : vector<16x1xi32> to vector<16xi32>
        %gather3A_326 = tpu.dynamic_gather %gather3A_11[%gather3A_325] in [0] : vector<16xf32>, vector<16xi32> -> vector<16xf32>
        %mul3A_327 = arith.constant 16 : i32
        %mul3A_328 = arith.muli %scan3A_204, %mul3A_327 : i32
        %swap3A_329 = arith.constant 0 : i32
        %swap3A_330 = arith.constant 2 : i32
        %swap3A_331 = arith.index_cast %swap3A_329 : i32 to index
        %swap3A_332 = arith.index_cast %swap3A_330 : i32 to index
        %swap3A_333 = arith.index_cast %mul3A_328 : i32 to index
        %swap3A_334 = tpu.vector_load %arg7[%swap3A_331, %swap3A_332, %swap3A_333] {strides = array<i32>} : memref<2x20x2048xf32, #tpu.memory_space<vmem>>, vector<16xf32>,
        tpu.vector_store %arg7[%swap3A_331, %swap3A_332, %swap3A_333], %gather3A_326 {strides = array<i32>} : memref<2x20x2048xf32, #tpu.memory_space<vmem>>, vector<16xf32>,
        %lt3A_335 = arith.constant 0 : i32
        %lt3A_336 = vector.broadcast %lt3A_335 : i32 to vector<16xi32>
        %lt3A_337 = arith.cmpi slt, %add3A_281, %lt3A_336 : vector<16xi32>
        %add3A_338 = arith.constant 16 : i32
        %add3A_339 = vector.broadcast %add3A_338 : i32 to vector<16xi32>
        %add3A_340 = arith.addi %add3A_281, %add3A_339 : vector<16xi32>
        %select_n3A_341 = arith.select %lt3A_337, %add3A_340, %add3A_281 : vector<16xi1>, vector<16xi32>
        %broadcast_in_dim3A_342 = vector.shape_cast %select_n3A_341 : vector<16xi32> to vector<16x1xi32>
        %gather3A_343 = vector.shape_cast %broadcast_in_dim3A_342 : vector<16x1xi32> to vector<16xi32>
        %gather3A_344 = tpu.dynamic_gather %gather3A_14[%gather3A_343] in [0] : vector<16xf32>, vector<16xi32> -> vector<16xf32>
        %mul3A_345 = arith.constant 16 : i32
        %mul3A_346 = arith.muli %scan3A_204, %mul3A_345 : i32
        %swap3A_347 = arith.constant 0 : i32
        %swap3A_348 = arith.constant 3 : i32
        %swap3A_349 = arith.index_cast %swap3A_347 : i32 to index
        %swap3A_350 = arith.index_cast %swap3A_348 : i32 to index
        %swap3A_351 = arith.index_cast %mul3A_346 : i32 to index
        %swap3A_352 = tpu.vector_load %arg7[%swap3A_349, %swap3A_350, %swap3A_351] {strides = array<i32>} : memref<2x20x2048xf32, #tpu.memory_space<vmem>>, vector<16xf32>,
        tpu.vector_store %arg7[%swap3A_349, %swap3A_350, %swap3A_351], %gather3A_344 {strides = array<i32>} : memref<2x20x2048xf32, #tpu.memory_space<vmem>>, vector<16xf32>,
        %lt3A_353 = arith.constant 0 : i32
        %lt3A_354 = vector.broadcast %lt3A_353 : i32 to vector<16xi32>
        %lt3A_355 = arith.cmpi slt, %add3A_281, %lt3A_354 : vector<16xi32>
        %add3A_356 = arith.constant 16 : i32
        %add3A_357 = vector.broadcast %add3A_356 : i32 to vector<16xi32>
        %add3A_358 = arith.addi %add3A_281, %add3A_357 : vector<16xi32>
        %select_n3A_359 = arith.select %lt3A_355, %add3A_358, %add3A_281 : vector<16xi1>, vector<16xi32>
        %broadcast_in_dim3A_360 = vector.shape_cast %select_n3A_359 : vector<16xi32> to vector<16x1xi32>
        %gather3A_361 = vector.shape_cast %broadcast_in_dim3A_360 : vector<16x1xi32> to vector<16xi32>
        %gather3A_362 = tpu.dynamic_gather %gather3A_17[%gather3A_361] in [0] : vector<16xf32>, vector<16xi32> -> vector<16xf32>
        %mul3A_363 = arith.constant 16 : i32
        %mul3A_364 = arith.muli %scan3A_204, %mul3A_363 : i32
        %swap3A_365 = arith.constant 0 : i32
        %swap3A_366 = arith.constant 4 : i32
        %swap3A_367 = arith.index_cast %swap3A_365 : i32 to index
        %swap3A_368 = arith.index_cast %swap3A_366 : i32 to index
        %swap3A_369 = arith.index_cast %mul3A_364 : i32 to index
        %swap3A_370 = tpu.vector_load %arg7[%swap3A_367, %swap3A_368, %swap3A_369] {strides = array<i32>} : memref<2x20x2048xf32, #tpu.memory_space<vmem>>, vector<16xf32>,
        tpu.vector_store %arg7[%swap3A_367, %swap3A_368, %swap3A_369], %gather3A_362 {strides = array<i32>} : memref<2x20x2048xf32, #tpu.memory_space<vmem>>, vector<16xf32>,
        %lt3A_371 = arith.constant 0 : i32
        %lt3A_372 = vector.broadcast %lt3A_371 : i32 to vector<16xi32>
        %lt3A_373 = arith.cmpi slt, %add3A_281, %lt3A_372 : vector<16xi32>
        %add3A_374 = arith.constant 16 : i32
        %add3A_375 = vector.broadcast %add3A_374 : i32 to vector<16xi32>
        %add3A_376 = arith.addi %add3A_281, %add3A_375 : vector<16xi32>
        %select_n3A_377 = arith.select %lt3A_373, %add3A_376, %add3A_281 : vector<16xi1>, vector<16xi32>
        %broadcast_in_dim3A_378 = vector.shape_cast %select_n3A_377 : vector<16xi32> to vector<16x1xi32>
        %gather3A_379 = vector.shape_cast %broadcast_in_dim3A_378 : vector<16x1xi32> to vector<16xi32>
        %gather3A_380 = tpu.dynamic_gather %gather3A_20[%gather3A_379] in [0] : vector<16xf32>, vector<16xi32> -> vector<16xf32>
        %mul3A_381 = arith.constant 16 : i32
        %mul3A_382 = arith.muli %scan3A_204, %mul3A_381 : i32
        %swap3A_383 = arith.constant 0 : i32
        %swap3A_384 = arith.constant 5 : i32
        %swap3A_385 = arith.index_cast %swap3A_383 : i32 to index
        %swap3A_386 = arith.index_cast %swap3A_384 : i32 to index
        %swap3A_387 = arith.index_cast %mul3A_382 : i32 to index
        %swap3A_388 = tpu.vector_load %arg7[%swap3A_385, %swap3A_386, %swap3A_387] {strides = array<i32>} : memref<2x20x2048xf32, #tpu.memory_space<vmem>>, vector<16xf32>,
        tpu.vector_store %arg7[%swap3A_385, %swap3A_386, %swap3A_387], %gather3A_380 {strides = array<i32>} : memref<2x20x2048xf32, #tpu.memory_space<vmem>>, vector<16xf32>,
        %lt3A_389 = arith.constant 0 : i32
        %lt3A_390 = vector.broadcast %lt3A_389 : i32 to vector<16xi32>
        %lt3A_391 = arith.cmpi slt, %add3A_281, %lt3A_390 : vector<16xi32>
        %add3A_392 = arith.constant 16 : i32
        %add3A_393 = vector.broadcast %add3A_392 : i32 to vector<16xi32>
        %add3A_394 = arith.addi %add3A_281, %add3A_393 : vector<16xi32>
        %select_n3A_395 = arith.select %lt3A_391, %add3A_394, %add3A_281 : vector<16xi1>, vector<16xi32>
        %broadcast_in_dim3A_396 = vector.shape_cast %select_n3A_395 : vector<16xi32> to vector<16x1xi32>
        %gather3A_397 = vector.shape_cast %broadcast_in_dim3A_396 : vector<16x1xi32> to vector<16xi32>
        %gather3A_398 = tpu.dynamic_gather %gather3A_23[%gather3A_397] in [0] : vector<16xf32>, vector<16xi32> -> vector<16xf32>
        %mul3A_399 = arith.constant 16 : i32
        %mul3A_400 = arith.muli %scan3A_204, %mul3A_399 : i32
        %swap3A_401 = arith.constant 0 : i32
        %swap3A_402 = arith.constant 6 : i32
        %swap3A_403 = arith.index_cast %swap3A_401 : i32 to index
        %swap3A_404 = arith.index_cast %swap3A_402 : i32 to index
        %swap3A_405 = arith.index_cast %mul3A_400 : i32 to index
        %swap3A_406 = tpu.vector_load %arg7[%swap3A_403, %swap3A_404, %swap3A_405] {strides = array<i32>} : memref<2x20x2048xf32, #tpu.memory_space<vmem>>, vector<16xf32>,
        tpu.vector_store %arg7[%swap3A_403, %swap3A_404, %swap3A_405], %gather3A_398 {strides = array<i32>} : memref<2x20x2048xf32, #tpu.memory_space<vmem>>, vector<16xf32>,
        %lt3A_407 = arith.constant 0 : i32
        %lt3A_408 = vector.broadcast %lt3A_407 : i32 to vector<16xi32>
        %lt3A_409 = arith.cmpi slt, %add3A_281, %lt3A_408 : vector<16xi32>
        %add3A_410 = arith.constant 16 : i32
        %add3A_411 = vector.broadcast %add3A_410 : i32 to vector<16xi32>
        %add3A_412 = arith.addi %add3A_281, %add3A_411 : vector<16xi32>
        %select_n3A_413 = arith.select %lt3A_409, %add3A_412, %add3A_281 : vector<16xi1>, vector<16xi32>
        %broadcast_in_dim3A_414 = vector.shape_cast %select_n3A_413 : vector<16xi32> to vector<16x1xi32>
        %gather3A_415 = vector.shape_cast %broadcast_in_dim3A_414 : vector<16x1xi32> to vector<16xi32>
        %gather3A_416 = tpu.dynamic_gather %gather3A_26[%gather3A_415] in [0] : vector<16xf32>, vector<16xi32> -> vector<16xf32>
        %mul3A_417 = arith.constant 16 : i32
        %mul3A_418 = arith.muli %scan3A_204, %mul3A_417 : i32
        %swap3A_419 = arith.constant 0 : i32
        %swap3A_420 = arith.constant 7 : i32
        %swap3A_421 = arith.index_cast %swap3A_419 : i32 to index
        %swap3A_422 = arith.index_cast %swap3A_420 : i32 to index
        %swap3A_423 = arith.index_cast %mul3A_418 : i32 to index
        %swap3A_424 = tpu.vector_load %arg7[%swap3A_421, %swap3A_422, %swap3A_423] {strides = array<i32>} : memref<2x20x2048xf32, #tpu.memory_space<vmem>>, vector<16xf32>,
        tpu.vector_store %arg7[%swap3A_421, %swap3A_422, %swap3A_423], %gather3A_416 {strides = array<i32>} : memref<2x20x2048xf32, #tpu.memory_space<vmem>>, vector<16xf32>,
        %lt3A_425 = arith.constant 0 : i32
        %lt3A_426 = vector.broadcast %lt3A_425 : i32 to vector<16xi32>
        %lt3A_427 = arith.cmpi slt, %add3A_281, %lt3A_426 : vector<16xi32>
        %add3A_428 = arith.constant 16 : i32
        %add3A_429 = vector.broadcast %add3A_428 : i32 to vector<16xi32>
        %add3A_430 = arith.addi %add3A_281, %add3A_429 : vector<16xi32>
        %select_n3A_431 = arith.select %lt3A_427, %add3A_430, %add3A_281 : vector<16xi1>, vector<16xi32>
        %broadcast_in_dim3A_432 = vector.shape_cast %select_n3A_431 : vector<16xi32> to vector<16x1xi32>
        %gather3A_433 = vector.shape_cast %broadcast_in_dim3A_432 : vector<16x1xi32> to vector<16xi32>
        %gather3A_434 = tpu.dynamic_gather %gather3A_29[%gather3A_433] in [0] : vector<16xf32>, vector<16xi32> -> vector<16xf32>
        %mul3A_435 = arith.constant 16 : i32
        %mul3A_436 = arith.muli %scan3A_204, %mul3A_435 : i32
        %swap3A_437 = arith.constant 0 : i32
        %swap3A_438 = arith.constant 8 : i32
        %swap3A_439 = arith.index_cast %swap3A_437 : i32 to index
        %swap3A_440 = arith.index_cast %swap3A_438 : i32 to index
        %swap3A_441 = arith.index_cast %mul3A_436 : i32 to index
        %swap3A_442 = tpu.vector_load %arg7[%swap3A_439, %swap3A_440, %swap3A_441] {strides = array<i32>} : memref<2x20x2048xf32, #tpu.memory_space<vmem>>, vector<16xf32>,
        tpu.vector_store %arg7[%swap3A_439, %swap3A_440, %swap3A_441], %gather3A_434 {strides = array<i32>} : memref<2x20x2048xf32, #tpu.memory_space<vmem>>, vector<16xf32>,
        %lt3A_443 = arith.constant 0 : i32
        %lt3A_444 = vector.broadcast %lt3A_443 : i32 to vector<16xi32>
        %lt3A_445 = arith.cmpi slt, %add3A_281, %lt3A_444 : vector<16xi32>
        %add3A_446 = arith.constant 16 : i32
        %add3A_447 = vector.broadcast %add3A_446 : i32 to vector<16xi32>
        %add3A_448 = arith.addi %add3A_281, %add3A_447 : vector<16xi32>
        %select_n3A_449 = arith.select %lt3A_445, %add3A_448, %add3A_281 : vector<16xi1>, vector<16xi32>
        %broadcast_in_dim3A_450 = vector.shape_cast %select_n3A_449 : vector<16xi32> to vector<16x1xi32>
        %gather3A_451 = vector.shape_cast %broadcast_in_dim3A_450 : vector<16x1xi32> to vector<16xi32>
        %gather3A_452 = tpu.dynamic_gather %gather3A_32[%gather3A_451] in [0] : vector<16xf32>, vector<16xi32> -> vector<16xf32>
        %mul3A_453 = arith.constant 16 : i32
        %mul3A_454 = arith.muli %scan3A_204, %mul3A_453 : i32
        %swap3A_455 = arith.constant 0 : i32
        %swap3A_456 = arith.constant 9 : i32
        %swap3A_457 = arith.index_cast %swap3A_455 : i32 to index
        %swap3A_458 = arith.index_cast %swap3A_456 : i32 to index
        %swap3A_459 = arith.index_cast %mul3A_454 : i32 to index
        %swap3A_460 = tpu.vector_load %arg7[%swap3A_457, %swap3A_458, %swap3A_459] {strides = array<i32>} : memref<2x20x2048xf32, #tpu.memory_space<vmem>>, vector<16xf32>,
        tpu.vector_store %arg7[%swap3A_457, %swap3A_458, %swap3A_459], %gather3A_452 {strides = array<i32>} : memref<2x20x2048xf32, #tpu.memory_space<vmem>>, vector<16xf32>,
        %lt3A_461 = arith.constant 0 : i32
        %lt3A_462 = vector.broadcast %lt3A_461 : i32 to vector<16xi32>
        %lt3A_463 = arith.cmpi slt, %add3A_281, %lt3A_462 : vector<16xi32>
        %add3A_464 = arith.constant 16 : i32
        %add3A_465 = vector.broadcast %add3A_464 : i32 to vector<16xi32>
        %add3A_466 = arith.addi %add3A_281, %add3A_465 : vector<16xi32>
        %select_n3A_467 = arith.select %lt3A_463, %add3A_466, %add3A_281 : vector<16xi1>, vector<16xi32>
        %broadcast_in_dim3A_468 = vector.shape_cast %select_n3A_467 : vector<16xi32> to vector<16x1xi32>
        %gather3A_469 = vector.shape_cast %broadcast_in_dim3A_468 : vector<16x1xi32> to vector<16xi32>
        %gather3A_470 = tpu.dynamic_gather %gather3A_35[%gather3A_469] in [0] : vector<16xf32>, vector<16xi32> -> vector<16xf32>
        %mul3A_471 = arith.constant 16 : i32
        %mul3A_472 = arith.muli %scan3A_204, %mul3A_471 : i32
        %swap3A_473 = arith.constant 0 : i32
        %swap3A_474 = arith.constant 10 : i32
        %swap3A_475 = arith.index_cast %swap3A_473 : i32 to index
        %swap3A_476 = arith.index_cast %swap3A_474 : i32 to index
        %swap3A_477 = arith.index_cast %mul3A_472 : i32 to index
        %swap3A_478 = tpu.vector_load %arg7[%swap3A_475, %swap3A_476, %swap3A_477] {strides = array<i32>} : memref<2x20x2048xf32, #tpu.memory_space<vmem>>, vector<16xf32>,
        tpu.vector_store %arg7[%swap3A_475, %swap3A_476, %swap3A_477], %gather3A_470 {strides = array<i32>} : memref<2x20x2048xf32, #tpu.memory_space<vmem>>, vector<16xf32>,
        %lt3A_479 = arith.constant 0 : i32
        %lt3A_480 = vector.broadcast %lt3A_479 : i32 to vector<16xi32>
        %lt3A_481 = arith.cmpi slt, %add3A_281, %lt3A_480 : vector<16xi32>
        %add3A_482 = arith.constant 16 : i32
        %add3A_483 = vector.broadcast %add3A_482 : i32 to vector<16xi32>
        %add3A_484 = arith.addi %add3A_281, %add3A_483 : vector<16xi32>
        %select_n3A_485 = arith.select %lt3A_481, %add3A_484, %add3A_281 : vector<16xi1>, vector<16xi32>
        %broadcast_in_dim3A_486 = vector.shape_cast %select_n3A_485 : vector<16xi32> to vector<16x1xi32>
        %gather3A_487 = vector.shape_cast %broadcast_in_dim3A_486 : vector<16x1xi32> to vector<16xi32>
        %gather3A_488 = tpu.dynamic_gather %gather3A_38[%gather3A_487] in [0] : vector<16xf32>, vector<16xi32> -> vector<16xf32>
        %mul3A_489 = arith.constant 16 : i32
        %mul3A_490 = arith.muli %scan3A_204, %mul3A_489 : i32
        %swap3A_491 = arith.constant 0 : i32
        %swap3A_492 = arith.constant 11 : i32
        %swap3A_493 = arith.index_cast %swap3A_491 : i32 to index
        %swap3A_494 = arith.index_cast %swap3A_492 : i32 to index
        %swap3A_495 = arith.index_cast %mul3A_490 : i32 to index
        %swap3A_496 = tpu.vector_load %arg7[%swap3A_493, %swap3A_494, %swap3A_495] {strides = array<i32>} : memref<2x20x2048xf32, #tpu.memory_space<vmem>>, vector<16xf32>,
        tpu.vector_store %arg7[%swap3A_493, %swap3A_494, %swap3A_495], %gather3A_488 {strides = array<i32>} : memref<2x20x2048xf32, #tpu.memory_space<vmem>>, vector<16xf32>,
        %lt3A_497 = arith.constant 0 : i32
        %lt3A_498 = vector.broadcast %lt3A_497 : i32 to vector<16xi32>
        %lt3A_499 = arith.cmpi slt, %add3A_281, %lt3A_498 : vector<16xi32>
        %add3A_500 = arith.constant 16 : i32
        %add3A_501 = vector.broadcast %add3A_500 : i32 to vector<16xi32>
        %add3A_502 = arith.addi %add3A_281, %add3A_501 : vector<16xi32>
        %select_n3A_503 = arith.select %lt3A_499, %add3A_502, %add3A_281 : vector<16xi1>, vector<16xi32>
        %broadcast_in_dim3A_504 = vector.shape_cast %select_n3A_503 : vector<16xi32> to vector<16x1xi32>
        %gather3A_505 = vector.shape_cast %broadcast_in_dim3A_504 : vector<16x1xi32> to vector<16xi32>
        %gather3A_506 = tpu.dynamic_gather %gather3A_41[%gather3A_505] in [0] : vector<16xf32>, vector<16xi32> -> vector<16xf32>
        %mul3A_507 = arith.constant 16 : i32
        %mul3A_508 = arith.muli %scan3A_204, %mul3A_507 : i32
        %swap3A_509 = arith.constant 0 : i32
        %swap3A_510 = arith.constant 12 : i32
        %swap3A_511 = arith.index_cast %swap3A_509 : i32 to index
        %swap3A_512 = arith.index_cast %swap3A_510 : i32 to index
        %swap3A_513 = arith.index_cast %mul3A_508 : i32 to index
        %swap3A_514 = tpu.vector_load %arg7[%swap3A_511, %swap3A_512, %swap3A_513] {strides = array<i32>} : memref<2x20x2048xf32, #tpu.memory_space<vmem>>, vector<16xf32>,
        tpu.vector_store %arg7[%swap3A_511, %swap3A_512, %swap3A_513], %gather3A_506 {strides = array<i32>} : memref<2x20x2048xf32, #tpu.memory_space<vmem>>, vector<16xf32>,
        %lt3A_515 = arith.constant 0 : i32
        %lt3A_516 = vector.broadcast %lt3A_515 : i32 to vector<16xi32>
        %lt3A_517 = arith.cmpi slt, %add3A_281, %lt3A_516 : vector<16xi32>
        %add3A_518 = arith.constant 16 : i32
        %add3A_519 = vector.broadcast %add3A_518 : i32 to vector<16xi32>
        %add3A_520 = arith.addi %add3A_281, %add3A_519 : vector<16xi32>
        %select_n3A_521 = arith.select %lt3A_517, %add3A_520, %add3A_281 : vector<16xi1>, vector<16xi32>
        %broadcast_in_dim3A_522 = vector.shape_cast %select_n3A_521 : vector<16xi32> to vector<16x1xi32>
        %gather3A_523 = vector.shape_cast %broadcast_in_dim3A_522 : vector<16x1xi32> to vector<16xi32>
        %gather3A_524 = tpu.dynamic_gather %gather3A_44[%gather3A_523] in [0] : vector<16xf32>, vector<16xi32> -> vector<16xf32>
        %mul3A_525 = arith.constant 16 : i32
        %mul3A_526 = arith.muli %scan3A_204, %mul3A_525 : i32
        %swap3A_527 = arith.constant 0 : i32
        %swap3A_528 = arith.constant 13 : i32
        %swap3A_529 = arith.index_cast %swap3A_527 : i32 to index
        %swap3A_530 = arith.index_cast %swap3A_528 : i32 to index
        %swap3A_531 = arith.index_cast %mul3A_526 : i32 to index
        %swap3A_532 = tpu.vector_load %arg7[%swap3A_529, %swap3A_530, %swap3A_531] {strides = array<i32>} : memref<2x20x2048xf32, #tpu.memory_space<vmem>>, vector<16xf32>,
        tpu.vector_store %arg7[%swap3A_529, %swap3A_530, %swap3A_531], %gather3A_524 {strides = array<i32>} : memref<2x20x2048xf32, #tpu.memory_space<vmem>>, vector<16xf32>,
        %lt3A_533 = arith.constant 0 : i32
        %lt3A_534 = vector.broadcast %lt3A_533 : i32 to vector<16xi32>
        %lt3A_535 = arith.cmpi slt, %add3A_281, %lt3A_534 : vector<16xi32>
        %add3A_536 = arith.constant 16 : i32
        %add3A_537 = vector.broadcast %add3A_536 : i32 to vector<16xi32>
        %add3A_538 = arith.addi %add3A_281, %add3A_537 : vector<16xi32>
        %select_n3A_539 = arith.select %lt3A_535, %add3A_538, %add3A_281 : vector<16xi1>, vector<16xi32>
        %broadcast_in_dim3A_540 = vector.shape_cast %select_n3A_539 : vector<16xi32> to vector<16x1xi32>
        %gather3A_541 = vector.shape_cast %broadcast_in_dim3A_540 : vector<16x1xi32> to vector<16xi32>
        %gather3A_542 = tpu.dynamic_gather %gather3A_47[%gather3A_541] in [0] : vector<16xf32>, vector<16xi32> -> vector<16xf32>
        %mul3A_543 = arith.constant 16 : i32
        %mul3A_544 = arith.muli %scan3A_204, %mul3A_543 : i32
        %swap3A_545 = arith.constant 0 : i32
        %swap3A_546 = arith.constant 14 : i32
        %swap3A_547 = arith.index_cast %swap3A_545 : i32 to index
        %swap3A_548 = arith.index_cast %swap3A_546 : i32 to index
        %swap3A_549 = arith.index_cast %mul3A_544 : i32 to index
        %swap3A_550 = tpu.vector_load %arg7[%swap3A_547, %swap3A_548, %swap3A_549] {strides = array<i32>} : memref<2x20x2048xf32, #tpu.memory_space<vmem>>, vector<16xf32>,
        tpu.vector_store %arg7[%swap3A_547, %swap3A_548, %swap3A_549], %gather3A_542 {strides = array<i32>} : memref<2x20x2048xf32, #tpu.memory_space<vmem>>, vector<16xf32>,
        %lt3A_551 = arith.constant 0 : i32
        %lt3A_552 = vector.broadcast %lt3A_551 : i32 to vector<16xi32>
        %lt3A_553 = arith.cmpi slt, %add3A_281, %lt3A_552 : vector<16xi32>
        %add3A_554 = arith.constant 16 : i32
        %add3A_555 = vector.broadcast %add3A_554 : i32 to vector<16xi32>
        %add3A_556 = arith.addi %add3A_281, %add3A_555 : vector<16xi32>
        %select_n3A_557 = arith.select %lt3A_553, %add3A_556, %add3A_281 : vector<16xi1>, vector<16xi32>
        %broadcast_in_dim3A_558 = vector.shape_cast %select_n3A_557 : vector<16xi32> to vector<16x1xi32>
        %gather3A_559 = vector.shape_cast %broadcast_in_dim3A_558 : vector<16x1xi32> to vector<16xi32>
        %gather3A_560 = tpu.dynamic_gather %gather3A_50[%gather3A_559] in [0] : vector<16xf32>, vector<16xi32> -> vector<16xf32>
        %mul3A_561 = arith.constant 16 : i32
        %mul3A_562 = arith.muli %scan3A_204, %mul3A_561 : i32
        %swap3A_563 = arith.constant 0 : i32
        %swap3A_564 = arith.constant 15 : i32
        %swap3A_565 = arith.index_cast %swap3A_563 : i32 to index
        %swap3A_566 = arith.index_cast %swap3A_564 : i32 to index
        %swap3A_567 = arith.index_cast %mul3A_562 : i32 to index
        %swap3A_568 = tpu.vector_load %arg7[%swap3A_565, %swap3A_566, %swap3A_567] {strides = array<i32>} : memref<2x20x2048xf32, #tpu.memory_space<vmem>>, vector<16xf32>,
        tpu.vector_store %arg7[%swap3A_565, %swap3A_566, %swap3A_567], %gather3A_560 {strides = array<i32>} : memref<2x20x2048xf32, #tpu.memory_space<vmem>>, vector<16xf32>,
        %lt3A_569 = arith.constant 0 : i32
        %lt3A_570 = vector.broadcast %lt3A_569 : i32 to vector<16xi32>
        %lt3A_571 = arith.cmpi slt, %add3A_281, %lt3A_570 : vector<16xi32>
        %add3A_572 = arith.constant 16 : i32
        %add3A_573 = vector.broadcast %add3A_572 : i32 to vector<16xi32>
        %add3A_574 = arith.addi %add3A_281, %add3A_573 : vector<16xi32>
        %select_n3A_575 = arith.select %lt3A_571, %add3A_574, %add3A_281 : vector<16xi1>, vector<16xi32>
        %broadcast_in_dim3A_576 = vector.shape_cast %select_n3A_575 : vector<16xi32> to vector<16x1xi32>
        %gather3A_577 = vector.shape_cast %broadcast_in_dim3A_576 : vector<16x1xi32> to vector<16xi32>
        %gather3A_578 = tpu.dynamic_gather %gather3A_53[%gather3A_577] in [0] : vector<16xf32>, vector<16xi32> -> vector<16xf32>
        %mul3A_579 = arith.constant 16 : i32
        %mul3A_580 = arith.muli %scan3A_204, %mul3A_579 : i32
        %swap3A_581 = arith.constant 0 : i32
        %swap3A_582 = arith.constant 16 : i32
        %swap3A_583 = arith.index_cast %swap3A_581 : i32 to index
        %swap3A_584 = arith.index_cast %swap3A_582 : i32 to index
        %swap3A_585 = arith.index_cast %mul3A_580 : i32 to index
        %swap3A_586 = tpu.vector_load %arg7[%swap3A_583, %swap3A_584, %swap3A_585] {strides = array<i32>} : memref<2x20x2048xf32, #tpu.memory_space<vmem>>, vector<16xf32>,
        tpu.vector_store %arg7[%swap3A_583, %swap3A_584, %swap3A_585], %gather3A_578 {strides = array<i32>} : memref<2x20x2048xf32, #tpu.memory_space<vmem>>, vector<16xf32>,
        %lt3A_587 = arith.constant 0 : i32
        %lt3A_588 = vector.broadcast %lt3A_587 : i32 to vector<16xi32>
        %lt3A_589 = arith.cmpi slt, %add3A_281, %lt3A_588 : vector<16xi32>
        %add3A_590 = arith.constant 16 : i32
        %add3A_591 = vector.broadcast %add3A_590 : i32 to vector<16xi32>
        %add3A_592 = arith.addi %add3A_281, %add3A_591 : vector<16xi32>
        %select_n3A_593 = arith.select %lt3A_589, %add3A_592, %add3A_281 : vector<16xi1>, vector<16xi32>
        %broadcast_in_dim3A_594 = vector.shape_cast %select_n3A_593 : vector<16xi32> to vector<16x1xi32>
        %gather3A_595 = vector.shape_cast %broadcast_in_dim3A_594 : vector<16x1xi32> to vector<16xi32>
        %gather3A_596 = tpu.dynamic_gather %gather3A_56[%gather3A_595] in [0] : vector<16xf32>, vector<16xi32> -> vector<16xf32>
        %mul3A_597 = arith.constant 16 : i32
        %mul3A_598 = arith.muli %scan3A_204, %mul3A_597 : i32
        %swap3A_599 = arith.constant 0 : i32
        %swap3A_600 = arith.constant 17 : i32
        %swap3A_601 = arith.index_cast %swap3A_599 : i32 to index
        %swap3A_602 = arith.index_cast %swap3A_600 : i32 to index
        %swap3A_603 = arith.index_cast %mul3A_598 : i32 to index
        %swap3A_604 = tpu.vector_load %arg7[%swap3A_601, %swap3A_602, %swap3A_603] {strides = array<i32>} : memref<2x20x2048xf32, #tpu.memory_space<vmem>>, vector<16xf32>,
        tpu.vector_store %arg7[%swap3A_601, %swap3A_602, %swap3A_603], %gather3A_596 {strides = array<i32>} : memref<2x20x2048xf32, #tpu.memory_space<vmem>>, vector<16xf32>,
        %lt3A_605 = arith.constant 0 : i32
        %lt3A_606 = vector.broadcast %lt3A_605 : i32 to vector<16xi32>
        %lt3A_607 = arith.cmpi slt, %add3A_281, %lt3A_606 : vector<16xi32>
        %add3A_608 = arith.constant 16 : i32
        %add3A_609 = vector.broadcast %add3A_608 : i32 to vector<16xi32>
        %add3A_610 = arith.addi %add3A_281, %add3A_609 : vector<16xi32>
        %select_n3A_611 = arith.select %lt3A_607, %add3A_610, %add3A_281 : vector<16xi1>, vector<16xi32>
        %broadcast_in_dim3A_612 = vector.shape_cast %select_n3A_611 : vector<16xi32> to vector<16x1xi32>
        %gather3A_613 = vector.shape_cast %broadcast_in_dim3A_612 : vector<16x1xi32> to vector<16xi32>
        %gather3A_614 = tpu.dynamic_gather %gather3A_59[%gather3A_613] in [0] : vector<16xf32>, vector<16xi32> -> vector<16xf32>
        %mul3A_615 = arith.constant 16 : i32
        %mul3A_616 = arith.muli %scan3A_204, %mul3A_615 : i32
        %swap3A_617 = arith.constant 0 : i32
        %swap3A_618 = arith.constant 18 : i32
        %swap3A_619 = arith.index_cast %swap3A_617 : i32 to index
        %swap3A_620 = arith.index_cast %swap3A_618 : i32 to index
        %swap3A_621 = arith.index_cast %mul3A_616 : i32 to index
        %swap3A_622 = tpu.vector_load %arg7[%swap3A_619, %swap3A_620, %swap3A_621] {strides = array<i32>} : memref<2x20x2048xf32, #tpu.memory_space<vmem>>, vector<16xf32>,
        tpu.vector_store %arg7[%swap3A_619, %swap3A_620, %swap3A_621], %gather3A_614 {strides = array<i32>} : memref<2x20x2048xf32, #tpu.memory_space<vmem>>, vector<16xf32>,
        %lt3A_623 = arith.constant 0 : i32
        %lt3A_624 = vector.broadcast %lt3A_623 : i32 to vector<16xi32>
        %lt3A_625 = arith.cmpi slt, %add3A_281, %lt3A_624 : vector<16xi32>
        %add3A_626 = arith.constant 16 : i32
        %add3A_627 = vector.broadcast %add3A_626 : i32 to vector<16xi32>
        %add3A_628 = arith.addi %add3A_281, %add3A_627 : vector<16xi32>
        %select_n3A_629 = arith.select %lt3A_625, %add3A_628, %add3A_281 : vector<16xi1>, vector<16xi32>
        %broadcast_in_dim3A_630 = vector.shape_cast %select_n3A_629 : vector<16xi32> to vector<16x1xi32>
        %gather3A_631 = vector.shape_cast %broadcast_in_dim3A_630 : vector<16x1xi32> to vector<16xi32>
        %gather3A_632 = tpu.dynamic_gather %gather3A_62[%gather3A_631] in [0] : vector<16xf32>, vector<16xi32> -> vector<16xf32>
        %mul3A_633 = arith.constant 16 : i32
        %mul3A_634 = arith.muli %scan3A_204, %mul3A_633 : i32
        %swap3A_635 = arith.constant 0 : i32
        %swap3A_636 = arith.constant 19 : i32
        %swap3A_637 = arith.index_cast %swap3A_635 : i32 to index
        %swap3A_638 = arith.index_cast %swap3A_636 : i32 to index
        %swap3A_639 = arith.index_cast %mul3A_634 : i32 to index
        %swap3A_640 = tpu.vector_load %arg7[%swap3A_637, %swap3A_638, %swap3A_639] {strides = array<i32>} : memref<2x20x2048xf32, #tpu.memory_space<vmem>>, vector<16xf32>,
        tpu.vector_store %arg7[%swap3A_637, %swap3A_638, %swap3A_639], %gather3A_632 {strides = array<i32>} : memref<2x20x2048xf32, #tpu.memory_space<vmem>>, vector<16xf32>,
        %scan3A_641 = arith.constant 1 : i32
        %scan3A_642 = arith.addi %scan3A_204, %scan3A_641 : i32
        %mul3A_643 = arith.constant 16 : i32
        %mul3A_644 = arith.muli %scan3A_642, %mul3A_643 : i32
        %get3A_645 = arith.constant 0 : i32
        %get3A_646 = arith.index_cast %get3A_645 : i32 to index
        %get3A_647 = arith.index_cast %mul3A_644 : i32 to index
        %get3A_648 = tpu.vector_load %arg6[%get3A_646, %get3A_647] {strides = array<i32>} : memref<2x2048xi32, #tpu.memory_space<vmem>>, vector<16xi32>,
        %broadcast_in_dim3A_649 = arith.constant 0 : i32
        %broadcast_in_dim3A_650 = vector.broadcast %broadcast_in_dim3A_649 : i32 to vector<16xi32>
        %ge3A_651 = arith.constant 1 : i32
        %ge3A_652 = vector.broadcast %ge3A_651 : i32 to vector<16xi32>
        %ge3A_653 = arith.cmpi sge, %get3A_648, %ge3A_652 : vector<16xi32>
        %jit3A_654 = arith.constant 1 : i32
        %jit3A_655 = arith.constant 0 : i32
        %broadcast_in_dim3A_656 = vector.broadcast %jit3A_654 : i32 to vector<16xi32>
        %broadcast_in_dim3A_657 = vector.broadcast %jit3A_655 : i32 to vector<16xi32>
        %select_n3A_658 = arith.select %ge3A_653, %broadcast_in_dim3A_656, %broadcast_in_dim3A_657 : vector<16xi1>, vector<16xi32>
        %add3A_659 = arith.addi %broadcast_in_dim3A_650, %select_n3A_658 : vector<16xi32>
        %ge3A_660 = arith.constant 2 : i32
        %ge3A_661 = vector.broadcast %ge3A_660 : i32 to vector<16xi32>
        %ge3A_662 = arith.cmpi sge, %get3A_648, %ge3A_661 : vector<16xi32>
        %jit3A_663 = arith.constant 1 : i32
        %jit3A_664 = arith.constant 0 : i32
        %broadcast_in_dim3A_665 = vector.broadcast %jit3A_663 : i32 to vector<16xi32>
        %broadcast_in_dim3A_666 = vector.broadcast %jit3A_664 : i32 to vector<16xi32>
        %select_n3A_667 = arith.select %ge3A_662, %broadcast_in_dim3A_665, %broadcast_in_dim3A_666 : vector<16xi1>, vector<16xi32>
        %add3A_668 = arith.addi %add3A_659, %select_n3A_667 : vector<16xi32>
        %ge3A_669 = arith.constant 3 : i32
        %ge3A_670 = vector.broadcast %ge3A_669 : i32 to vector<16xi32>
        %ge3A_671 = arith.cmpi sge, %get3A_648, %ge3A_670 : vector<16xi32>
        %jit3A_672 = arith.constant 1 : i32
        %jit3A_673 = arith.constant 0 : i32
        %broadcast_in_dim3A_674 = vector.broadcast %jit3A_672 : i32 to vector<16xi32>
        %broadcast_in_dim3A_675 = vector.broadcast %jit3A_673 : i32 to vector<16xi32>
        %select_n3A_676 = arith.select %ge3A_671, %broadcast_in_dim3A_674, %broadcast_in_dim3A_675 : vector<16xi1>, vector<16xi32>
        %add3A_677 = arith.addi %add3A_668, %select_n3A_676 : vector<16xi32>
        %ge3A_678 = arith.constant 4 : i32
        %ge3A_679 = vector.broadcast %ge3A_678 : i32 to vector<16xi32>
        %ge3A_680 = arith.cmpi sge, %get3A_648, %ge3A_679 : vector<16xi32>
        %jit3A_681 = arith.constant 1 : i32
        %jit3A_682 = arith.constant 0 : i32
        %broadcast_in_dim3A_683 = vector.broadcast %jit3A_681 : i32 to vector<16xi32>
        %broadcast_in_dim3A_684 = vector.broadcast %jit3A_682 : i32 to vector<16xi32>
        %select_n3A_685 = arith.select %ge3A_680, %broadcast_in_dim3A_683, %broadcast_in_dim3A_684 : vector<16xi1>, vector<16xi32>
        %add3A_686 = arith.addi %add3A_677, %select_n3A_685 : vector<16xi32>
        %ge3A_687 = arith.constant 8 : i32
        %ge3A_688 = vector.broadcast %ge3A_687 : i32 to vector<16xi32>
        %ge3A_689 = arith.cmpi sge, %get3A_648, %ge3A_688 : vector<16xi32>
        %jit3A_690 = arith.constant 1 : i32
        %jit3A_691 = arith.constant 0 : i32
        %broadcast_in_dim3A_692 = vector.broadcast %jit3A_690 : i32 to vector<16xi32>
        %broadcast_in_dim3A_693 = vector.broadcast %jit3A_691 : i32 to vector<16xi32>
        %select_n3A_694 = arith.select %ge3A_689, %broadcast_in_dim3A_692, %broadcast_in_dim3A_693 : vector<16xi1>, vector<16xi32>
        %add3A_695 = arith.addi %add3A_686, %select_n3A_694 : vector<16xi32>
        %ge3A_696 = arith.constant 16 : i32
        %ge3A_697 = vector.broadcast %ge3A_696 : i32 to vector<16xi32>
        %ge3A_698 = arith.cmpi sge, %get3A_648, %ge3A_697 : vector<16xi32>
        %jit3A_699 = arith.constant 1 : i32
        %jit3A_700 = arith.constant 0 : i32
        %broadcast_in_dim3A_701 = vector.broadcast %jit3A_699 : i32 to vector<16xi32>
        %broadcast_in_dim3A_702 = vector.broadcast %jit3A_700 : i32 to vector<16xi32>
        %select_n3A_703 = arith.select %ge3A_698, %broadcast_in_dim3A_701, %broadcast_in_dim3A_702 : vector<16xi1>, vector<16xi32>
        %add3A_704 = arith.addi %add3A_695, %select_n3A_703 : vector<16xi32>
        %ge3A_705 = arith.constant 32 : i32
        %ge3A_706 = vector.broadcast %ge3A_705 : i32 to vector<16xi32>
        %ge3A_707 = arith.cmpi sge, %get3A_648, %ge3A_706 : vector<16xi32>
        %jit3A_708 = arith.constant 1 : i32
        %jit3A_709 = arith.constant 0 : i32
        %broadcast_in_dim3A_710 = vector.broadcast %jit3A_708 : i32 to vector<16xi32>
        %broadcast_in_dim3A_711 = vector.broadcast %jit3A_709 : i32 to vector<16xi32>
        %select_n3A_712 = arith.select %ge3A_707, %broadcast_in_dim3A_710, %broadcast_in_dim3A_711 : vector<16xi1>, vector<16xi32>
        %add3A_713 = arith.addi %add3A_704, %select_n3A_712 : vector<16xi32>
        %ge3A_714 = arith.constant 64 : i32
        %ge3A_715 = vector.broadcast %ge3A_714 : i32 to vector<16xi32>
        %ge3A_716 = arith.cmpi sge, %get3A_648, %ge3A_715 : vector<16xi32>
        %jit3A_717 = arith.constant 1 : i32
        %jit3A_718 = arith.constant 0 : i32
        %broadcast_in_dim3A_719 = vector.broadcast %jit3A_717 : i32 to vector<16xi32>
        %broadcast_in_dim3A_720 = vector.broadcast %jit3A_718 : i32 to vector<16xi32>
        %select_n3A_721 = arith.select %ge3A_716, %broadcast_in_dim3A_719, %broadcast_in_dim3A_720 : vector<16xi1>, vector<16xi32>
        %add3A_722 = arith.addi %add3A_713, %select_n3A_721 : vector<16xi32>
        %lt3A_723 = arith.constant 0 : i32
        %lt3A_724 = vector.broadcast %lt3A_723 : i32 to vector<16xi32>
        %lt3A_725 = arith.cmpi slt, %add3A_722, %lt3A_724 : vector<16xi32>
        %add3A_726 = arith.constant 16 : i32
        %add3A_727 = vector.broadcast %add3A_726 : i32 to vector<16xi32>
        %add3A_728 = arith.addi %add3A_722, %add3A_727 : vector<16xi32>
        %select_n3A_729 = arith.select %lt3A_725, %add3A_728, %add3A_722 : vector<16xi1>, vector<16xi32>
        %broadcast_in_dim3A_730 = vector.shape_cast %select_n3A_729 : vector<16xi32> to vector<16x1xi32>
        %gather3A_731 = vector.shape_cast %broadcast_in_dim3A_730 : vector<16x1xi32> to vector<16xi32>
        %gather3A_732 = tpu.dynamic_gather %gather3A[%gather3A_731] in [0] : vector<16xf32>, vector<16xi32> -> vector<16xf32>
        %mul3A_733 = arith.constant 16 : i32
        %mul3A_734 = arith.muli %scan3A_642, %mul3A_733 : i32
        %swap3A_735 = arith.constant 0 : i32
        %swap3A_736 = arith.constant 0 : i32
        %swap3A_737 = arith.index_cast %swap3A_735 : i32 to index
        %swap3A_738 = arith.index_cast %swap3A_736 : i32 to index
        %swap3A_739 = arith.index_cast %mul3A_734 : i32 to index
        %swap3A_740 = tpu.vector_load %arg7[%swap3A_737, %swap3A_738, %swap3A_739] {strides = array<i32>} : memref<2x20x2048xf32, #tpu.memory_space<vmem>>, vector<16xf32>,
        tpu.vector_store %arg7[%swap3A_737, %swap3A_738, %swap3A_739], %gather3A_732 {strides = array<i32>} : memref<2x20x2048xf32, #tpu.memory_space<vmem>>, vector<16xf32>,
        %lt3A_741 = arith.constant 0 : i32
        %lt3A_742 = vector.broadcast %lt3A_741 : i32 to vector<16xi32>
        %lt3A_743 = arith.cmpi slt, %add3A_722, %lt3A_742 : vector<16xi32>
        %add3A_744 = arith.constant 16 : i32
        %add3A_745 = vector.broadcast %add3A_744 : i32 to vector<16xi32>
        %add3A_746 = arith.addi %add3A_722, %add3A_745 : vector<16xi32>
        %select_n3A_747 = arith.select %lt3A_743, %add3A_746, %add3A_722 : vector<16xi1>, vector<16xi32>
        %broadcast_in_dim3A_748 = vector.shape_cast %select_n3A_747 : vector<16xi32> to vector<16x1xi32>
        %gather3A_749 = vector.shape_cast %broadcast_in_dim3A_748 : vector<16x1xi32> to vector<16xi32>
        %gather3A_750 = tpu.dynamic_gather %gather3A_8[%gather3A_749] in [0] : vector<16xf32>, vector<16xi32> -> vector<16xf32>
        %mul3A_751 = arith.constant 16 : i32
        %mul3A_752 = arith.muli %scan3A_642, %mul3A_751 : i32
        %swap3A_753 = arith.constant 0 : i32
        %swap3A_754 = arith.constant 1 : i32
        %swap3A_755 = arith.index_cast %swap3A_753 : i32 to index
        %swap3A_756 = arith.index_cast %swap3A_754 : i32 to index
        %swap3A_757 = arith.index_cast %mul3A_752 : i32 to index
        %swap3A_758 = tpu.vector_load %arg7[%swap3A_755, %swap3A_756, %swap3A_757] {strides = array<i32>} : memref<2x20x2048xf32, #tpu.memory_space<vmem>>, vector<16xf32>,
        tpu.vector_store %arg7[%swap3A_755, %swap3A_756, %swap3A_757], %gather3A_750 {strides = array<i32>} : memref<2x20x2048xf32, #tpu.memory_space<vmem>>, vector<16xf32>,
        %lt3A_759 = arith.constant 0 : i32
        %lt3A_760 = vector.broadcast %lt3A_759 : i32 to vector<16xi32>
        %lt3A_761 = arith.cmpi slt, %add3A_722, %lt3A_760 : vector<16xi32>
        %add3A_762 = arith.constant 16 : i32
        %add3A_763 = vector.broadcast %add3A_762 : i32 to vector<16xi32>
        %add3A_764 = arith.addi %add3A_722, %add3A_763 : vector<16xi32>
        %select_n3A_765 = arith.select %lt3A_761, %add3A_764, %add3A_722 : vector<16xi1>, vector<16xi32>
        %broadcast_in_dim3A_766 = vector.shape_cast %select_n3A_765 : vector<16xi32> to vector<16x1xi32>
        %gather3A_767 = vector.shape_cast %broadcast_in_dim3A_766 : vector<16x1xi32> to vector<16xi32>
        %gather3A_768 = tpu.dynamic_gather %gather3A_11[%gather3A_767] in [0] : vector<16xf32>, vector<16xi32> -> vector<16xf32>
        %mul3A_769 = arith.constant 16 : i32
        %mul3A_770 = arith.muli %scan3A_642, %mul3A_769 : i32
        %swap3A_771 = arith.constant 0 : i32
        %swap3A_772 = arith.constant 2 : i32
        %swap3A_773 = arith.index_cast %swap3A_771 : i32 to index
        %swap3A_774 = arith.index_cast %swap3A_772 : i32 to index
        %swap3A_775 = arith.index_cast %mul3A_770 : i32 to index
        %swap3A_776 = tpu.vector_load %arg7[%swap3A_773, %swap3A_774, %swap3A_775] {strides = array<i32>} : memref<2x20x2048xf32, #tpu.memory_space<vmem>>, vector<16xf32>,
        tpu.vector_store %arg7[%swap3A_773, %swap3A_774, %swap3A_775], %gather3A_768 {strides = array<i32>} : memref<2x20x2048xf32, #tpu.memory_space<vmem>>, vector<16xf32>,
        %lt3A_777 = arith.constant 0 : i32
        %lt3A_778 = vector.broadcast %lt3A_777 : i32 to vector<16xi32>
        %lt3A_779 = arith.cmpi slt, %add3A_722, %lt3A_778 : vector<16xi32>
        %add3A_780 = arith.constant 16 : i32
        %add3A_781 = vector.broadcast %add3A_780 : i32 to vector<16xi32>
        %add3A_782 = arith.addi %add3A_722, %add3A_781 : vector<16xi32>
        %select_n3A_783 = arith.select %lt3A_779, %add3A_782, %add3A_722 : vector<16xi1>, vector<16xi32>
        %broadcast_in_dim3A_784 = vector.shape_cast %select_n3A_783 : vector<16xi32> to vector<16x1xi32>
        %gather3A_785 = vector.shape_cast %broadcast_in_dim3A_784 : vector<16x1xi32> to vector<16xi32>
        %gather3A_786 = tpu.dynamic_gather %gather3A_14[%gather3A_785] in [0] : vector<16xf32>, vector<16xi32> -> vector<16xf32>
        %mul3A_787 = arith.constant 16 : i32
        %mul3A_788 = arith.muli %scan3A_642, %mul3A_787 : i32
        %swap3A_789 = arith.constant 0 : i32
        %swap3A_790 = arith.constant 3 : i32
        %swap3A_791 = arith.index_cast %swap3A_789 : i32 to index
        %swap3A_792 = arith.index_cast %swap3A_790 : i32 to index
        %swap3A_793 = arith.index_cast %mul3A_788 : i32 to index
        %swap3A_794 = tpu.vector_load %arg7[%swap3A_791, %swap3A_792, %swap3A_793] {strides = array<i32>} : memref<2x20x2048xf32, #tpu.memory_space<vmem>>, vector<16xf32>,
        tpu.vector_store %arg7[%swap3A_791, %swap3A_792, %swap3A_793], %gather3A_786 {strides = array<i32>} : memref<2x20x2048xf32, #tpu.memory_space<vmem>>, vector<16xf32>,
        %lt3A_795 = arith.constant 0 : i32
        %lt3A_796 = vector.broadcast %lt3A_795 : i32 to vector<16xi32>
        %lt3A_797 = arith.cmpi slt, %add3A_722, %lt3A_796 : vector<16xi32>
        %add3A_798 = arith.constant 16 : i32
        %add3A_799 = vector.broadcast %add3A_798 : i32 to vector<16xi32>
        %add3A_800 = arith.addi %add3A_722, %add3A_799 : vector<16xi32>
        %select_n3A_801 = arith.select %lt3A_797, %add3A_800, %add3A_722 : vector<16xi1>, vector<16xi32>
        %broadcast_in_dim3A_802 = vector.shape_cast %select_n3A_801 : vector<16xi32> to vector<16x1xi32>
        %gather3A_803 = vector.shape_cast %broadcast_in_dim3A_802 : vector<16x1xi32> to vector<16xi32>
        %gather3A_804 = tpu.dynamic_gather %gather3A_17[%gather3A_803] in [0] : vector<16xf32>, vector<16xi32> -> vector<16xf32>
        %mul3A_805 = arith.constant 16 : i32
        %mul3A_806 = arith.muli %scan3A_642, %mul3A_805 : i32
        %swap3A_807 = arith.constant 0 : i32
        %swap3A_808 = arith.constant 4 : i32
        %swap3A_809 = arith.index_cast %swap3A_807 : i32 to index
        %swap3A_810 = arith.index_cast %swap3A_808 : i32 to index
        %swap3A_811 = arith.index_cast %mul3A_806 : i32 to index
        %swap3A_812 = tpu.vector_load %arg7[%swap3A_809, %swap3A_810, %swap3A_811] {strides = array<i32>} : memref<2x20x2048xf32, #tpu.memory_space<vmem>>, vector<16xf32>,
        tpu.vector_store %arg7[%swap3A_809, %swap3A_810, %swap3A_811], %gather3A_804 {strides = array<i32>} : memref<2x20x2048xf32, #tpu.memory_space<vmem>>, vector<16xf32>,
        %lt3A_813 = arith.constant 0 : i32
        %lt3A_814 = vector.broadcast %lt3A_813 : i32 to vector<16xi32>
        %lt3A_815 = arith.cmpi slt, %add3A_722, %lt3A_814 : vector<16xi32>
        %add3A_816 = arith.constant 16 : i32
        %add3A_817 = vector.broadcast %add3A_816 : i32 to vector<16xi32>
        %add3A_818 = arith.addi %add3A_722, %add3A_817 : vector<16xi32>
        %select_n3A_819 = arith.select %lt3A_815, %add3A_818, %add3A_722 : vector<16xi1>, vector<16xi32>
        %broadcast_in_dim3A_820 = vector.shape_cast %select_n3A_819 : vector<16xi32> to vector<16x1xi32>
        %gather3A_821 = vector.shape_cast %broadcast_in_dim3A_820 : vector<16x1xi32> to vector<16xi32>
        %gather3A_822 = tpu.dynamic_gather %gather3A_20[%gather3A_821] in [0] : vector<16xf32>, vector<16xi32> -> vector<16xf32>
        %mul3A_823 = arith.constant 16 : i32
        %mul3A_824 = arith.muli %scan3A_642, %mul3A_823 : i32
        %swap3A_825 = arith.constant 0 : i32
        %swap3A_826 = arith.constant 5 : i32
        %swap3A_827 = arith.index_cast %swap3A_825 : i32 to index
        %swap3A_828 = arith.index_cast %swap3A_826 : i32 to index
        %swap3A_829 = arith.index_cast %mul3A_824 : i32 to index
        %swap3A_830 = tpu.vector_load %arg7[%swap3A_827, %swap3A_828, %swap3A_829] {strides = array<i32>} : memref<2x20x2048xf32, #tpu.memory_space<vmem>>, vector<16xf32>,
        tpu.vector_store %arg7[%swap3A_827, %swap3A_828, %swap3A_829], %gather3A_822 {strides = array<i32>} : memref<2x20x2048xf32, #tpu.memory_space<vmem>>, vector<16xf32>,
        %lt3A_831 = arith.constant 0 : i32
        %lt3A_832 = vector.broadcast %lt3A_831 : i32 to vector<16xi32>
        %lt3A_833 = arith.cmpi slt, %add3A_722, %lt3A_832 : vector<16xi32>
        %add3A_834 = arith.constant 16 : i32
        %add3A_835 = vector.broadcast %add3A_834 : i32 to vector<16xi32>
        %add3A_836 = arith.addi %add3A_722, %add3A_835 : vector<16xi32>
        %select_n3A_837 = arith.select %lt3A_833, %add3A_836, %add3A_722 : vector<16xi1>, vector<16xi32>
        %broadcast_in_dim3A_838 = vector.shape_cast %select_n3A_837 : vector<16xi32> to vector<16x1xi32>
        %gather3A_839 = vector.shape_cast %broadcast_in_dim3A_838 : vector<16x1xi32> to vector<16xi32>
        %gather3A_840 = tpu.dynamic_gather %gather3A_23[%gather3A_839] in [0] : vector<16xf32>, vector<16xi32> -> vector<16xf32>
        %mul3A_841 = arith.constant 16 : i32
        %mul3A_842 = arith.muli %scan3A_642, %mul3A_841 : i32
        %swap3A_843 = arith.constant 0 : i32
        %swap3A_844 = arith.constant 6 : i32
        %swap3A_845 = arith.index_cast %swap3A_843 : i32 to index
        %swap3A_846 = arith.index_cast %swap3A_844 : i32 to index
        %swap3A_847 = arith.index_cast %mul3A_842 : i32 to index
        %swap3A_848 = tpu.vector_load %arg7[%swap3A_845, %swap3A_846, %swap3A_847] {strides = array<i32>} : memref<2x20x2048xf32, #tpu.memory_space<vmem>>, vector<16xf32>,
        tpu.vector_store %arg7[%swap3A_845, %swap3A_846, %swap3A_847], %gather3A_840 {strides = array<i32>} : memref<2x20x2048xf32, #tpu.memory_space<vmem>>, vector<16xf32>,
        %lt3A_849 = arith.constant 0 : i32
        %lt3A_850 = vector.broadcast %lt3A_849 : i32 to vector<16xi32>
        %lt3A_851 = arith.cmpi slt, %add3A_722, %lt3A_850 : vector<16xi32>
        %add3A_852 = arith.constant 16 : i32
        %add3A_853 = vector.broadcast %add3A_852 : i32 to vector<16xi32>
        %add3A_854 = arith.addi %add3A_722, %add3A_853 : vector<16xi32>
        %select_n3A_855 = arith.select %lt3A_851, %add3A_854, %add3A_722 : vector<16xi1>, vector<16xi32>
        %broadcast_in_dim3A_856 = vector.shape_cast %select_n3A_855 : vector<16xi32> to vector<16x1xi32>
        %gather3A_857 = vector.shape_cast %broadcast_in_dim3A_856 : vector<16x1xi32> to vector<16xi32>
        %gather3A_858 = tpu.dynamic_gather %gather3A_26[%gather3A_857] in [0] : vector<16xf32>, vector<16xi32> -> vector<16xf32>
        %mul3A_859 = arith.constant 16 : i32
        %mul3A_860 = arith.muli %scan3A_642, %mul3A_859 : i32
        %swap3A_861 = arith.constant 0 : i32
        %swap3A_862 = arith.constant 7 : i32
        %swap3A_863 = arith.index_cast %swap3A_861 : i32 to index
        %swap3A_864 = arith.index_cast %swap3A_862 : i32 to index
        %swap3A_865 = arith.index_cast %mul3A_860 : i32 to index
        %swap3A_866 = tpu.vector_load %arg7[%swap3A_863, %swap3A_864, %swap3A_865] {strides = array<i32>} : memref<2x20x2048xf32, #tpu.memory_space<vmem>>, vector<16xf32>,
        tpu.vector_store %arg7[%swap3A_863, %swap3A_864, %swap3A_865], %gather3A_858 {strides = array<i32>} : memref<2x20x2048xf32, #tpu.memory_space<vmem>>, vector<16xf32>,
        %lt3A_867 = arith.constant 0 : i32
        %lt3A_868 = vector.broadcast %lt3A_867 : i32 to vector<16xi32>
        %lt3A_869 = arith.cmpi slt, %add3A_722, %lt3A_868 : vector<16xi32>
        %add3A_870 = arith.constant 16 : i32
        %add3A_871 = vector.broadcast %add3A_870 : i32 to vector<16xi32>
        %add3A_872 = arith.addi %add3A_722, %add3A_871 : vector<16xi32>
        %select_n3A_873 = arith.select %lt3A_869, %add3A_872, %add3A_722 : vector<16xi1>, vector<16xi32>
        %broadcast_in_dim3A_874 = vector.shape_cast %select_n3A_873 : vector<16xi32> to vector<16x1xi32>
        %gather3A_875 = vector.shape_cast %broadcast_in_dim3A_874 : vector<16x1xi32> to vector<16xi32>
        %gather3A_876 = tpu.dynamic_gather %gather3A_29[%gather3A_875] in [0] : vector<16xf32>, vector<16xi32> -> vector<16xf32>
        %mul3A_877 = arith.constant 16 : i32
        %mul3A_878 = arith.muli %scan3A_642, %mul3A_877 : i32
        %swap3A_879 = arith.constant 0 : i32
        %swap3A_880 = arith.constant 8 : i32
        %swap3A_881 = arith.index_cast %swap3A_879 : i32 to index
        %swap3A_882 = arith.index_cast %swap3A_880 : i32 to index
        %swap3A_883 = arith.index_cast %mul3A_878 : i32 to index
        %swap3A_884 = tpu.vector_load %arg7[%swap3A_881, %swap3A_882, %swap3A_883] {strides = array<i32>} : memref<2x20x2048xf32, #tpu.memory_space<vmem>>, vector<16xf32>,
        tpu.vector_store %arg7[%swap3A_881, %swap3A_882, %swap3A_883], %gather3A_876 {strides = array<i32>} : memref<2x20x2048xf32, #tpu.memory_space<vmem>>, vector<16xf32>,
        %lt3A_885 = arith.constant 0 : i32
        %lt3A_886 = vector.broadcast %lt3A_885 : i32 to vector<16xi32>
        %lt3A_887 = arith.cmpi slt, %add3A_722, %lt3A_886 : vector<16xi32>
        %add3A_888 = arith.constant 16 : i32
        %add3A_889 = vector.broadcast %add3A_888 : i32 to vector<16xi32>
        %add3A_890 = arith.addi %add3A_722, %add3A_889 : vector<16xi32>
        %select_n3A_891 = arith.select %lt3A_887, %add3A_890, %add3A_722 : vector<16xi1>, vector<16xi32>
        %broadcast_in_dim3A_892 = vector.shape_cast %select_n3A_891 : vector<16xi32> to vector<16x1xi32>
        %gather3A_893 = vector.shape_cast %broadcast_in_dim3A_892 : vector<16x1xi32> to vector<16xi32>
        %gather3A_894 = tpu.dynamic_gather %gather3A_32[%gather3A_893] in [0] : vector<16xf32>, vector<16xi32> -> vector<16xf32>
        %mul3A_895 = arith.constant 16 : i32
        %mul3A_896 = arith.muli %scan3A_642, %mul3A_895 : i32
        %swap3A_897 = arith.constant 0 : i32
        %swap3A_898 = arith.constant 9 : i32
        %swap3A_899 = arith.index_cast %swap3A_897 : i32 to index
        %swap3A_900 = arith.index_cast %swap3A_898 : i32 to index
        %swap3A_901 = arith.index_cast %mul3A_896 : i32 to index
        %swap3A_902 = tpu.vector_load %arg7[%swap3A_899, %swap3A_900, %swap3A_901] {strides = array<i32>} : memref<2x20x2048xf32, #tpu.memory_space<vmem>>, vector<16xf32>,
        tpu.vector_store %arg7[%swap3A_899, %swap3A_900, %swap3A_901], %gather3A_894 {strides = array<i32>} : memref<2x20x2048xf32, #tpu.memory_space<vmem>>, vector<16xf32>,
        %lt3A_903 = arith.constant 0 : i32
        %lt3A_904 = vector.broadcast %lt3A_903 : i32 to vector<16xi32>
        %lt3A_905 = arith.cmpi slt, %add3A_722, %lt3A_904 : vector<16xi32>
        %add3A_906 = arith.constant 16 : i32
        %add3A_907 = vector.broadcast %add3A_906 : i32 to vector<16xi32>
        %add3A_908 = arith.addi %add3A_722, %add3A_907 : vector<16xi32>
        %select_n3A_909 = arith.select %lt3A_905, %add3A_908, %add3A_722 : vector<16xi1>, vector<16xi32>
        %broadcast_in_dim3A_910 = vector.shape_cast %select_n3A_909 : vector<16xi32> to vector<16x1xi32>
        %gather3A_911 = vector.shape_cast %broadcast_in_dim3A_910 : vector<16x1xi32> to vector<16xi32>
        %gather3A_912 = tpu.dynamic_gather %gather3A_35[%gather3A_911] in [0] : vector<16xf32>, vector<16xi32> -> vector<16xf32>
        %mul3A_913 = arith.constant 16 : i32
        %mul3A_914 = arith.muli %scan3A_642, %mul3A_913 : i32
        %swap3A_915 = arith.constant 0 : i32
        %swap3A_916 = arith.constant 10 : i32
        %swap3A_917 = arith.index_cast %swap3A_915 : i32 to index
        %swap3A_918 = arith.index_cast %swap3A_916 : i32 to index
        %swap3A_919 = arith.index_cast %mul3A_914 : i32 to index
        %swap3A_920 = tpu.vector_load %arg7[%swap3A_917, %swap3A_918, %swap3A_919] {strides = array<i32>} : memref<2x20x2048xf32, #tpu.memory_space<vmem>>, vector<16xf32>,
        tpu.vector_store %arg7[%swap3A_917, %swap3A_918, %swap3A_919], %gather3A_912 {strides = array<i32>} : memref<2x20x2048xf32, #tpu.memory_space<vmem>>, vector<16xf32>,
        %lt3A_921 = arith.constant 0 : i32
        %lt3A_922 = vector.broadcast %lt3A_921 : i32 to vector<16xi32>
        %lt3A_923 = arith.cmpi slt, %add3A_722, %lt3A_922 : vector<16xi32>
        %add3A_924 = arith.constant 16 : i32
        %add3A_925 = vector.broadcast %add3A_924 : i32 to vector<16xi32>
        %add3A_926 = arith.addi %add3A_722, %add3A_925 : vector<16xi32>
        %select_n3A_927 = arith.select %lt3A_923, %add3A_926, %add3A_722 : vector<16xi1>, vector<16xi32>
        %broadcast_in_dim3A_928 = vector.shape_cast %select_n3A_927 : vector<16xi32> to vector<16x1xi32>
        %gather3A_929 = vector.shape_cast %broadcast_in_dim3A_928 : vector<16x1xi32> to vector<16xi32>
        %gather3A_930 = tpu.dynamic_gather %gather3A_38[%gather3A_929] in [0] : vector<16xf32>, vector<16xi32> -> vector<16xf32>
        %mul3A_931 = arith.constant 16 : i32
        %mul3A_932 = arith.muli %scan3A_642, %mul3A_931 : i32
        %swap3A_933 = arith.constant 0 : i32
        %swap3A_934 = arith.constant 11 : i32
        %swap3A_935 = arith.index_cast %swap3A_933 : i32 to index
        %swap3A_936 = arith.index_cast %swap3A_934 : i32 to index
        %swap3A_937 = arith.index_cast %mul3A_932 : i32 to index
        %swap3A_938 = tpu.vector_load %arg7[%swap3A_935, %swap3A_936, %swap3A_937] {strides = array<i32>} : memref<2x20x2048xf32, #tpu.memory_space<vmem>>, vector<16xf32>,
        tpu.vector_store %arg7[%swap3A_935, %swap3A_936, %swap3A_937], %gather3A_930 {strides = array<i32>} : memref<2x20x2048xf32, #tpu.memory_space<vmem>>, vector<16xf32>,
        %lt3A_939 = arith.constant 0 : i32
        %lt3A_940 = vector.broadcast %lt3A_939 : i32 to vector<16xi32>
        %lt3A_941 = arith.cmpi slt, %add3A_722, %lt3A_940 : vector<16xi32>
        %add3A_942 = arith.constant 16 : i32
        %add3A_943 = vector.broadcast %add3A_942 : i32 to vector<16xi32>
        %add3A_944 = arith.addi %add3A_722, %add3A_943 : vector<16xi32>
        %select_n3A_945 = arith.select %lt3A_941, %add3A_944, %add3A_722 : vector<16xi1>, vector<16xi32>
        %broadcast_in_dim3A_946 = vector.shape_cast %select_n3A_945 : vector<16xi32> to vector<16x1xi32>
        %gather3A_947 = vector.shape_cast %broadcast_in_dim3A_946 : vector<16x1xi32> to vector<16xi32>
        %gather3A_948 = tpu.dynamic_gather %gather3A_41[%gather3A_947] in [0] : vector<16xf32>, vector<16xi32> -> vector<16xf32>
        %mul3A_949 = arith.constant 16 : i32
        %mul3A_950 = arith.muli %scan3A_642, %mul3A_949 : i32
        %swap3A_951 = arith.constant 0 : i32
        %swap3A_952 = arith.constant 12 : i32
        %swap3A_953 = arith.index_cast %swap3A_951 : i32 to index
        %swap3A_954 = arith.index_cast %swap3A_952 : i32 to index
        %swap3A_955 = arith.index_cast %mul3A_950 : i32 to index
        %swap3A_956 = tpu.vector_load %arg7[%swap3A_953, %swap3A_954, %swap3A_955] {strides = array<i32>} : memref<2x20x2048xf32, #tpu.memory_space<vmem>>, vector<16xf32>,
        tpu.vector_store %arg7[%swap3A_953, %swap3A_954, %swap3A_955], %gather3A_948 {strides = array<i32>} : memref<2x20x2048xf32, #tpu.memory_space<vmem>>, vector<16xf32>,
        %lt3A_957 = arith.constant 0 : i32
        %lt3A_958 = vector.broadcast %lt3A_957 : i32 to vector<16xi32>
        %lt3A_959 = arith.cmpi slt, %add3A_722, %lt3A_958 : vector<16xi32>
        %add3A_960 = arith.constant 16 : i32
        %add3A_961 = vector.broadcast %add3A_960 : i32 to vector<16xi32>
        %add3A_962 = arith.addi %add3A_722, %add3A_961 : vector<16xi32>
        %select_n3A_963 = arith.select %lt3A_959, %add3A_962, %add3A_722 : vector<16xi1>, vector<16xi32>
        %broadcast_in_dim3A_964 = vector.shape_cast %select_n3A_963 : vector<16xi32> to vector<16x1xi32>
        %gather3A_965 = vector.shape_cast %broadcast_in_dim3A_964 : vector<16x1xi32> to vector<16xi32>
        %gather3A_966 = tpu.dynamic_gather %gather3A_44[%gather3A_965] in [0] : vector<16xf32>, vector<16xi32> -> vector<16xf32>
        %mul3A_967 = arith.constant 16 : i32
        %mul3A_968 = arith.muli %scan3A_642, %mul3A_967 : i32
        %swap3A_969 = arith.constant 0 : i32
        %swap3A_970 = arith.constant 13 : i32
        %swap3A_971 = arith.index_cast %swap3A_969 : i32 to index
        %swap3A_972 = arith.index_cast %swap3A_970 : i32 to index
        %swap3A_973 = arith.index_cast %mul3A_968 : i32 to index
        %swap3A_974 = tpu.vector_load %arg7[%swap3A_971, %swap3A_972, %swap3A_973] {strides = array<i32>} : memref<2x20x2048xf32, #tpu.memory_space<vmem>>, vector<16xf32>,
        tpu.vector_store %arg7[%swap3A_971, %swap3A_972, %swap3A_973], %gather3A_966 {strides = array<i32>} : memref<2x20x2048xf32, #tpu.memory_space<vmem>>, vector<16xf32>,
        %lt3A_975 = arith.constant 0 : i32
        %lt3A_976 = vector.broadcast %lt3A_975 : i32 to vector<16xi32>
        %lt3A_977 = arith.cmpi slt, %add3A_722, %lt3A_976 : vector<16xi32>
        %add3A_978 = arith.constant 16 : i32
        %add3A_979 = vector.broadcast %add3A_978 : i32 to vector<16xi32>
        %add3A_980 = arith.addi %add3A_722, %add3A_979 : vector<16xi32>
        %select_n3A_981 = arith.select %lt3A_977, %add3A_980, %add3A_722 : vector<16xi1>, vector<16xi32>
        %broadcast_in_dim3A_982 = vector.shape_cast %select_n3A_981 : vector<16xi32> to vector<16x1xi32>
        %gather3A_983 = vector.shape_cast %broadcast_in_dim3A_982 : vector<16x1xi32> to vector<16xi32>
        %gather3A_984 = tpu.dynamic_gather %gather3A_47[%gather3A_983] in [0] : vector<16xf32>, vector<16xi32> -> vector<16xf32>
        %mul3A_985 = arith.constant 16 : i32
        %mul3A_986 = arith.muli %scan3A_642, %mul3A_985 : i32
        %swap3A_987 = arith.constant 0 : i32
        %swap3A_988 = arith.constant 14 : i32
        %swap3A_989 = arith.index_cast %swap3A_987 : i32 to index
        %swap3A_990 = arith.index_cast %swap3A_988 : i32 to index
        %swap3A_991 = arith.index_cast %mul3A_986 : i32 to index
        %swap3A_992 = tpu.vector_load %arg7[%swap3A_989, %swap3A_990, %swap3A_991] {strides = array<i32>} : memref<2x20x2048xf32, #tpu.memory_space<vmem>>, vector<16xf32>,
        tpu.vector_store %arg7[%swap3A_989, %swap3A_990, %swap3A_991], %gather3A_984 {strides = array<i32>} : memref<2x20x2048xf32, #tpu.memory_space<vmem>>, vector<16xf32>,
        %lt3A_993 = arith.constant 0 : i32
        %lt3A_994 = vector.broadcast %lt3A_993 : i32 to vector<16xi32>
        %lt3A_995 = arith.cmpi slt, %add3A_722, %lt3A_994 : vector<16xi32>
        %add3A_996 = arith.constant 16 : i32
        %add3A_997 = vector.broadcast %add3A_996 : i32 to vector<16xi32>
        %add3A_998 = arith.addi %add3A_722, %add3A_997 : vector<16xi32>
        %select_n3A_999 = arith.select %lt3A_995, %add3A_998, %add3A_722 : vector<16xi1>, vector<16xi32>
        %broadcast_in_dim3A_1000 = vector.shape_cast %select_n3A_999 : vector<16xi32> to vector<16x1xi32>
        %gather3A_1001 = vector.shape_cast %broadcast_in_dim3A_1000 : vector<16x1xi32> to vector<16xi32>
        %gather3A_1002 = tpu.dynamic_gather %gather3A_50[%gather3A_1001] in [0] : vector<16xf32>, vector<16xi32> -> vector<16xf32>
        %mul3A_1003 = arith.constant 16 : i32
        %mul3A_1004 = arith.muli %scan3A_642, %mul3A_1003 : i32
        %swap3A_1005 = arith.constant 0 : i32
        %swap3A_1006 = arith.constant 15 : i32
        %swap3A_1007 = arith.index_cast %swap3A_1005 : i32 to index
        %swap3A_1008 = arith.index_cast %swap3A_1006 : i32 to index
        %swap3A_1009 = arith.index_cast %mul3A_1004 : i32 to index
        %swap3A_1010 = tpu.vector_load %arg7[%swap3A_1007, %swap3A_1008, %swap3A_1009] {strides = array<i32>} : memref<2x20x2048xf32, #tpu.memory_space<vmem>>, vector<16xf32>,
        tpu.vector_store %arg7[%swap3A_1007, %swap3A_1008, %swap3A_1009], %gather3A_1002 {strides = array<i32>} : memref<2x20x2048xf32, #tpu.memory_space<vmem>>, vector<16xf32>,
        %lt3A_1011 = arith.constant 0 : i32
        %lt3A_1012 = vector.broadcast %lt3A_1011 : i32 to vector<16xi32>
        %lt3A_1013 = arith.cmpi slt, %add3A_722, %lt3A_1012 : vector<16xi32>
        %add3A_1014 = arith.constant 16 : i32
        %add3A_1015 = vector.broadcast %add3A_1014 : i32 to vector<16xi32>
        %add3A_1016 = arith.addi %add3A_722, %add3A_1015 : vector<16xi32>
        %select_n3A_1017 = arith.select %lt3A_1013, %add3A_1016, %add3A_722 : vector<16xi1>, vector<16xi32>
        %broadcast_in_dim3A_1018 = vector.shape_cast %select_n3A_1017 : vector<16xi32> to vector<16x1xi32>
        %gather3A_1019 = vector.shape_cast %broadcast_in_dim3A_1018 : vector<16x1xi32> to vector<16xi32>
        %gather3A_1020 = tpu.dynamic_gather %gather3A_53[%gather3A_1019] in [0] : vector<16xf32>, vector<16xi32> -> vector<16xf32>
        %mul3A_1021 = arith.constant 16 : i32
        %mul3A_1022 = arith.muli %scan3A_642, %mul3A_1021 : i32
        %swap3A_1023 = arith.constant 0 : i32
        %swap3A_1024 = arith.constant 16 : i32
        %swap3A_1025 = arith.index_cast %swap3A_1023 : i32 to index
        %swap3A_1026 = arith.index_cast %swap3A_1024 : i32 to index
        %swap3A_1027 = arith.index_cast %mul3A_1022 : i32 to index
        %swap3A_1028 = tpu.vector_load %arg7[%swap3A_1025, %swap3A_1026, %swap3A_1027] {strides = array<i32>} : memref<2x20x2048xf32, #tpu.memory_space<vmem>>, vector<16xf32>,
        tpu.vector_store %arg7[%swap3A_1025, %swap3A_1026, %swap3A_1027], %gather3A_1020 {strides = array<i32>} : memref<2x20x2048xf32, #tpu.memory_space<vmem>>, vector<16xf32>,
        %lt3A_1029 = arith.constant 0 : i32
        %lt3A_1030 = vector.broadcast %lt3A_1029 : i32 to vector<16xi32>
        %lt3A_1031 = arith.cmpi slt, %add3A_722, %lt3A_1030 : vector<16xi32>
        %add3A_1032 = arith.constant 16 : i32
        %add3A_1033 = vector.broadcast %add3A_1032 : i32 to vector<16xi32>
        %add3A_1034 = arith.addi %add3A_722, %add3A_1033 : vector<16xi32>
        %select_n3A_1035 = arith.select %lt3A_1031, %add3A_1034, %add3A_722 : vector<16xi1>, vector<16xi32>
        %broadcast_in_dim3A_1036 = vector.shape_cast %select_n3A_1035 : vector<16xi32> to vector<16x1xi32>
        %gather3A_1037 = vector.shape_cast %broadcast_in_dim3A_1036 : vector<16x1xi32> to vector<16xi32>
        %gather3A_1038 = tpu.dynamic_gather %gather3A_56[%gather3A_1037] in [0] : vector<16xf32>, vector<16xi32> -> vector<16xf32>
        %mul3A_1039 = arith.constant 16 : i32
        %mul3A_1040 = arith.muli %scan3A_642, %mul3A_1039 : i32
        %swap3A_1041 = arith.constant 0 : i32
        %swap3A_1042 = arith.constant 17 : i32
        %swap3A_1043 = arith.index_cast %swap3A_1041 : i32 to index
        %swap3A_1044 = arith.index_cast %swap3A_1042 : i32 to index
        %swap3A_1045 = arith.index_cast %mul3A_1040 : i32 to index
        %swap3A_1046 = tpu.vector_load %arg7[%swap3A_1043, %swap3A_1044, %swap3A_1045] {strides = array<i32>} : memref<2x20x2048xf32, #tpu.memory_space<vmem>>, vector<16xf32>,
        tpu.vector_store %arg7[%swap3A_1043, %swap3A_1044, %swap3A_1045], %gather3A_1038 {strides = array<i32>} : memref<2x20x2048xf32, #tpu.memory_space<vmem>>, vector<16xf32>,
        %lt3A_1047 = arith.constant 0 : i32
        %lt3A_1048 = vector.broadcast %lt3A_1047 : i32 to vector<16xi32>
        %lt3A_1049 = arith.cmpi slt, %add3A_722, %lt3A_1048 : vector<16xi32>
        %add3A_1050 = arith.constant 16 : i32
        %add3A_1051 = vector.broadcast %add3A_1050 : i32 to vector<16xi32>
        %add3A_1052 = arith.addi %add3A_722, %add3A_1051 : vector<16xi32>
        %select_n3A_1053 = arith.select %lt3A_1049, %add3A_1052, %add3A_722 : vector<16xi1>, vector<16xi32>
        %broadcast_in_dim3A_1054 = vector.shape_cast %select_n3A_1053 : vector<16xi32> to vector<16x1xi32>
        %gather3A_1055 = vector.shape_cast %broadcast_in_dim3A_1054 : vector<16x1xi32> to vector<16xi32>
        %gather3A_1056 = tpu.dynamic_gather %gather3A_59[%gather3A_1055] in [0] : vector<16xf32>, vector<16xi32> -> vector<16xf32>
        %mul3A_1057 = arith.constant 16 : i32
        %mul3A_1058 = arith.muli %scan3A_642, %mul3A_1057 : i32
        %swap3A_1059 = arith.constant 0 : i32
        %swap3A_1060 = arith.constant 18 : i32
        %swap3A_1061 = arith.index_cast %swap3A_1059 : i32 to index
        %swap3A_1062 = arith.index_cast %swap3A_1060 : i32 to index
        %swap3A_1063 = arith.index_cast %mul3A_1058 : i32 to index
        %swap3A_1064 = tpu.vector_load %arg7[%swap3A_1061, %swap3A_1062, %swap3A_1063] {strides = array<i32>} : memref<2x20x2048xf32, #tpu.memory_space<vmem>>, vector<16xf32>,
        tpu.vector_store %arg7[%swap3A_1061, %swap3A_1062, %swap3A_1063], %gather3A_1056 {strides = array<i32>} : memref<2x20x2048xf32, #tpu.memory_space<vmem>>, vector<16xf32>,
        %lt3A_1065 = arith.constant 0 : i32
        %lt3A_1066 = vector.broadcast %lt3A_1065 : i32 to vector<16xi32>
        %lt3A_1067 = arith.cmpi slt, %add3A_722, %lt3A_1066 : vector<16xi32>
        %add3A_1068 = arith.constant 16 : i32
        %add3A_1069 = vector.broadcast %add3A_1068 : i32 to vector<16xi32>
        %add3A_1070 = arith.addi %add3A_722, %add3A_1069 : vector<16xi32>
        %select_n3A_1071 = arith.select %lt3A_1067, %add3A_1070, %add3A_722 : vector<16xi1>, vector<16xi32>
        %broadcast_in_dim3A_1072 = vector.shape_cast %select_n3A_1071 : vector<16xi32> to vector<16x1xi32>
        %gather3A_1073 = vector.shape_cast %broadcast_in_dim3A_1072 : vector<16x1xi32> to vector<16xi32>
        %gather3A_1074 = tpu.dynamic_gather %gather3A_62[%gather3A_1073] in [0] : vector<16xf32>, vector<16xi32> -> vector<16xf32>
        %mul3A_1075 = arith.constant 16 : i32
        %mul3A_1076 = arith.muli %scan3A_642, %mul3A_1075 : i32
        %swap3A_1077 = arith.constant 0 : i32
        %swap3A_1078 = arith.constant 19 : i32
        %swap3A_1079 = arith.index_cast %swap3A_1077 : i32 to index
        %swap3A_1080 = arith.index_cast %swap3A_1078 : i32 to index
        %swap3A_1081 = arith.index_cast %mul3A_1076 : i32 to index
        %swap3A_1082 = tpu.vector_load %arg7[%swap3A_1079, %swap3A_1080, %swap3A_1081] {strides = array<i32>} : memref<2x20x2048xf32, #tpu.memory_space<vmem>>, vector<16xf32>,
        tpu.vector_store %arg7[%swap3A_1079, %swap3A_1080, %swap3A_1081], %gather3A_1074 {strides = array<i32>} : memref<2x20x2048xf32, #tpu.memory_space<vmem>>, vector<16xf32>,
      }
      %scan3A_137 = arith.constant 128 : i32
      %mul3A_138 = arith.constant 2048 : i32
      %mul3A_139 = arith.muli %add3A_111, %mul3A_138 : i32
      %add3A_140 = arith.addi %mul3A_2, %mul3A_139 : i32
      %dma_start3A_141 = arith.constant 0 : i32
      %dma_start3A_142 = arith.constant 0 : i32
      %dma_start3A_143 = arith.constant 0 : i32
      %dma_start3A_144 = tpu.memref_slice %arg7[%dma_start3A_141, %dma_start3A_142, %dma_start3A_143] : memref<2x20x2048xf32, #tpu.memory_space<vmem>> -> memref<1x20x2048xf32, #tpu.memory_space<vmem>>
      %dma_start3A_145 = tpu.memref_squeeze %dma_start3A_144 : memref<1x20x2048xf32, #tpu.memory_space<vmem>> -> memref<20x2048xf32, #tpu.memory_space<vmem>>
      %dma_start3A_146 = arith.constant 0 : i32
      %dma_start3A_147 = tpu.memref_slice %arg4[%dma_start3A_146, %add3A_140] : memref<20x1048576xf32, #tpu.memory_space<hbm>> -> memref<20x2048xf32, #tpu.memory_space<hbm>>
      %dma_start3A_148 = arith.constant 0 : i32
      %dma_start3A_149 = tpu.memref_slice %arg4[%dma_start3A_148, %add3A_140] : memref<20x1048576xf32, #tpu.memory_space<hbm>> -> memref<20x2048xf32, #tpu.memory_space<hbm>>
      %dma_start3A_150 = arith.constant 0 : i32
      %dma_start3A_151 = arith.constant 0 : i32
      %dma_start3A_152 = tpu.memref_slice %arg7[%dma_start3A_141, %dma_start3A_150, %dma_start3A_151] : memref<2x20x2048xf32, #tpu.memory_space<vmem>> -> memref<1x20x2048xf32, #tpu.memory_space<vmem>>
      %dma_start3A_153 = tpu.memref_squeeze %dma_start3A_152 : memref<1x20x2048xf32, #tpu.memory_space<vmem>> -> memref<20x2048xf32, #tpu.memory_space<vmem>>
      tpu.enqueue_dma source(%dma_start3A_153 : memref<20x2048xf32, #tpu.memory_space<vmem>>) target(%dma_start3A_149 : memref<20x2048xf32, #tpu.memory_space<hbm>>) target_semaphore(%arg9 : memref<!tpu.dma_semaphore, #tpu.memory_space<semaphore_mem>>)
      %mul3A_154 = arith.constant 2 : i32
      %mul3A_155 = arith.muli %scan3A_107, %mul3A_154 : i32
      %add3A_156 = arith.constant 1 : i32
      %add3A_157 = arith.addi %mul3A_155, %add3A_156 : i32
      %mul3A_158 = arith.constant 2048 : i32
      %mul3A_159 = arith.muli %add3A_157, %mul3A_158 : i32
      %add3A_160 = arith.addi %mul3A_2, %mul3A_159 : i32
      %dma_wait3A_161 = arith.constant 1 : i32
      %dma_wait3A_162 = arith.constant 0 : i32
      %dma_wait3A_163 = tpu.memref_slice %arg6[%dma_wait3A_161, %dma_wait3A_162] : memref<2x2048xi32, #tpu.memory_space<vmem>> -> memref<1x2048xi32, #tpu.memory_space<vmem>>
      %dma_wait3A_164 = tpu.memref_squeeze %dma_wait3A_163 : memref<1x2048xi32, #tpu.memory_space<vmem>> -> memref<2048xi32, #tpu.memory_space<vmem>>
      %dma_wait3A_165 = tpu.memref_slice %arg2[%add3A_160] : memref<1048576xi32, #tpu.memory_space<hbm>> -> memref<2048xi32, #tpu.memory_space<hbm>>
      %dma_wait3A_166 = arith.constant 0 : i32
      %dma_wait3A_167 = tpu.memref_slice %arg6[%dma_wait3A_161, %dma_wait3A_166] : memref<2x2048xi32, #tpu.memory_space<vmem>> -> memref<1x2048xi32, #tpu.memory_space<vmem>>
      %dma_wait3A_168 = tpu.memref_squeeze %dma_wait3A_167 : memref<1x2048xi32, #tpu.memory_space<vmem>> -> memref<2048xi32, #tpu.memory_space<vmem>>
      %dma_wait3A_169 = tpu.memref_slice %arg2[%add3A_160] : memref<1048576xi32, #tpu.memory_space<hbm>> -> memref<2048xi32, #tpu.memory_space<hbm>>
      tpu.wait_dma2 semaphore(%arg8 : memref<!tpu.dma_semaphore, #tpu.memory_space<semaphore_mem>>) src(%dma_wait3A_169 : memref<2048xi32, #tpu.memory_space<hbm>>) dst(%dma_wait3A_168 : memref<2048xi32, #tpu.memory_space<vmem>>)
      %add3A_170 = arith.constant 1 : i32
      %add3A_171 = arith.addi %add3A_157, %add3A_170 : i32
      %lt3A_172 = arith.constant 16 : i32
      %lt3A_173 = arith.cmpi slt, %add3A_171, %lt3A_172 : i32
      %convert_element_type3A_174 = arith.extui %lt3A_173 : i1 to i32
      %cond3A_175 = arith.constant 0 : i32
      %cond3A_176 = arith.cmpi ne, %convert_element_type3A_174, %cond3A_175 : i32
      scf.if %cond3A_176 {
        %add3A_204 = arith.constant 1 : i32
        %add3A_205 = arith.addi %add3A_157, %add3A_204 : i32
        %mul3A_206 = arith.constant 2048 : i32
        %mul3A_207 = arith.muli %add3A_205, %mul3A_206 : i32
        %add3A_208 = arith.addi %mul3A_2, %mul3A_207 : i32
        %dma_start3A_209 = arith.constant 0 : i32
        %dma_start3A_210 = arith.constant 0 : i32
        %dma_start3A_211 = tpu.memref_slice %arg6[%dma_start3A_209, %dma_start3A_210] : memref<2x2048xi32, #tpu.memory_space<vmem>> -> memref<1x2048xi32, #tpu.memory_space<vmem>>
        %dma_start3A_212 = tpu.memref_squeeze %dma_start3A_211 : memref<1x2048xi32, #tpu.memory_space<vmem>> -> memref<2048xi32, #tpu.memory_space<vmem>>
        %dma_start3A_213 = tpu.memref_slice %arg2[%add3A_208] : memref<1048576xi32, #tpu.memory_space<hbm>> -> memref<2048xi32, #tpu.memory_space<hbm>>
        %dma_start3A_214 = arith.constant 0 : i32
        %dma_start3A_215 = tpu.memref_slice %arg6[%dma_start3A_209, %dma_start3A_214] : memref<2x2048xi32, #tpu.memory_space<vmem>> -> memref<1x2048xi32, #tpu.memory_space<vmem>>
        %dma_start3A_216 = tpu.memref_squeeze %dma_start3A_215 : memref<1x2048xi32, #tpu.memory_space<vmem>> -> memref<2048xi32, #tpu.memory_space<vmem>>
        %dma_start3A_217 = tpu.memref_slice %arg2[%add3A_208] : memref<1048576xi32, #tpu.memory_space<hbm>> -> memref<2048xi32, #tpu.memory_space<hbm>>
        tpu.enqueue_dma source(%dma_start3A_217 : memref<2048xi32, #tpu.memory_space<hbm>>) target(%dma_start3A_216 : memref<2048xi32, #tpu.memory_space<vmem>>) target_semaphore(%arg8 : memref<!tpu.dma_semaphore, #tpu.memory_space<semaphore_mem>>)
      } else {
      }
      %ge3A_177 = arith.constant 2 : i32
      %ge3A_178 = arith.cmpi sge, %add3A_157, %ge3A_177 : i32
      %convert_element_type3A_179 = arith.extui %ge3A_178 : i1 to i32
      %cond3A_180 = arith.constant 0 : i32
      %cond3A_181 = arith.cmpi ne, %convert_element_type3A_179, %cond3A_180 : i32
      scf.if %cond3A_181 {
        %sub3A = arith.constant 2 : i32
        %sub3A_204 = arith.subi %add3A_157, %sub3A : i32
        %mul3A_205 = arith.constant 2048 : i32
        %mul3A_206 = arith.muli %sub3A_204, %mul3A_205 : i32
        %add3A_207 = arith.addi %mul3A_2, %mul3A_206 : i32
        %dma_wait3A_208 = arith.constant 1 : i32
        %dma_wait3A_209 = arith.constant 0 : i32
        %dma_wait3A_210 = arith.constant 0 : i32
        %dma_wait3A_211 = tpu.memref_slice %arg7[%dma_wait3A_208, %dma_wait3A_209, %dma_wait3A_210] : memref<2x20x2048xf32, #tpu.memory_space<vmem>> -> memref<1x20x2048xf32, #tpu.memory_space<vmem>>
        %dma_wait3A_212 = tpu.memref_squeeze %dma_wait3A_211 : memref<1x20x2048xf32, #tpu.memory_space<vmem>> -> memref<20x2048xf32, #tpu.memory_space<vmem>>
        %dma_wait3A_213 = arith.constant 0 : i32
        %dma_wait3A_214 = tpu.memref_slice %arg4[%dma_wait3A_213, %add3A_207] : memref<20x1048576xf32, #tpu.memory_space<hbm>> -> memref<20x2048xf32, #tpu.memory_space<hbm>>
        %dma_wait3A_215 = arith.constant 0 : i32
        %dma_wait3A_216 = tpu.memref_slice %arg4[%dma_wait3A_215, %add3A_207] : memref<20x1048576xf32, #tpu.memory_space<hbm>> -> memref<20x2048xf32, #tpu.memory_space<hbm>>
        %dma_wait3A_217 = arith.constant 0 : i32
        %dma_wait3A_218 = arith.constant 0 : i32
        %dma_wait3A_219 = tpu.memref_slice %arg7[%dma_wait3A_208, %dma_wait3A_217, %dma_wait3A_218] : memref<2x20x2048xf32, #tpu.memory_space<vmem>> -> memref<1x20x2048xf32, #tpu.memory_space<vmem>>
        %dma_wait3A_220 = tpu.memref_squeeze %dma_wait3A_219 : memref<1x20x2048xf32, #tpu.memory_space<vmem>> -> memref<20x2048xf32, #tpu.memory_space<vmem>>
        tpu.wait_dma2 semaphore(%arg9 : memref<!tpu.dma_semaphore, #tpu.memory_space<semaphore_mem>>) src(%dma_wait3A_220 : memref<20x2048xf32, #tpu.memory_space<vmem>>) dst(%dma_wait3A_216 : memref<20x2048xf32, #tpu.memory_space<hbm>>)
      } else {
      }
      %scan3A_182 = arith.constant 0 : i32
      %scan3A_183 = arith.constant 0 : i32
      %scan3A_184 = arith.constant 128 : i32
      %scan3A_185 = arith.addi %scan3A_183, %scan3A_184 : i32
      %scan3A_186 = arith.constant 2 : i32
      scf.for %scan3A_204 = %scan3A_183 to %scan3A_185 step %scan3A_186  : i32 {
        %mul3A_205 = arith.constant 16 : i32
        %mul3A_206 = arith.muli %scan3A_204, %mul3A_205 : i32
        %get3A = arith.constant 1 : i32
        %get3A_207 = arith.index_cast %get3A : i32 to index
        %get3A_208 = arith.index_cast %mul3A_206 : i32 to index
        %get3A_209 = tpu.vector_load %arg6[%get3A_207, %get3A_208] {strides = array<i32>} : memref<2x2048xi32, #tpu.memory_space<vmem>>, vector<16xi32>,
        %broadcast_in_dim3A_210 = arith.constant 0 : i32
        %broadcast_in_dim3A_211 = vector.broadcast %broadcast_in_dim3A_210 : i32 to vector<16xi32>
        %ge3A_212 = arith.constant 1 : i32
        %ge3A_213 = vector.broadcast %ge3A_212 : i32 to vector<16xi32>
        %ge3A_214 = arith.cmpi sge, %get3A_209, %ge3A_213 : vector<16xi32>
        %jit3A = arith.constant 1 : i32
        %jit3A_215 = arith.constant 0 : i32
        %broadcast_in_dim3A_216 = vector.broadcast %jit3A : i32 to vector<16xi32>
        %broadcast_in_dim3A_217 = vector.broadcast %jit3A_215 : i32 to vector<16xi32>
        %select_n3A = arith.select %ge3A_214, %broadcast_in_dim3A_216, %broadcast_in_dim3A_217 : vector<16xi1>, vector<16xi32>
        %add3A_218 = arith.addi %broadcast_in_dim3A_211, %select_n3A : vector<16xi32>
        %ge3A_219 = arith.constant 2 : i32
        %ge3A_220 = vector.broadcast %ge3A_219 : i32 to vector<16xi32>
        %ge3A_221 = arith.cmpi sge, %get3A_209, %ge3A_220 : vector<16xi32>
        %jit3A_222 = arith.constant 1 : i32
        %jit3A_223 = arith.constant 0 : i32
        %broadcast_in_dim3A_224 = vector.broadcast %jit3A_222 : i32 to vector<16xi32>
        %broadcast_in_dim3A_225 = vector.broadcast %jit3A_223 : i32 to vector<16xi32>
        %select_n3A_226 = arith.select %ge3A_221, %broadcast_in_dim3A_224, %broadcast_in_dim3A_225 : vector<16xi1>, vector<16xi32>
        %add3A_227 = arith.addi %add3A_218, %select_n3A_226 : vector<16xi32>
        %ge3A_228 = arith.constant 3 : i32
        %ge3A_229 = vector.broadcast %ge3A_228 : i32 to vector<16xi32>
        %ge3A_230 = arith.cmpi sge, %get3A_209, %ge3A_229 : vector<16xi32>
        %jit3A_231 = arith.constant 1 : i32
        %jit3A_232 = arith.constant 0 : i32
        %broadcast_in_dim3A_233 = vector.broadcast %jit3A_231 : i32 to vector<16xi32>
        %broadcast_in_dim3A_234 = vector.broadcast %jit3A_232 : i32 to vector<16xi32>
        %select_n3A_235 = arith.select %ge3A_230, %broadcast_in_dim3A_233, %broadcast_in_dim3A_234 : vector<16xi1>, vector<16xi32>
        %add3A_236 = arith.addi %add3A_227, %select_n3A_235 : vector<16xi32>
        %ge3A_237 = arith.constant 4 : i32
        %ge3A_238 = vector.broadcast %ge3A_237 : i32 to vector<16xi32>
        %ge3A_239 = arith.cmpi sge, %get3A_209, %ge3A_238 : vector<16xi32>
        %jit3A_240 = arith.constant 1 : i32
        %jit3A_241 = arith.constant 0 : i32
        %broadcast_in_dim3A_242 = vector.broadcast %jit3A_240 : i32 to vector<16xi32>
        %broadcast_in_dim3A_243 = vector.broadcast %jit3A_241 : i32 to vector<16xi32>
        %select_n3A_244 = arith.select %ge3A_239, %broadcast_in_dim3A_242, %broadcast_in_dim3A_243 : vector<16xi1>, vector<16xi32>
        %add3A_245 = arith.addi %add3A_236, %select_n3A_244 : vector<16xi32>
        %ge3A_246 = arith.constant 8 : i32
        %ge3A_247 = vector.broadcast %ge3A_246 : i32 to vector<16xi32>
        %ge3A_248 = arith.cmpi sge, %get3A_209, %ge3A_247 : vector<16xi32>
        %jit3A_249 = arith.constant 1 : i32
        %jit3A_250 = arith.constant 0 : i32
        %broadcast_in_dim3A_251 = vector.broadcast %jit3A_249 : i32 to vector<16xi32>
        %broadcast_in_dim3A_252 = vector.broadcast %jit3A_250 : i32 to vector<16xi32>
        %select_n3A_253 = arith.select %ge3A_248, %broadcast_in_dim3A_251, %broadcast_in_dim3A_252 : vector<16xi1>, vector<16xi32>
        %add3A_254 = arith.addi %add3A_245, %select_n3A_253 : vector<16xi32>
        %ge3A_255 = arith.constant 16 : i32
        %ge3A_256 = vector.broadcast %ge3A_255 : i32 to vector<16xi32>
        %ge3A_257 = arith.cmpi sge, %get3A_209, %ge3A_256 : vector<16xi32>
        %jit3A_258 = arith.constant 1 : i32
        %jit3A_259 = arith.constant 0 : i32
        %broadcast_in_dim3A_260 = vector.broadcast %jit3A_258 : i32 to vector<16xi32>
        %broadcast_in_dim3A_261 = vector.broadcast %jit3A_259 : i32 to vector<16xi32>
        %select_n3A_262 = arith.select %ge3A_257, %broadcast_in_dim3A_260, %broadcast_in_dim3A_261 : vector<16xi1>, vector<16xi32>
        %add3A_263 = arith.addi %add3A_254, %select_n3A_262 : vector<16xi32>
        %ge3A_264 = arith.constant 32 : i32
        %ge3A_265 = vector.broadcast %ge3A_264 : i32 to vector<16xi32>
        %ge3A_266 = arith.cmpi sge, %get3A_209, %ge3A_265 : vector<16xi32>
        %jit3A_267 = arith.constant 1 : i32
        %jit3A_268 = arith.constant 0 : i32
        %broadcast_in_dim3A_269 = vector.broadcast %jit3A_267 : i32 to vector<16xi32>
        %broadcast_in_dim3A_270 = vector.broadcast %jit3A_268 : i32 to vector<16xi32>
        %select_n3A_271 = arith.select %ge3A_266, %broadcast_in_dim3A_269, %broadcast_in_dim3A_270 : vector<16xi1>, vector<16xi32>
        %add3A_272 = arith.addi %add3A_263, %select_n3A_271 : vector<16xi32>
        %ge3A_273 = arith.constant 64 : i32
        %ge3A_274 = vector.broadcast %ge3A_273 : i32 to vector<16xi32>
        %ge3A_275 = arith.cmpi sge, %get3A_209, %ge3A_274 : vector<16xi32>
        %jit3A_276 = arith.constant 1 : i32
        %jit3A_277 = arith.constant 0 : i32
        %broadcast_in_dim3A_278 = vector.broadcast %jit3A_276 : i32 to vector<16xi32>
        %broadcast_in_dim3A_279 = vector.broadcast %jit3A_277 : i32 to vector<16xi32>
        %select_n3A_280 = arith.select %ge3A_275, %broadcast_in_dim3A_278, %broadcast_in_dim3A_279 : vector<16xi1>, vector<16xi32>
        %add3A_281 = arith.addi %add3A_272, %select_n3A_280 : vector<16xi32>
        %lt3A_282 = arith.constant 0 : i32
        %lt3A_283 = vector.broadcast %lt3A_282 : i32 to vector<16xi32>
        %lt3A_284 = arith.cmpi slt, %add3A_281, %lt3A_283 : vector<16xi32>
        %add3A_285 = arith.constant 16 : i32
        %add3A_286 = vector.broadcast %add3A_285 : i32 to vector<16xi32>
        %add3A_287 = arith.addi %add3A_281, %add3A_286 : vector<16xi32>
        %select_n3A_288 = arith.select %lt3A_284, %add3A_287, %add3A_281 : vector<16xi1>, vector<16xi32>
        %broadcast_in_dim3A_289 = vector.shape_cast %select_n3A_288 : vector<16xi32> to vector<16x1xi32>
        %gather3A_290 = vector.shape_cast %broadcast_in_dim3A_289 : vector<16x1xi32> to vector<16xi32>
        %gather3A_291 = tpu.dynamic_gather %gather3A[%gather3A_290] in [0] : vector<16xf32>, vector<16xi32> -> vector<16xf32>
        %mul3A_292 = arith.constant 16 : i32
        %mul3A_293 = arith.muli %scan3A_204, %mul3A_292 : i32
        %swap3A = arith.constant 1 : i32
        %swap3A_294 = arith.constant 0 : i32
        %swap3A_295 = arith.index_cast %swap3A : i32 to index
        %swap3A_296 = arith.index_cast %swap3A_294 : i32 to index
        %swap3A_297 = arith.index_cast %mul3A_293 : i32 to index
        %swap3A_298 = tpu.vector_load %arg7[%swap3A_295, %swap3A_296, %swap3A_297] {strides = array<i32>} : memref<2x20x2048xf32, #tpu.memory_space<vmem>>, vector<16xf32>,
        tpu.vector_store %arg7[%swap3A_295, %swap3A_296, %swap3A_297], %gather3A_291 {strides = array<i32>} : memref<2x20x2048xf32, #tpu.memory_space<vmem>>, vector<16xf32>,
        %lt3A_299 = arith.constant 0 : i32
        %lt3A_300 = vector.broadcast %lt3A_299 : i32 to vector<16xi32>
        %lt3A_301 = arith.cmpi slt, %add3A_281, %lt3A_300 : vector<16xi32>
        %add3A_302 = arith.constant 16 : i32
        %add3A_303 = vector.broadcast %add3A_302 : i32 to vector<16xi32>
        %add3A_304 = arith.addi %add3A_281, %add3A_303 : vector<16xi32>
        %select_n3A_305 = arith.select %lt3A_301, %add3A_304, %add3A_281 : vector<16xi1>, vector<16xi32>
        %broadcast_in_dim3A_306 = vector.shape_cast %select_n3A_305 : vector<16xi32> to vector<16x1xi32>
        %gather3A_307 = vector.shape_cast %broadcast_in_dim3A_306 : vector<16x1xi32> to vector<16xi32>
        %gather3A_308 = tpu.dynamic_gather %gather3A_8[%gather3A_307] in [0] : vector<16xf32>, vector<16xi32> -> vector<16xf32>
        %mul3A_309 = arith.constant 16 : i32
        %mul3A_310 = arith.muli %scan3A_204, %mul3A_309 : i32
        %swap3A_311 = arith.constant 1 : i32
        %swap3A_312 = arith.constant 1 : i32
        %swap3A_313 = arith.index_cast %swap3A_311 : i32 to index
        %swap3A_314 = arith.index_cast %swap3A_312 : i32 to index
        %swap3A_315 = arith.index_cast %mul3A_310 : i32 to index
        %swap3A_316 = tpu.vector_load %arg7[%swap3A_313, %swap3A_314, %swap3A_315] {strides = array<i32>} : memref<2x20x2048xf32, #tpu.memory_space<vmem>>, vector<16xf32>,
        tpu.vector_store %arg7[%swap3A_313, %swap3A_314, %swap3A_315], %gather3A_308 {strides = array<i32>} : memref<2x20x2048xf32, #tpu.memory_space<vmem>>, vector<16xf32>,
        %lt3A_317 = arith.constant 0 : i32
        %lt3A_318 = vector.broadcast %lt3A_317 : i32 to vector<16xi32>
        %lt3A_319 = arith.cmpi slt, %add3A_281, %lt3A_318 : vector<16xi32>
        %add3A_320 = arith.constant 16 : i32
        %add3A_321 = vector.broadcast %add3A_320 : i32 to vector<16xi32>
        %add3A_322 = arith.addi %add3A_281, %add3A_321 : vector<16xi32>
        %select_n3A_323 = arith.select %lt3A_319, %add3A_322, %add3A_281 : vector<16xi1>, vector<16xi32>
        %broadcast_in_dim3A_324 = vector.shape_cast %select_n3A_323 : vector<16xi32> to vector<16x1xi32>
        %gather3A_325 = vector.shape_cast %broadcast_in_dim3A_324 : vector<16x1xi32> to vector<16xi32>
        %gather3A_326 = tpu.dynamic_gather %gather3A_11[%gather3A_325] in [0] : vector<16xf32>, vector<16xi32> -> vector<16xf32>
        %mul3A_327 = arith.constant 16 : i32
        %mul3A_328 = arith.muli %scan3A_204, %mul3A_327 : i32
        %swap3A_329 = arith.constant 1 : i32
        %swap3A_330 = arith.constant 2 : i32
        %swap3A_331 = arith.index_cast %swap3A_329 : i32 to index
        %swap3A_332 = arith.index_cast %swap3A_330 : i32 to index
        %swap3A_333 = arith.index_cast %mul3A_328 : i32 to index
        %swap3A_334 = tpu.vector_load %arg7[%swap3A_331, %swap3A_332, %swap3A_333] {strides = array<i32>} : memref<2x20x2048xf32, #tpu.memory_space<vmem>>, vector<16xf32>,
        tpu.vector_store %arg7[%swap3A_331, %swap3A_332, %swap3A_333], %gather3A_326 {strides = array<i32>} : memref<2x20x2048xf32, #tpu.memory_space<vmem>>, vector<16xf32>,
        %lt3A_335 = arith.constant 0 : i32
        %lt3A_336 = vector.broadcast %lt3A_335 : i32 to vector<16xi32>
        %lt3A_337 = arith.cmpi slt, %add3A_281, %lt3A_336 : vector<16xi32>
        %add3A_338 = arith.constant 16 : i32
        %add3A_339 = vector.broadcast %add3A_338 : i32 to vector<16xi32>
        %add3A_340 = arith.addi %add3A_281, %add3A_339 : vector<16xi32>
        %select_n3A_341 = arith.select %lt3A_337, %add3A_340, %add3A_281 : vector<16xi1>, vector<16xi32>
        %broadcast_in_dim3A_342 = vector.shape_cast %select_n3A_341 : vector<16xi32> to vector<16x1xi32>
        %gather3A_343 = vector.shape_cast %broadcast_in_dim3A_342 : vector<16x1xi32> to vector<16xi32>
        %gather3A_344 = tpu.dynamic_gather %gather3A_14[%gather3A_343] in [0] : vector<16xf32>, vector<16xi32> -> vector<16xf32>
        %mul3A_345 = arith.constant 16 : i32
        %mul3A_346 = arith.muli %scan3A_204, %mul3A_345 : i32
        %swap3A_347 = arith.constant 1 : i32
        %swap3A_348 = arith.constant 3 : i32
        %swap3A_349 = arith.index_cast %swap3A_347 : i32 to index
        %swap3A_350 = arith.index_cast %swap3A_348 : i32 to index
        %swap3A_351 = arith.index_cast %mul3A_346 : i32 to index
        %swap3A_352 = tpu.vector_load %arg7[%swap3A_349, %swap3A_350, %swap3A_351] {strides = array<i32>} : memref<2x20x2048xf32, #tpu.memory_space<vmem>>, vector<16xf32>,
        tpu.vector_store %arg7[%swap3A_349, %swap3A_350, %swap3A_351], %gather3A_344 {strides = array<i32>} : memref<2x20x2048xf32, #tpu.memory_space<vmem>>, vector<16xf32>,
        %lt3A_353 = arith.constant 0 : i32
        %lt3A_354 = vector.broadcast %lt3A_353 : i32 to vector<16xi32>
        %lt3A_355 = arith.cmpi slt, %add3A_281, %lt3A_354 : vector<16xi32>
        %add3A_356 = arith.constant 16 : i32
        %add3A_357 = vector.broadcast %add3A_356 : i32 to vector<16xi32>
        %add3A_358 = arith.addi %add3A_281, %add3A_357 : vector<16xi32>
        %select_n3A_359 = arith.select %lt3A_355, %add3A_358, %add3A_281 : vector<16xi1>, vector<16xi32>
        %broadcast_in_dim3A_360 = vector.shape_cast %select_n3A_359 : vector<16xi32> to vector<16x1xi32>
        %gather3A_361 = vector.shape_cast %broadcast_in_dim3A_360 : vector<16x1xi32> to vector<16xi32>
        %gather3A_362 = tpu.dynamic_gather %gather3A_17[%gather3A_361] in [0] : vector<16xf32>, vector<16xi32> -> vector<16xf32>
        %mul3A_363 = arith.constant 16 : i32
        %mul3A_364 = arith.muli %scan3A_204, %mul3A_363 : i32
        %swap3A_365 = arith.constant 1 : i32
        %swap3A_366 = arith.constant 4 : i32
        %swap3A_367 = arith.index_cast %swap3A_365 : i32 to index
        %swap3A_368 = arith.index_cast %swap3A_366 : i32 to index
        %swap3A_369 = arith.index_cast %mul3A_364 : i32 to index
        %swap3A_370 = tpu.vector_load %arg7[%swap3A_367, %swap3A_368, %swap3A_369] {strides = array<i32>} : memref<2x20x2048xf32, #tpu.memory_space<vmem>>, vector<16xf32>,
        tpu.vector_store %arg7[%swap3A_367, %swap3A_368, %swap3A_369], %gather3A_362 {strides = array<i32>} : memref<2x20x2048xf32, #tpu.memory_space<vmem>>, vector<16xf32>,
        %lt3A_371 = arith.constant 0 : i32
        %lt3A_372 = vector.broadcast %lt3A_371 : i32 to vector<16xi32>
        %lt3A_373 = arith.cmpi slt, %add3A_281, %lt3A_372 : vector<16xi32>
        %add3A_374 = arith.constant 16 : i32
        %add3A_375 = vector.broadcast %add3A_374 : i32 to vector<16xi32>
        %add3A_376 = arith.addi %add3A_281, %add3A_375 : vector<16xi32>
        %select_n3A_377 = arith.select %lt3A_373, %add3A_376, %add3A_281 : vector<16xi1>, vector<16xi32>
        %broadcast_in_dim3A_378 = vector.shape_cast %select_n3A_377 : vector<16xi32> to vector<16x1xi32>
        %gather3A_379 = vector.shape_cast %broadcast_in_dim3A_378 : vector<16x1xi32> to vector<16xi32>
        %gather3A_380 = tpu.dynamic_gather %gather3A_20[%gather3A_379] in [0] : vector<16xf32>, vector<16xi32> -> vector<16xf32>
        %mul3A_381 = arith.constant 16 : i32
        %mul3A_382 = arith.muli %scan3A_204, %mul3A_381 : i32
        %swap3A_383 = arith.constant 1 : i32
        %swap3A_384 = arith.constant 5 : i32
        %swap3A_385 = arith.index_cast %swap3A_383 : i32 to index
        %swap3A_386 = arith.index_cast %swap3A_384 : i32 to index
        %swap3A_387 = arith.index_cast %mul3A_382 : i32 to index
        %swap3A_388 = tpu.vector_load %arg7[%swap3A_385, %swap3A_386, %swap3A_387] {strides = array<i32>} : memref<2x20x2048xf32, #tpu.memory_space<vmem>>, vector<16xf32>,
        tpu.vector_store %arg7[%swap3A_385, %swap3A_386, %swap3A_387], %gather3A_380 {strides = array<i32>} : memref<2x20x2048xf32, #tpu.memory_space<vmem>>, vector<16xf32>,
        %lt3A_389 = arith.constant 0 : i32
        %lt3A_390 = vector.broadcast %lt3A_389 : i32 to vector<16xi32>
        %lt3A_391 = arith.cmpi slt, %add3A_281, %lt3A_390 : vector<16xi32>
        %add3A_392 = arith.constant 16 : i32
        %add3A_393 = vector.broadcast %add3A_392 : i32 to vector<16xi32>
        %add3A_394 = arith.addi %add3A_281, %add3A_393 : vector<16xi32>
        %select_n3A_395 = arith.select %lt3A_391, %add3A_394, %add3A_281 : vector<16xi1>, vector<16xi32>
        %broadcast_in_dim3A_396 = vector.shape_cast %select_n3A_395 : vector<16xi32> to vector<16x1xi32>
        %gather3A_397 = vector.shape_cast %broadcast_in_dim3A_396 : vector<16x1xi32> to vector<16xi32>
        %gather3A_398 = tpu.dynamic_gather %gather3A_23[%gather3A_397] in [0] : vector<16xf32>, vector<16xi32> -> vector<16xf32>
        %mul3A_399 = arith.constant 16 : i32
        %mul3A_400 = arith.muli %scan3A_204, %mul3A_399 : i32
        %swap3A_401 = arith.constant 1 : i32
        %swap3A_402 = arith.constant 6 : i32
        %swap3A_403 = arith.index_cast %swap3A_401 : i32 to index
        %swap3A_404 = arith.index_cast %swap3A_402 : i32 to index
        %swap3A_405 = arith.index_cast %mul3A_400 : i32 to index
        %swap3A_406 = tpu.vector_load %arg7[%swap3A_403, %swap3A_404, %swap3A_405] {strides = array<i32>} : memref<2x20x2048xf32, #tpu.memory_space<vmem>>, vector<16xf32>,
        tpu.vector_store %arg7[%swap3A_403, %swap3A_404, %swap3A_405], %gather3A_398 {strides = array<i32>} : memref<2x20x2048xf32, #tpu.memory_space<vmem>>, vector<16xf32>,
        %lt3A_407 = arith.constant 0 : i32
        %lt3A_408 = vector.broadcast %lt3A_407 : i32 to vector<16xi32>
        %lt3A_409 = arith.cmpi slt, %add3A_281, %lt3A_408 : vector<16xi32>
        %add3A_410 = arith.constant 16 : i32
        %add3A_411 = vector.broadcast %add3A_410 : i32 to vector<16xi32>
        %add3A_412 = arith.addi %add3A_281, %add3A_411 : vector<16xi32>
        %select_n3A_413 = arith.select %lt3A_409, %add3A_412, %add3A_281 : vector<16xi1>, vector<16xi32>
        %broadcast_in_dim3A_414 = vector.shape_cast %select_n3A_413 : vector<16xi32> to vector<16x1xi32>
        %gather3A_415 = vector.shape_cast %broadcast_in_dim3A_414 : vector<16x1xi32> to vector<16xi32>
        %gather3A_416 = tpu.dynamic_gather %gather3A_26[%gather3A_415] in [0] : vector<16xf32>, vector<16xi32> -> vector<16xf32>
        %mul3A_417 = arith.constant 16 : i32
        %mul3A_418 = arith.muli %scan3A_204, %mul3A_417 : i32
        %swap3A_419 = arith.constant 1 : i32
        %swap3A_420 = arith.constant 7 : i32
        %swap3A_421 = arith.index_cast %swap3A_419 : i32 to index
        %swap3A_422 = arith.index_cast %swap3A_420 : i32 to index
        %swap3A_423 = arith.index_cast %mul3A_418 : i32 to index
        %swap3A_424 = tpu.vector_load %arg7[%swap3A_421, %swap3A_422, %swap3A_423] {strides = array<i32>} : memref<2x20x2048xf32, #tpu.memory_space<vmem>>, vector<16xf32>,
        tpu.vector_store %arg7[%swap3A_421, %swap3A_422, %swap3A_423], %gather3A_416 {strides = array<i32>} : memref<2x20x2048xf32, #tpu.memory_space<vmem>>, vector<16xf32>,
        %lt3A_425 = arith.constant 0 : i32
        %lt3A_426 = vector.broadcast %lt3A_425 : i32 to vector<16xi32>
        %lt3A_427 = arith.cmpi slt, %add3A_281, %lt3A_426 : vector<16xi32>
        %add3A_428 = arith.constant 16 : i32
        %add3A_429 = vector.broadcast %add3A_428 : i32 to vector<16xi32>
        %add3A_430 = arith.addi %add3A_281, %add3A_429 : vector<16xi32>
        %select_n3A_431 = arith.select %lt3A_427, %add3A_430, %add3A_281 : vector<16xi1>, vector<16xi32>
        %broadcast_in_dim3A_432 = vector.shape_cast %select_n3A_431 : vector<16xi32> to vector<16x1xi32>
        %gather3A_433 = vector.shape_cast %broadcast_in_dim3A_432 : vector<16x1xi32> to vector<16xi32>
        %gather3A_434 = tpu.dynamic_gather %gather3A_29[%gather3A_433] in [0] : vector<16xf32>, vector<16xi32> -> vector<16xf32>
        %mul3A_435 = arith.constant 16 : i32
        %mul3A_436 = arith.muli %scan3A_204, %mul3A_435 : i32
        %swap3A_437 = arith.constant 1 : i32
        %swap3A_438 = arith.constant 8 : i32
        %swap3A_439 = arith.index_cast %swap3A_437 : i32 to index
        %swap3A_440 = arith.index_cast %swap3A_438 : i32 to index
        %swap3A_441 = arith.index_cast %mul3A_436 : i32 to index
        %swap3A_442 = tpu.vector_load %arg7[%swap3A_439, %swap3A_440, %swap3A_441] {strides = array<i32>} : memref<2x20x2048xf32, #tpu.memory_space<vmem>>, vector<16xf32>,
        tpu.vector_store %arg7[%swap3A_439, %swap3A_440, %swap3A_441], %gather3A_434 {strides = array<i32>} : memref<2x20x2048xf32, #tpu.memory_space<vmem>>, vector<16xf32>,
        %lt3A_443 = arith.constant 0 : i32
        %lt3A_444 = vector.broadcast %lt3A_443 : i32 to vector<16xi32>
        %lt3A_445 = arith.cmpi slt, %add3A_281, %lt3A_444 : vector<16xi32>
        %add3A_446 = arith.constant 16 : i32
        %add3A_447 = vector.broadcast %add3A_446 : i32 to vector<16xi32>
        %add3A_448 = arith.addi %add3A_281, %add3A_447 : vector<16xi32>
        %select_n3A_449 = arith.select %lt3A_445, %add3A_448, %add3A_281 : vector<16xi1>, vector<16xi32>
        %broadcast_in_dim3A_450 = vector.shape_cast %select_n3A_449 : vector<16xi32> to vector<16x1xi32>
        %gather3A_451 = vector.shape_cast %broadcast_in_dim3A_450 : vector<16x1xi32> to vector<16xi32>
        %gather3A_452 = tpu.dynamic_gather %gather3A_32[%gather3A_451] in [0] : vector<16xf32>, vector<16xi32> -> vector<16xf32>
        %mul3A_453 = arith.constant 16 : i32
        %mul3A_454 = arith.muli %scan3A_204, %mul3A_453 : i32
        %swap3A_455 = arith.constant 1 : i32
        %swap3A_456 = arith.constant 9 : i32
        %swap3A_457 = arith.index_cast %swap3A_455 : i32 to index
        %swap3A_458 = arith.index_cast %swap3A_456 : i32 to index
        %swap3A_459 = arith.index_cast %mul3A_454 : i32 to index
        %swap3A_460 = tpu.vector_load %arg7[%swap3A_457, %swap3A_458, %swap3A_459] {strides = array<i32>} : memref<2x20x2048xf32, #tpu.memory_space<vmem>>, vector<16xf32>,
        tpu.vector_store %arg7[%swap3A_457, %swap3A_458, %swap3A_459], %gather3A_452 {strides = array<i32>} : memref<2x20x2048xf32, #tpu.memory_space<vmem>>, vector<16xf32>,
        %lt3A_461 = arith.constant 0 : i32
        %lt3A_462 = vector.broadcast %lt3A_461 : i32 to vector<16xi32>
        %lt3A_463 = arith.cmpi slt, %add3A_281, %lt3A_462 : vector<16xi32>
        %add3A_464 = arith.constant 16 : i32
        %add3A_465 = vector.broadcast %add3A_464 : i32 to vector<16xi32>
        %add3A_466 = arith.addi %add3A_281, %add3A_465 : vector<16xi32>
        %select_n3A_467 = arith.select %lt3A_463, %add3A_466, %add3A_281 : vector<16xi1>, vector<16xi32>
        %broadcast_in_dim3A_468 = vector.shape_cast %select_n3A_467 : vector<16xi32> to vector<16x1xi32>
        %gather3A_469 = vector.shape_cast %broadcast_in_dim3A_468 : vector<16x1xi32> to vector<16xi32>
        %gather3A_470 = tpu.dynamic_gather %gather3A_35[%gather3A_469] in [0] : vector<16xf32>, vector<16xi32> -> vector<16xf32>
        %mul3A_471 = arith.constant 16 : i32
        %mul3A_472 = arith.muli %scan3A_204, %mul3A_471 : i32
        %swap3A_473 = arith.constant 1 : i32
        %swap3A_474 = arith.constant 10 : i32
        %swap3A_475 = arith.index_cast %swap3A_473 : i32 to index
        %swap3A_476 = arith.index_cast %swap3A_474 : i32 to index
        %swap3A_477 = arith.index_cast %mul3A_472 : i32 to index
        %swap3A_478 = tpu.vector_load %arg7[%swap3A_475, %swap3A_476, %swap3A_477] {strides = array<i32>} : memref<2x20x2048xf32, #tpu.memory_space<vmem>>, vector<16xf32>,
        tpu.vector_store %arg7[%swap3A_475, %swap3A_476, %swap3A_477], %gather3A_470 {strides = array<i32>} : memref<2x20x2048xf32, #tpu.memory_space<vmem>>, vector<16xf32>,
        %lt3A_479 = arith.constant 0 : i32
        %lt3A_480 = vector.broadcast %lt3A_479 : i32 to vector<16xi32>
        %lt3A_481 = arith.cmpi slt, %add3A_281, %lt3A_480 : vector<16xi32>
        %add3A_482 = arith.constant 16 : i32
        %add3A_483 = vector.broadcast %add3A_482 : i32 to vector<16xi32>
        %add3A_484 = arith.addi %add3A_281, %add3A_483 : vector<16xi32>
        %select_n3A_485 = arith.select %lt3A_481, %add3A_484, %add3A_281 : vector<16xi1>, vector<16xi32>
        %broadcast_in_dim3A_486 = vector.shape_cast %select_n3A_485 : vector<16xi32> to vector<16x1xi32>
        %gather3A_487 = vector.shape_cast %broadcast_in_dim3A_486 : vector<16x1xi32> to vector<16xi32>
        %gather3A_488 = tpu.dynamic_gather %gather3A_38[%gather3A_487] in [0] : vector<16xf32>, vector<16xi32> -> vector<16xf32>
        %mul3A_489 = arith.constant 16 : i32
        %mul3A_490 = arith.muli %scan3A_204, %mul3A_489 : i32
        %swap3A_491 = arith.constant 1 : i32
        %swap3A_492 = arith.constant 11 : i32
        %swap3A_493 = arith.index_cast %swap3A_491 : i32 to index
        %swap3A_494 = arith.index_cast %swap3A_492 : i32 to index
        %swap3A_495 = arith.index_cast %mul3A_490 : i32 to index
        %swap3A_496 = tpu.vector_load %arg7[%swap3A_493, %swap3A_494, %swap3A_495] {strides = array<i32>} : memref<2x20x2048xf32, #tpu.memory_space<vmem>>, vector<16xf32>,
        tpu.vector_store %arg7[%swap3A_493, %swap3A_494, %swap3A_495], %gather3A_488 {strides = array<i32>} : memref<2x20x2048xf32, #tpu.memory_space<vmem>>, vector<16xf32>,
        %lt3A_497 = arith.constant 0 : i32
        %lt3A_498 = vector.broadcast %lt3A_497 : i32 to vector<16xi32>
        %lt3A_499 = arith.cmpi slt, %add3A_281, %lt3A_498 : vector<16xi32>
        %add3A_500 = arith.constant 16 : i32
        %add3A_501 = vector.broadcast %add3A_500 : i32 to vector<16xi32>
        %add3A_502 = arith.addi %add3A_281, %add3A_501 : vector<16xi32>
        %select_n3A_503 = arith.select %lt3A_499, %add3A_502, %add3A_281 : vector<16xi1>, vector<16xi32>
        %broadcast_in_dim3A_504 = vector.shape_cast %select_n3A_503 : vector<16xi32> to vector<16x1xi32>
        %gather3A_505 = vector.shape_cast %broadcast_in_dim3A_504 : vector<16x1xi32> to vector<16xi32>
        %gather3A_506 = tpu.dynamic_gather %gather3A_41[%gather3A_505] in [0] : vector<16xf32>, vector<16xi32> -> vector<16xf32>
        %mul3A_507 = arith.constant 16 : i32
        %mul3A_508 = arith.muli %scan3A_204, %mul3A_507 : i32
        %swap3A_509 = arith.constant 1 : i32
        %swap3A_510 = arith.constant 12 : i32
        %swap3A_511 = arith.index_cast %swap3A_509 : i32 to index
        %swap3A_512 = arith.index_cast %swap3A_510 : i32 to index
        %swap3A_513 = arith.index_cast %mul3A_508 : i32 to index
        %swap3A_514 = tpu.vector_load %arg7[%swap3A_511, %swap3A_512, %swap3A_513] {strides = array<i32>} : memref<2x20x2048xf32, #tpu.memory_space<vmem>>, vector<16xf32>,
        tpu.vector_store %arg7[%swap3A_511, %swap3A_512, %swap3A_513], %gather3A_506 {strides = array<i32>} : memref<2x20x2048xf32, #tpu.memory_space<vmem>>, vector<16xf32>,
        %lt3A_515 = arith.constant 0 : i32
        %lt3A_516 = vector.broadcast %lt3A_515 : i32 to vector<16xi32>
        %lt3A_517 = arith.cmpi slt, %add3A_281, %lt3A_516 : vector<16xi32>
        %add3A_518 = arith.constant 16 : i32
        %add3A_519 = vector.broadcast %add3A_518 : i32 to vector<16xi32>
        %add3A_520 = arith.addi %add3A_281, %add3A_519 : vector<16xi32>
        %select_n3A_521 = arith.select %lt3A_517, %add3A_520, %add3A_281 : vector<16xi1>, vector<16xi32>
        %broadcast_in_dim3A_522 = vector.shape_cast %select_n3A_521 : vector<16xi32> to vector<16x1xi32>
        %gather3A_523 = vector.shape_cast %broadcast_in_dim3A_522 : vector<16x1xi32> to vector<16xi32>
        %gather3A_524 = tpu.dynamic_gather %gather3A_44[%gather3A_523] in [0] : vector<16xf32>, vector<16xi32> -> vector<16xf32>
        %mul3A_525 = arith.constant 16 : i32
        %mul3A_526 = arith.muli %scan3A_204, %mul3A_525 : i32
        %swap3A_527 = arith.constant 1 : i32
        %swap3A_528 = arith.constant 13 : i32
        %swap3A_529 = arith.index_cast %swap3A_527 : i32 to index
        %swap3A_530 = arith.index_cast %swap3A_528 : i32 to index
        %swap3A_531 = arith.index_cast %mul3A_526 : i32 to index
        %swap3A_532 = tpu.vector_load %arg7[%swap3A_529, %swap3A_530, %swap3A_531] {strides = array<i32>} : memref<2x20x2048xf32, #tpu.memory_space<vmem>>, vector<16xf32>,
        tpu.vector_store %arg7[%swap3A_529, %swap3A_530, %swap3A_531], %gather3A_524 {strides = array<i32>} : memref<2x20x2048xf32, #tpu.memory_space<vmem>>, vector<16xf32>,
        %lt3A_533 = arith.constant 0 : i32
        %lt3A_534 = vector.broadcast %lt3A_533 : i32 to vector<16xi32>
        %lt3A_535 = arith.cmpi slt, %add3A_281, %lt3A_534 : vector<16xi32>
        %add3A_536 = arith.constant 16 : i32
        %add3A_537 = vector.broadcast %add3A_536 : i32 to vector<16xi32>
        %add3A_538 = arith.addi %add3A_281, %add3A_537 : vector<16xi32>
        %select_n3A_539 = arith.select %lt3A_535, %add3A_538, %add3A_281 : vector<16xi1>, vector<16xi32>
        %broadcast_in_dim3A_540 = vector.shape_cast %select_n3A_539 : vector<16xi32> to vector<16x1xi32>
        %gather3A_541 = vector.shape_cast %broadcast_in_dim3A_540 : vector<16x1xi32> to vector<16xi32>
        %gather3A_542 = tpu.dynamic_gather %gather3A_47[%gather3A_541] in [0] : vector<16xf32>, vector<16xi32> -> vector<16xf32>
        %mul3A_543 = arith.constant 16 : i32
        %mul3A_544 = arith.muli %scan3A_204, %mul3A_543 : i32
        %swap3A_545 = arith.constant 1 : i32
        %swap3A_546 = arith.constant 14 : i32
        %swap3A_547 = arith.index_cast %swap3A_545 : i32 to index
        %swap3A_548 = arith.index_cast %swap3A_546 : i32 to index
        %swap3A_549 = arith.index_cast %mul3A_544 : i32 to index
        %swap3A_550 = tpu.vector_load %arg7[%swap3A_547, %swap3A_548, %swap3A_549] {strides = array<i32>} : memref<2x20x2048xf32, #tpu.memory_space<vmem>>, vector<16xf32>,
        tpu.vector_store %arg7[%swap3A_547, %swap3A_548, %swap3A_549], %gather3A_542 {strides = array<i32>} : memref<2x20x2048xf32, #tpu.memory_space<vmem>>, vector<16xf32>,
        %lt3A_551 = arith.constant 0 : i32
        %lt3A_552 = vector.broadcast %lt3A_551 : i32 to vector<16xi32>
        %lt3A_553 = arith.cmpi slt, %add3A_281, %lt3A_552 : vector<16xi32>
        %add3A_554 = arith.constant 16 : i32
        %add3A_555 = vector.broadcast %add3A_554 : i32 to vector<16xi32>
        %add3A_556 = arith.addi %add3A_281, %add3A_555 : vector<16xi32>
        %select_n3A_557 = arith.select %lt3A_553, %add3A_556, %add3A_281 : vector<16xi1>, vector<16xi32>
        %broadcast_in_dim3A_558 = vector.shape_cast %select_n3A_557 : vector<16xi32> to vector<16x1xi32>
        %gather3A_559 = vector.shape_cast %broadcast_in_dim3A_558 : vector<16x1xi32> to vector<16xi32>
        %gather3A_560 = tpu.dynamic_gather %gather3A_50[%gather3A_559] in [0] : vector<16xf32>, vector<16xi32> -> vector<16xf32>
        %mul3A_561 = arith.constant 16 : i32
        %mul3A_562 = arith.muli %scan3A_204, %mul3A_561 : i32
        %swap3A_563 = arith.constant 1 : i32
        %swap3A_564 = arith.constant 15 : i32
        %swap3A_565 = arith.index_cast %swap3A_563 : i32 to index
        %swap3A_566 = arith.index_cast %swap3A_564 : i32 to index
        %swap3A_567 = arith.index_cast %mul3A_562 : i32 to index
        %swap3A_568 = tpu.vector_load %arg7[%swap3A_565, %swap3A_566, %swap3A_567] {strides = array<i32>} : memref<2x20x2048xf32, #tpu.memory_space<vmem>>, vector<16xf32>,
        tpu.vector_store %arg7[%swap3A_565, %swap3A_566, %swap3A_567], %gather3A_560 {strides = array<i32>} : memref<2x20x2048xf32, #tpu.memory_space<vmem>>, vector<16xf32>,
        %lt3A_569 = arith.constant 0 : i32
        %lt3A_570 = vector.broadcast %lt3A_569 : i32 to vector<16xi32>
        %lt3A_571 = arith.cmpi slt, %add3A_281, %lt3A_570 : vector<16xi32>
        %add3A_572 = arith.constant 16 : i32
        %add3A_573 = vector.broadcast %add3A_572 : i32 to vector<16xi32>
        %add3A_574 = arith.addi %add3A_281, %add3A_573 : vector<16xi32>
        %select_n3A_575 = arith.select %lt3A_571, %add3A_574, %add3A_281 : vector<16xi1>, vector<16xi32>
        %broadcast_in_dim3A_576 = vector.shape_cast %select_n3A_575 : vector<16xi32> to vector<16x1xi32>
        %gather3A_577 = vector.shape_cast %broadcast_in_dim3A_576 : vector<16x1xi32> to vector<16xi32>
        %gather3A_578 = tpu.dynamic_gather %gather3A_53[%gather3A_577] in [0] : vector<16xf32>, vector<16xi32> -> vector<16xf32>
        %mul3A_579 = arith.constant 16 : i32
        %mul3A_580 = arith.muli %scan3A_204, %mul3A_579 : i32
        %swap3A_581 = arith.constant 1 : i32
        %swap3A_582 = arith.constant 16 : i32
        %swap3A_583 = arith.index_cast %swap3A_581 : i32 to index
        %swap3A_584 = arith.index_cast %swap3A_582 : i32 to index
        %swap3A_585 = arith.index_cast %mul3A_580 : i32 to index
        %swap3A_586 = tpu.vector_load %arg7[%swap3A_583, %swap3A_584, %swap3A_585] {strides = array<i32>} : memref<2x20x2048xf32, #tpu.memory_space<vmem>>, vector<16xf32>,
        tpu.vector_store %arg7[%swap3A_583, %swap3A_584, %swap3A_585], %gather3A_578 {strides = array<i32>} : memref<2x20x2048xf32, #tpu.memory_space<vmem>>, vector<16xf32>,
        %lt3A_587 = arith.constant 0 : i32
        %lt3A_588 = vector.broadcast %lt3A_587 : i32 to vector<16xi32>
        %lt3A_589 = arith.cmpi slt, %add3A_281, %lt3A_588 : vector<16xi32>
        %add3A_590 = arith.constant 16 : i32
        %add3A_591 = vector.broadcast %add3A_590 : i32 to vector<16xi32>
        %add3A_592 = arith.addi %add3A_281, %add3A_591 : vector<16xi32>
        %select_n3A_593 = arith.select %lt3A_589, %add3A_592, %add3A_281 : vector<16xi1>, vector<16xi32>
        %broadcast_in_dim3A_594 = vector.shape_cast %select_n3A_593 : vector<16xi32> to vector<16x1xi32>
        %gather3A_595 = vector.shape_cast %broadcast_in_dim3A_594 : vector<16x1xi32> to vector<16xi32>
        %gather3A_596 = tpu.dynamic_gather %gather3A_56[%gather3A_595] in [0] : vector<16xf32>, vector<16xi32> -> vector<16xf32>
        %mul3A_597 = arith.constant 16 : i32
        %mul3A_598 = arith.muli %scan3A_204, %mul3A_597 : i32
        %swap3A_599 = arith.constant 1 : i32
        %swap3A_600 = arith.constant 17 : i32
        %swap3A_601 = arith.index_cast %swap3A_599 : i32 to index
        %swap3A_602 = arith.index_cast %swap3A_600 : i32 to index
        %swap3A_603 = arith.index_cast %mul3A_598 : i32 to index
        %swap3A_604 = tpu.vector_load %arg7[%swap3A_601, %swap3A_602, %swap3A_603] {strides = array<i32>} : memref<2x20x2048xf32, #tpu.memory_space<vmem>>, vector<16xf32>,
        tpu.vector_store %arg7[%swap3A_601, %swap3A_602, %swap3A_603], %gather3A_596 {strides = array<i32>} : memref<2x20x2048xf32, #tpu.memory_space<vmem>>, vector<16xf32>,
        %lt3A_605 = arith.constant 0 : i32
        %lt3A_606 = vector.broadcast %lt3A_605 : i32 to vector<16xi32>
        %lt3A_607 = arith.cmpi slt, %add3A_281, %lt3A_606 : vector<16xi32>
        %add3A_608 = arith.constant 16 : i32
        %add3A_609 = vector.broadcast %add3A_608 : i32 to vector<16xi32>
        %add3A_610 = arith.addi %add3A_281, %add3A_609 : vector<16xi32>
        %select_n3A_611 = arith.select %lt3A_607, %add3A_610, %add3A_281 : vector<16xi1>, vector<16xi32>
        %broadcast_in_dim3A_612 = vector.shape_cast %select_n3A_611 : vector<16xi32> to vector<16x1xi32>
        %gather3A_613 = vector.shape_cast %broadcast_in_dim3A_612 : vector<16x1xi32> to vector<16xi32>
        %gather3A_614 = tpu.dynamic_gather %gather3A_59[%gather3A_613] in [0] : vector<16xf32>, vector<16xi32> -> vector<16xf32>
        %mul3A_615 = arith.constant 16 : i32
        %mul3A_616 = arith.muli %scan3A_204, %mul3A_615 : i32
        %swap3A_617 = arith.constant 1 : i32
        %swap3A_618 = arith.constant 18 : i32
        %swap3A_619 = arith.index_cast %swap3A_617 : i32 to index
        %swap3A_620 = arith.index_cast %swap3A_618 : i32 to index
        %swap3A_621 = arith.index_cast %mul3A_616 : i32 to index
        %swap3A_622 = tpu.vector_load %arg7[%swap3A_619, %swap3A_620, %swap3A_621] {strides = array<i32>} : memref<2x20x2048xf32, #tpu.memory_space<vmem>>, vector<16xf32>,
        tpu.vector_store %arg7[%swap3A_619, %swap3A_620, %swap3A_621], %gather3A_614 {strides = array<i32>} : memref<2x20x2048xf32, #tpu.memory_space<vmem>>, vector<16xf32>,
        %lt3A_623 = arith.constant 0 : i32
        %lt3A_624 = vector.broadcast %lt3A_623 : i32 to vector<16xi32>
        %lt3A_625 = arith.cmpi slt, %add3A_281, %lt3A_624 : vector<16xi32>
        %add3A_626 = arith.constant 16 : i32
        %add3A_627 = vector.broadcast %add3A_626 : i32 to vector<16xi32>
        %add3A_628 = arith.addi %add3A_281, %add3A_627 : vector<16xi32>
        %select_n3A_629 = arith.select %lt3A_625, %add3A_628, %add3A_281 : vector<16xi1>, vector<16xi32>
        %broadcast_in_dim3A_630 = vector.shape_cast %select_n3A_629 : vector<16xi32> to vector<16x1xi32>
        %gather3A_631 = vector.shape_cast %broadcast_in_dim3A_630 : vector<16x1xi32> to vector<16xi32>
        %gather3A_632 = tpu.dynamic_gather %gather3A_62[%gather3A_631] in [0] : vector<16xf32>, vector<16xi32> -> vector<16xf32>
        %mul3A_633 = arith.constant 16 : i32
        %mul3A_634 = arith.muli %scan3A_204, %mul3A_633 : i32
        %swap3A_635 = arith.constant 1 : i32
        %swap3A_636 = arith.constant 19 : i32
        %swap3A_637 = arith.index_cast %swap3A_635 : i32 to index
        %swap3A_638 = arith.index_cast %swap3A_636 : i32 to index
        %swap3A_639 = arith.index_cast %mul3A_634 : i32 to index
        %swap3A_640 = tpu.vector_load %arg7[%swap3A_637, %swap3A_638, %swap3A_639] {strides = array<i32>} : memref<2x20x2048xf32, #tpu.memory_space<vmem>>, vector<16xf32>,
        tpu.vector_store %arg7[%swap3A_637, %swap3A_638, %swap3A_639], %gather3A_632 {strides = array<i32>} : memref<2x20x2048xf32, #tpu.memory_space<vmem>>, vector<16xf32>,
        %scan3A_641 = arith.constant 1 : i32
        %scan3A_642 = arith.addi %scan3A_204, %scan3A_641 : i32
        %mul3A_643 = arith.constant 16 : i32
        %mul3A_644 = arith.muli %scan3A_642, %mul3A_643 : i32
        %get3A_645 = arith.constant 1 : i32
        %get3A_646 = arith.index_cast %get3A_645 : i32 to index
        %get3A_647 = arith.index_cast %mul3A_644 : i32 to index
        %get3A_648 = tpu.vector_load %arg6[%get3A_646, %get3A_647] {strides = array<i32>} : memref<2x2048xi32, #tpu.memory_space<vmem>>, vector<16xi32>,
        %broadcast_in_dim3A_649 = arith.constant 0 : i32
        %broadcast_in_dim3A_650 = vector.broadcast %broadcast_in_dim3A_649 : i32 to vector<16xi32>
        %ge3A_651 = arith.constant 1 : i32
        %ge3A_652 = vector.broadcast %ge3A_651 : i32 to vector<16xi32>
        %ge3A_653 = arith.cmpi sge, %get3A_648, %ge3A_652 : vector<16xi32>
        %jit3A_654 = arith.constant 1 : i32
        %jit3A_655 = arith.constant 0 : i32
        %broadcast_in_dim3A_656 = vector.broadcast %jit3A_654 : i32 to vector<16xi32>
        %broadcast_in_dim3A_657 = vector.broadcast %jit3A_655 : i32 to vector<16xi32>
        %select_n3A_658 = arith.select %ge3A_653, %broadcast_in_dim3A_656, %broadcast_in_dim3A_657 : vector<16xi1>, vector<16xi32>
        %add3A_659 = arith.addi %broadcast_in_dim3A_650, %select_n3A_658 : vector<16xi32>
        %ge3A_660 = arith.constant 2 : i32
        %ge3A_661 = vector.broadcast %ge3A_660 : i32 to vector<16xi32>
        %ge3A_662 = arith.cmpi sge, %get3A_648, %ge3A_661 : vector<16xi32>
        %jit3A_663 = arith.constant 1 : i32
        %jit3A_664 = arith.constant 0 : i32
        %broadcast_in_dim3A_665 = vector.broadcast %jit3A_663 : i32 to vector<16xi32>
        %broadcast_in_dim3A_666 = vector.broadcast %jit3A_664 : i32 to vector<16xi32>
        %select_n3A_667 = arith.select %ge3A_662, %broadcast_in_dim3A_665, %broadcast_in_dim3A_666 : vector<16xi1>, vector<16xi32>
        %add3A_668 = arith.addi %add3A_659, %select_n3A_667 : vector<16xi32>
        %ge3A_669 = arith.constant 3 : i32
        %ge3A_670 = vector.broadcast %ge3A_669 : i32 to vector<16xi32>
        %ge3A_671 = arith.cmpi sge, %get3A_648, %ge3A_670 : vector<16xi32>
        %jit3A_672 = arith.constant 1 : i32
        %jit3A_673 = arith.constant 0 : i32
        %broadcast_in_dim3A_674 = vector.broadcast %jit3A_672 : i32 to vector<16xi32>
        %broadcast_in_dim3A_675 = vector.broadcast %jit3A_673 : i32 to vector<16xi32>
        %select_n3A_676 = arith.select %ge3A_671, %broadcast_in_dim3A_674, %broadcast_in_dim3A_675 : vector<16xi1>, vector<16xi32>
        %add3A_677 = arith.addi %add3A_668, %select_n3A_676 : vector<16xi32>
        %ge3A_678 = arith.constant 4 : i32
        %ge3A_679 = vector.broadcast %ge3A_678 : i32 to vector<16xi32>
        %ge3A_680 = arith.cmpi sge, %get3A_648, %ge3A_679 : vector<16xi32>
        %jit3A_681 = arith.constant 1 : i32
        %jit3A_682 = arith.constant 0 : i32
        %broadcast_in_dim3A_683 = vector.broadcast %jit3A_681 : i32 to vector<16xi32>
        %broadcast_in_dim3A_684 = vector.broadcast %jit3A_682 : i32 to vector<16xi32>
        %select_n3A_685 = arith.select %ge3A_680, %broadcast_in_dim3A_683, %broadcast_in_dim3A_684 : vector<16xi1>, vector<16xi32>
        %add3A_686 = arith.addi %add3A_677, %select_n3A_685 : vector<16xi32>
        %ge3A_687 = arith.constant 8 : i32
        %ge3A_688 = vector.broadcast %ge3A_687 : i32 to vector<16xi32>
        %ge3A_689 = arith.cmpi sge, %get3A_648, %ge3A_688 : vector<16xi32>
        %jit3A_690 = arith.constant 1 : i32
        %jit3A_691 = arith.constant 0 : i32
        %broadcast_in_dim3A_692 = vector.broadcast %jit3A_690 : i32 to vector<16xi32>
        %broadcast_in_dim3A_693 = vector.broadcast %jit3A_691 : i32 to vector<16xi32>
        %select_n3A_694 = arith.select %ge3A_689, %broadcast_in_dim3A_692, %broadcast_in_dim3A_693 : vector<16xi1>, vector<16xi32>
        %add3A_695 = arith.addi %add3A_686, %select_n3A_694 : vector<16xi32>
        %ge3A_696 = arith.constant 16 : i32
        %ge3A_697 = vector.broadcast %ge3A_696 : i32 to vector<16xi32>
        %ge3A_698 = arith.cmpi sge, %get3A_648, %ge3A_697 : vector<16xi32>
        %jit3A_699 = arith.constant 1 : i32
        %jit3A_700 = arith.constant 0 : i32
        %broadcast_in_dim3A_701 = vector.broadcast %jit3A_699 : i32 to vector<16xi32>
        %broadcast_in_dim3A_702 = vector.broadcast %jit3A_700 : i32 to vector<16xi32>
        %select_n3A_703 = arith.select %ge3A_698, %broadcast_in_dim3A_701, %broadcast_in_dim3A_702 : vector<16xi1>, vector<16xi32>
        %add3A_704 = arith.addi %add3A_695, %select_n3A_703 : vector<16xi32>
        %ge3A_705 = arith.constant 32 : i32
        %ge3A_706 = vector.broadcast %ge3A_705 : i32 to vector<16xi32>
        %ge3A_707 = arith.cmpi sge, %get3A_648, %ge3A_706 : vector<16xi32>
        %jit3A_708 = arith.constant 1 : i32
        %jit3A_709 = arith.constant 0 : i32
        %broadcast_in_dim3A_710 = vector.broadcast %jit3A_708 : i32 to vector<16xi32>
        %broadcast_in_dim3A_711 = vector.broadcast %jit3A_709 : i32 to vector<16xi32>
        %select_n3A_712 = arith.select %ge3A_707, %broadcast_in_dim3A_710, %broadcast_in_dim3A_711 : vector<16xi1>, vector<16xi32>
        %add3A_713 = arith.addi %add3A_704, %select_n3A_712 : vector<16xi32>
        %ge3A_714 = arith.constant 64 : i32
        %ge3A_715 = vector.broadcast %ge3A_714 : i32 to vector<16xi32>
        %ge3A_716 = arith.cmpi sge, %get3A_648, %ge3A_715 : vector<16xi32>
        %jit3A_717 = arith.constant 1 : i32
        %jit3A_718 = arith.constant 0 : i32
        %broadcast_in_dim3A_719 = vector.broadcast %jit3A_717 : i32 to vector<16xi32>
        %broadcast_in_dim3A_720 = vector.broadcast %jit3A_718 : i32 to vector<16xi32>
        %select_n3A_721 = arith.select %ge3A_716, %broadcast_in_dim3A_719, %broadcast_in_dim3A_720 : vector<16xi1>, vector<16xi32>
        %add3A_722 = arith.addi %add3A_713, %select_n3A_721 : vector<16xi32>
        %lt3A_723 = arith.constant 0 : i32
        %lt3A_724 = vector.broadcast %lt3A_723 : i32 to vector<16xi32>
        %lt3A_725 = arith.cmpi slt, %add3A_722, %lt3A_724 : vector<16xi32>
        %add3A_726 = arith.constant 16 : i32
        %add3A_727 = vector.broadcast %add3A_726 : i32 to vector<16xi32>
        %add3A_728 = arith.addi %add3A_722, %add3A_727 : vector<16xi32>
        %select_n3A_729 = arith.select %lt3A_725, %add3A_728, %add3A_722 : vector<16xi1>, vector<16xi32>
        %broadcast_in_dim3A_730 = vector.shape_cast %select_n3A_729 : vector<16xi32> to vector<16x1xi32>
        %gather3A_731 = vector.shape_cast %broadcast_in_dim3A_730 : vector<16x1xi32> to vector<16xi32>
        %gather3A_732 = tpu.dynamic_gather %gather3A[%gather3A_731] in [0] : vector<16xf32>, vector<16xi32> -> vector<16xf32>
        %mul3A_733 = arith.constant 16 : i32
        %mul3A_734 = arith.muli %scan3A_642, %mul3A_733 : i32
        %swap3A_735 = arith.constant 1 : i32
        %swap3A_736 = arith.constant 0 : i32
        %swap3A_737 = arith.index_cast %swap3A_735 : i32 to index
        %swap3A_738 = arith.index_cast %swap3A_736 : i32 to index
        %swap3A_739 = arith.index_cast %mul3A_734 : i32 to index
        %swap3A_740 = tpu.vector_load %arg7[%swap3A_737, %swap3A_738, %swap3A_739] {strides = array<i32>} : memref<2x20x2048xf32, #tpu.memory_space<vmem>>, vector<16xf32>,
        tpu.vector_store %arg7[%swap3A_737, %swap3A_738, %swap3A_739], %gather3A_732 {strides = array<i32>} : memref<2x20x2048xf32, #tpu.memory_space<vmem>>, vector<16xf32>,
        %lt3A_741 = arith.constant 0 : i32
        %lt3A_742 = vector.broadcast %lt3A_741 : i32 to vector<16xi32>
        %lt3A_743 = arith.cmpi slt, %add3A_722, %lt3A_742 : vector<16xi32>
        %add3A_744 = arith.constant 16 : i32
        %add3A_745 = vector.broadcast %add3A_744 : i32 to vector<16xi32>
        %add3A_746 = arith.addi %add3A_722, %add3A_745 : vector<16xi32>
        %select_n3A_747 = arith.select %lt3A_743, %add3A_746, %add3A_722 : vector<16xi1>, vector<16xi32>
        %broadcast_in_dim3A_748 = vector.shape_cast %select_n3A_747 : vector<16xi32> to vector<16x1xi32>
        %gather3A_749 = vector.shape_cast %broadcast_in_dim3A_748 : vector<16x1xi32> to vector<16xi32>
        %gather3A_750 = tpu.dynamic_gather %gather3A_8[%gather3A_749] in [0] : vector<16xf32>, vector<16xi32> -> vector<16xf32>
        %mul3A_751 = arith.constant 16 : i32
        %mul3A_752 = arith.muli %scan3A_642, %mul3A_751 : i32
        %swap3A_753 = arith.constant 1 : i32
        %swap3A_754 = arith.constant 1 : i32
        %swap3A_755 = arith.index_cast %swap3A_753 : i32 to index
        %swap3A_756 = arith.index_cast %swap3A_754 : i32 to index
        %swap3A_757 = arith.index_cast %mul3A_752 : i32 to index
        %swap3A_758 = tpu.vector_load %arg7[%swap3A_755, %swap3A_756, %swap3A_757] {strides = array<i32>} : memref<2x20x2048xf32, #tpu.memory_space<vmem>>, vector<16xf32>,
        tpu.vector_store %arg7[%swap3A_755, %swap3A_756, %swap3A_757], %gather3A_750 {strides = array<i32>} : memref<2x20x2048xf32, #tpu.memory_space<vmem>>, vector<16xf32>,
        %lt3A_759 = arith.constant 0 : i32
        %lt3A_760 = vector.broadcast %lt3A_759 : i32 to vector<16xi32>
        %lt3A_761 = arith.cmpi slt, %add3A_722, %lt3A_760 : vector<16xi32>
        %add3A_762 = arith.constant 16 : i32
        %add3A_763 = vector.broadcast %add3A_762 : i32 to vector<16xi32>
        %add3A_764 = arith.addi %add3A_722, %add3A_763 : vector<16xi32>
        %select_n3A_765 = arith.select %lt3A_761, %add3A_764, %add3A_722 : vector<16xi1>, vector<16xi32>
        %broadcast_in_dim3A_766 = vector.shape_cast %select_n3A_765 : vector<16xi32> to vector<16x1xi32>
        %gather3A_767 = vector.shape_cast %broadcast_in_dim3A_766 : vector<16x1xi32> to vector<16xi32>
        %gather3A_768 = tpu.dynamic_gather %gather3A_11[%gather3A_767] in [0] : vector<16xf32>, vector<16xi32> -> vector<16xf32>
        %mul3A_769 = arith.constant 16 : i32
        %mul3A_770 = arith.muli %scan3A_642, %mul3A_769 : i32
        %swap3A_771 = arith.constant 1 : i32
        %swap3A_772 = arith.constant 2 : i32
        %swap3A_773 = arith.index_cast %swap3A_771 : i32 to index
        %swap3A_774 = arith.index_cast %swap3A_772 : i32 to index
        %swap3A_775 = arith.index_cast %mul3A_770 : i32 to index
        %swap3A_776 = tpu.vector_load %arg7[%swap3A_773, %swap3A_774, %swap3A_775] {strides = array<i32>} : memref<2x20x2048xf32, #tpu.memory_space<vmem>>, vector<16xf32>,
        tpu.vector_store %arg7[%swap3A_773, %swap3A_774, %swap3A_775], %gather3A_768 {strides = array<i32>} : memref<2x20x2048xf32, #tpu.memory_space<vmem>>, vector<16xf32>,
        %lt3A_777 = arith.constant 0 : i32
        %lt3A_778 = vector.broadcast %lt3A_777 : i32 to vector<16xi32>
        %lt3A_779 = arith.cmpi slt, %add3A_722, %lt3A_778 : vector<16xi32>
        %add3A_780 = arith.constant 16 : i32
        %add3A_781 = vector.broadcast %add3A_780 : i32 to vector<16xi32>
        %add3A_782 = arith.addi %add3A_722, %add3A_781 : vector<16xi32>
        %select_n3A_783 = arith.select %lt3A_779, %add3A_782, %add3A_722 : vector<16xi1>, vector<16xi32>
        %broadcast_in_dim3A_784 = vector.shape_cast %select_n3A_783 : vector<16xi32> to vector<16x1xi32>
        %gather3A_785 = vector.shape_cast %broadcast_in_dim3A_784 : vector<16x1xi32> to vector<16xi32>
        %gather3A_786 = tpu.dynamic_gather %gather3A_14[%gather3A_785] in [0] : vector<16xf32>, vector<16xi32> -> vector<16xf32>
        %mul3A_787 = arith.constant 16 : i32
        %mul3A_788 = arith.muli %scan3A_642, %mul3A_787 : i32
        %swap3A_789 = arith.constant 1 : i32
        %swap3A_790 = arith.constant 3 : i32
        %swap3A_791 = arith.index_cast %swap3A_789 : i32 to index
        %swap3A_792 = arith.index_cast %swap3A_790 : i32 to index
        %swap3A_793 = arith.index_cast %mul3A_788 : i32 to index
        %swap3A_794 = tpu.vector_load %arg7[%swap3A_791, %swap3A_792, %swap3A_793] {strides = array<i32>} : memref<2x20x2048xf32, #tpu.memory_space<vmem>>, vector<16xf32>,
        tpu.vector_store %arg7[%swap3A_791, %swap3A_792, %swap3A_793], %gather3A_786 {strides = array<i32>} : memref<2x20x2048xf32, #tpu.memory_space<vmem>>, vector<16xf32>,
        %lt3A_795 = arith.constant 0 : i32
        %lt3A_796 = vector.broadcast %lt3A_795 : i32 to vector<16xi32>
        %lt3A_797 = arith.cmpi slt, %add3A_722, %lt3A_796 : vector<16xi32>
        %add3A_798 = arith.constant 16 : i32
        %add3A_799 = vector.broadcast %add3A_798 : i32 to vector<16xi32>
        %add3A_800 = arith.addi %add3A_722, %add3A_799 : vector<16xi32>
        %select_n3A_801 = arith.select %lt3A_797, %add3A_800, %add3A_722 : vector<16xi1>, vector<16xi32>
        %broadcast_in_dim3A_802 = vector.shape_cast %select_n3A_801 : vector<16xi32> to vector<16x1xi32>
        %gather3A_803 = vector.shape_cast %broadcast_in_dim3A_802 : vector<16x1xi32> to vector<16xi32>
        %gather3A_804 = tpu.dynamic_gather %gather3A_17[%gather3A_803] in [0] : vector<16xf32>, vector<16xi32> -> vector<16xf32>
        %mul3A_805 = arith.constant 16 : i32
        %mul3A_806 = arith.muli %scan3A_642, %mul3A_805 : i32
        %swap3A_807 = arith.constant 1 : i32
        %swap3A_808 = arith.constant 4 : i32
        %swap3A_809 = arith.index_cast %swap3A_807 : i32 to index
        %swap3A_810 = arith.index_cast %swap3A_808 : i32 to index
        %swap3A_811 = arith.index_cast %mul3A_806 : i32 to index
        %swap3A_812 = tpu.vector_load %arg7[%swap3A_809, %swap3A_810, %swap3A_811] {strides = array<i32>} : memref<2x20x2048xf32, #tpu.memory_space<vmem>>, vector<16xf32>,
        tpu.vector_store %arg7[%swap3A_809, %swap3A_810, %swap3A_811], %gather3A_804 {strides = array<i32>} : memref<2x20x2048xf32, #tpu.memory_space<vmem>>, vector<16xf32>,
        %lt3A_813 = arith.constant 0 : i32
        %lt3A_814 = vector.broadcast %lt3A_813 : i32 to vector<16xi32>
        %lt3A_815 = arith.cmpi slt, %add3A_722, %lt3A_814 : vector<16xi32>
        %add3A_816 = arith.constant 16 : i32
        %add3A_817 = vector.broadcast %add3A_816 : i32 to vector<16xi32>
        %add3A_818 = arith.addi %add3A_722, %add3A_817 : vector<16xi32>
        %select_n3A_819 = arith.select %lt3A_815, %add3A_818, %add3A_722 : vector<16xi1>, vector<16xi32>
        %broadcast_in_dim3A_820 = vector.shape_cast %select_n3A_819 : vector<16xi32> to vector<16x1xi32>
        %gather3A_821 = vector.shape_cast %broadcast_in_dim3A_820 : vector<16x1xi32> to vector<16xi32>
        %gather3A_822 = tpu.dynamic_gather %gather3A_20[%gather3A_821] in [0] : vector<16xf32>, vector<16xi32> -> vector<16xf32>
        %mul3A_823 = arith.constant 16 : i32
        %mul3A_824 = arith.muli %scan3A_642, %mul3A_823 : i32
        %swap3A_825 = arith.constant 1 : i32
        %swap3A_826 = arith.constant 5 : i32
        %swap3A_827 = arith.index_cast %swap3A_825 : i32 to index
        %swap3A_828 = arith.index_cast %swap3A_826 : i32 to index
        %swap3A_829 = arith.index_cast %mul3A_824 : i32 to index
        %swap3A_830 = tpu.vector_load %arg7[%swap3A_827, %swap3A_828, %swap3A_829] {strides = array<i32>} : memref<2x20x2048xf32, #tpu.memory_space<vmem>>, vector<16xf32>,
        tpu.vector_store %arg7[%swap3A_827, %swap3A_828, %swap3A_829], %gather3A_822 {strides = array<i32>} : memref<2x20x2048xf32, #tpu.memory_space<vmem>>, vector<16xf32>,
        %lt3A_831 = arith.constant 0 : i32
        %lt3A_832 = vector.broadcast %lt3A_831 : i32 to vector<16xi32>
        %lt3A_833 = arith.cmpi slt, %add3A_722, %lt3A_832 : vector<16xi32>
        %add3A_834 = arith.constant 16 : i32
        %add3A_835 = vector.broadcast %add3A_834 : i32 to vector<16xi32>
        %add3A_836 = arith.addi %add3A_722, %add3A_835 : vector<16xi32>
        %select_n3A_837 = arith.select %lt3A_833, %add3A_836, %add3A_722 : vector<16xi1>, vector<16xi32>
        %broadcast_in_dim3A_838 = vector.shape_cast %select_n3A_837 : vector<16xi32> to vector<16x1xi32>
        %gather3A_839 = vector.shape_cast %broadcast_in_dim3A_838 : vector<16x1xi32> to vector<16xi32>
        %gather3A_840 = tpu.dynamic_gather %gather3A_23[%gather3A_839] in [0] : vector<16xf32>, vector<16xi32> -> vector<16xf32>
        %mul3A_841 = arith.constant 16 : i32
        %mul3A_842 = arith.muli %scan3A_642, %mul3A_841 : i32
        %swap3A_843 = arith.constant 1 : i32
        %swap3A_844 = arith.constant 6 : i32
        %swap3A_845 = arith.index_cast %swap3A_843 : i32 to index
        %swap3A_846 = arith.index_cast %swap3A_844 : i32 to index
        %swap3A_847 = arith.index_cast %mul3A_842 : i32 to index
        %swap3A_848 = tpu.vector_load %arg7[%swap3A_845, %swap3A_846, %swap3A_847] {strides = array<i32>} : memref<2x20x2048xf32, #tpu.memory_space<vmem>>, vector<16xf32>,
        tpu.vector_store %arg7[%swap3A_845, %swap3A_846, %swap3A_847], %gather3A_840 {strides = array<i32>} : memref<2x20x2048xf32, #tpu.memory_space<vmem>>, vector<16xf32>,
        %lt3A_849 = arith.constant 0 : i32
        %lt3A_850 = vector.broadcast %lt3A_849 : i32 to vector<16xi32>
        %lt3A_851 = arith.cmpi slt, %add3A_722, %lt3A_850 : vector<16xi32>
        %add3A_852 = arith.constant 16 : i32
        %add3A_853 = vector.broadcast %add3A_852 : i32 to vector<16xi32>
        %add3A_854 = arith.addi %add3A_722, %add3A_853 : vector<16xi32>
        %select_n3A_855 = arith.select %lt3A_851, %add3A_854, %add3A_722 : vector<16xi1>, vector<16xi32>
        %broadcast_in_dim3A_856 = vector.shape_cast %select_n3A_855 : vector<16xi32> to vector<16x1xi32>
        %gather3A_857 = vector.shape_cast %broadcast_in_dim3A_856 : vector<16x1xi32> to vector<16xi32>
        %gather3A_858 = tpu.dynamic_gather %gather3A_26[%gather3A_857] in [0] : vector<16xf32>, vector<16xi32> -> vector<16xf32>
        %mul3A_859 = arith.constant 16 : i32
        %mul3A_860 = arith.muli %scan3A_642, %mul3A_859 : i32
        %swap3A_861 = arith.constant 1 : i32
        %swap3A_862 = arith.constant 7 : i32
        %swap3A_863 = arith.index_cast %swap3A_861 : i32 to index
        %swap3A_864 = arith.index_cast %swap3A_862 : i32 to index
        %swap3A_865 = arith.index_cast %mul3A_860 : i32 to index
        %swap3A_866 = tpu.vector_load %arg7[%swap3A_863, %swap3A_864, %swap3A_865] {strides = array<i32>} : memref<2x20x2048xf32, #tpu.memory_space<vmem>>, vector<16xf32>,
        tpu.vector_store %arg7[%swap3A_863, %swap3A_864, %swap3A_865], %gather3A_858 {strides = array<i32>} : memref<2x20x2048xf32, #tpu.memory_space<vmem>>, vector<16xf32>,
        %lt3A_867 = arith.constant 0 : i32
        %lt3A_868 = vector.broadcast %lt3A_867 : i32 to vector<16xi32>
        %lt3A_869 = arith.cmpi slt, %add3A_722, %lt3A_868 : vector<16xi32>
        %add3A_870 = arith.constant 16 : i32
        %add3A_871 = vector.broadcast %add3A_870 : i32 to vector<16xi32>
        %add3A_872 = arith.addi %add3A_722, %add3A_871 : vector<16xi32>
        %select_n3A_873 = arith.select %lt3A_869, %add3A_872, %add3A_722 : vector<16xi1>, vector<16xi32>
        %broadcast_in_dim3A_874 = vector.shape_cast %select_n3A_873 : vector<16xi32> to vector<16x1xi32>
        %gather3A_875 = vector.shape_cast %broadcast_in_dim3A_874 : vector<16x1xi32> to vector<16xi32>
        %gather3A_876 = tpu.dynamic_gather %gather3A_29[%gather3A_875] in [0] : vector<16xf32>, vector<16xi32> -> vector<16xf32>
        %mul3A_877 = arith.constant 16 : i32
        %mul3A_878 = arith.muli %scan3A_642, %mul3A_877 : i32
        %swap3A_879 = arith.constant 1 : i32
        %swap3A_880 = arith.constant 8 : i32
        %swap3A_881 = arith.index_cast %swap3A_879 : i32 to index
        %swap3A_882 = arith.index_cast %swap3A_880 : i32 to index
        %swap3A_883 = arith.index_cast %mul3A_878 : i32 to index
        %swap3A_884 = tpu.vector_load %arg7[%swap3A_881, %swap3A_882, %swap3A_883] {strides = array<i32>} : memref<2x20x2048xf32, #tpu.memory_space<vmem>>, vector<16xf32>,
        tpu.vector_store %arg7[%swap3A_881, %swap3A_882, %swap3A_883], %gather3A_876 {strides = array<i32>} : memref<2x20x2048xf32, #tpu.memory_space<vmem>>, vector<16xf32>,
        %lt3A_885 = arith.constant 0 : i32
        %lt3A_886 = vector.broadcast %lt3A_885 : i32 to vector<16xi32>
        %lt3A_887 = arith.cmpi slt, %add3A_722, %lt3A_886 : vector<16xi32>
        %add3A_888 = arith.constant 16 : i32
        %add3A_889 = vector.broadcast %add3A_888 : i32 to vector<16xi32>
        %add3A_890 = arith.addi %add3A_722, %add3A_889 : vector<16xi32>
        %select_n3A_891 = arith.select %lt3A_887, %add3A_890, %add3A_722 : vector<16xi1>, vector<16xi32>
        %broadcast_in_dim3A_892 = vector.shape_cast %select_n3A_891 : vector<16xi32> to vector<16x1xi32>
        %gather3A_893 = vector.shape_cast %broadcast_in_dim3A_892 : vector<16x1xi32> to vector<16xi32>
        %gather3A_894 = tpu.dynamic_gather %gather3A_32[%gather3A_893] in [0] : vector<16xf32>, vector<16xi32> -> vector<16xf32>
        %mul3A_895 = arith.constant 16 : i32
        %mul3A_896 = arith.muli %scan3A_642, %mul3A_895 : i32
        %swap3A_897 = arith.constant 1 : i32
        %swap3A_898 = arith.constant 9 : i32
        %swap3A_899 = arith.index_cast %swap3A_897 : i32 to index
        %swap3A_900 = arith.index_cast %swap3A_898 : i32 to index
        %swap3A_901 = arith.index_cast %mul3A_896 : i32 to index
        %swap3A_902 = tpu.vector_load %arg7[%swap3A_899, %swap3A_900, %swap3A_901] {strides = array<i32>} : memref<2x20x2048xf32, #tpu.memory_space<vmem>>, vector<16xf32>,
        tpu.vector_store %arg7[%swap3A_899, %swap3A_900, %swap3A_901], %gather3A_894 {strides = array<i32>} : memref<2x20x2048xf32, #tpu.memory_space<vmem>>, vector<16xf32>,
        %lt3A_903 = arith.constant 0 : i32
        %lt3A_904 = vector.broadcast %lt3A_903 : i32 to vector<16xi32>
        %lt3A_905 = arith.cmpi slt, %add3A_722, %lt3A_904 : vector<16xi32>
        %add3A_906 = arith.constant 16 : i32
        %add3A_907 = vector.broadcast %add3A_906 : i32 to vector<16xi32>
        %add3A_908 = arith.addi %add3A_722, %add3A_907 : vector<16xi32>
        %select_n3A_909 = arith.select %lt3A_905, %add3A_908, %add3A_722 : vector<16xi1>, vector<16xi32>
        %broadcast_in_dim3A_910 = vector.shape_cast %select_n3A_909 : vector<16xi32> to vector<16x1xi32>
        %gather3A_911 = vector.shape_cast %broadcast_in_dim3A_910 : vector<16x1xi32> to vector<16xi32>
        %gather3A_912 = tpu.dynamic_gather %gather3A_35[%gather3A_911] in [0] : vector<16xf32>, vector<16xi32> -> vector<16xf32>
        %mul3A_913 = arith.constant 16 : i32
        %mul3A_914 = arith.muli %scan3A_642, %mul3A_913 : i32
        %swap3A_915 = arith.constant 1 : i32
        %swap3A_916 = arith.constant 10 : i32
        %swap3A_917 = arith.index_cast %swap3A_915 : i32 to index
        %swap3A_918 = arith.index_cast %swap3A_916 : i32 to index
        %swap3A_919 = arith.index_cast %mul3A_914 : i32 to index
        %swap3A_920 = tpu.vector_load %arg7[%swap3A_917, %swap3A_918, %swap3A_919] {strides = array<i32>} : memref<2x20x2048xf32, #tpu.memory_space<vmem>>, vector<16xf32>,
        tpu.vector_store %arg7[%swap3A_917, %swap3A_918, %swap3A_919], %gather3A_912 {strides = array<i32>} : memref<2x20x2048xf32, #tpu.memory_space<vmem>>, vector<16xf32>,
        %lt3A_921 = arith.constant 0 : i32
        %lt3A_922 = vector.broadcast %lt3A_921 : i32 to vector<16xi32>
        %lt3A_923 = arith.cmpi slt, %add3A_722, %lt3A_922 : vector<16xi32>
        %add3A_924 = arith.constant 16 : i32
        %add3A_925 = vector.broadcast %add3A_924 : i32 to vector<16xi32>
        %add3A_926 = arith.addi %add3A_722, %add3A_925 : vector<16xi32>
        %select_n3A_927 = arith.select %lt3A_923, %add3A_926, %add3A_722 : vector<16xi1>, vector<16xi32>
        %broadcast_in_dim3A_928 = vector.shape_cast %select_n3A_927 : vector<16xi32> to vector<16x1xi32>
        %gather3A_929 = vector.shape_cast %broadcast_in_dim3A_928 : vector<16x1xi32> to vector<16xi32>
        %gather3A_930 = tpu.dynamic_gather %gather3A_38[%gather3A_929] in [0] : vector<16xf32>, vector<16xi32> -> vector<16xf32>
        %mul3A_931 = arith.constant 16 : i32
        %mul3A_932 = arith.muli %scan3A_642, %mul3A_931 : i32
        %swap3A_933 = arith.constant 1 : i32
        %swap3A_934 = arith.constant 11 : i32
        %swap3A_935 = arith.index_cast %swap3A_933 : i32 to index
        %swap3A_936 = arith.index_cast %swap3A_934 : i32 to index
        %swap3A_937 = arith.index_cast %mul3A_932 : i32 to index
        %swap3A_938 = tpu.vector_load %arg7[%swap3A_935, %swap3A_936, %swap3A_937] {strides = array<i32>} : memref<2x20x2048xf32, #tpu.memory_space<vmem>>, vector<16xf32>,
        tpu.vector_store %arg7[%swap3A_935, %swap3A_936, %swap3A_937], %gather3A_930 {strides = array<i32>} : memref<2x20x2048xf32, #tpu.memory_space<vmem>>, vector<16xf32>,
        %lt3A_939 = arith.constant 0 : i32
        %lt3A_940 = vector.broadcast %lt3A_939 : i32 to vector<16xi32>
        %lt3A_941 = arith.cmpi slt, %add3A_722, %lt3A_940 : vector<16xi32>
        %add3A_942 = arith.constant 16 : i32
        %add3A_943 = vector.broadcast %add3A_942 : i32 to vector<16xi32>
        %add3A_944 = arith.addi %add3A_722, %add3A_943 : vector<16xi32>
        %select_n3A_945 = arith.select %lt3A_941, %add3A_944, %add3A_722 : vector<16xi1>, vector<16xi32>
        %broadcast_in_dim3A_946 = vector.shape_cast %select_n3A_945 : vector<16xi32> to vector<16x1xi32>
        %gather3A_947 = vector.shape_cast %broadcast_in_dim3A_946 : vector<16x1xi32> to vector<16xi32>
        %gather3A_948 = tpu.dynamic_gather %gather3A_41[%gather3A_947] in [0] : vector<16xf32>, vector<16xi32> -> vector<16xf32>
        %mul3A_949 = arith.constant 16 : i32
        %mul3A_950 = arith.muli %scan3A_642, %mul3A_949 : i32
        %swap3A_951 = arith.constant 1 : i32
        %swap3A_952 = arith.constant 12 : i32
        %swap3A_953 = arith.index_cast %swap3A_951 : i32 to index
        %swap3A_954 = arith.index_cast %swap3A_952 : i32 to index
        %swap3A_955 = arith.index_cast %mul3A_950 : i32 to index
        %swap3A_956 = tpu.vector_load %arg7[%swap3A_953, %swap3A_954, %swap3A_955] {strides = array<i32>} : memref<2x20x2048xf32, #tpu.memory_space<vmem>>, vector<16xf32>,
        tpu.vector_store %arg7[%swap3A_953, %swap3A_954, %swap3A_955], %gather3A_948 {strides = array<i32>} : memref<2x20x2048xf32, #tpu.memory_space<vmem>>, vector<16xf32>,
        %lt3A_957 = arith.constant 0 : i32
        %lt3A_958 = vector.broadcast %lt3A_957 : i32 to vector<16xi32>
        %lt3A_959 = arith.cmpi slt, %add3A_722, %lt3A_958 : vector<16xi32>
        %add3A_960 = arith.constant 16 : i32
        %add3A_961 = vector.broadcast %add3A_960 : i32 to vector<16xi32>
        %add3A_962 = arith.addi %add3A_722, %add3A_961 : vector<16xi32>
        %select_n3A_963 = arith.select %lt3A_959, %add3A_962, %add3A_722 : vector<16xi1>, vector<16xi32>
        %broadcast_in_dim3A_964 = vector.shape_cast %select_n3A_963 : vector<16xi32> to vector<16x1xi32>
        %gather3A_965 = vector.shape_cast %broadcast_in_dim3A_964 : vector<16x1xi32> to vector<16xi32>
        %gather3A_966 = tpu.dynamic_gather %gather3A_44[%gather3A_965] in [0] : vector<16xf32>, vector<16xi32> -> vector<16xf32>
        %mul3A_967 = arith.constant 16 : i32
        %mul3A_968 = arith.muli %scan3A_642, %mul3A_967 : i32
        %swap3A_969 = arith.constant 1 : i32
        %swap3A_970 = arith.constant 13 : i32
        %swap3A_971 = arith.index_cast %swap3A_969 : i32 to index
        %swap3A_972 = arith.index_cast %swap3A_970 : i32 to index
        %swap3A_973 = arith.index_cast %mul3A_968 : i32 to index
        %swap3A_974 = tpu.vector_load %arg7[%swap3A_971, %swap3A_972, %swap3A_973] {strides = array<i32>} : memref<2x20x2048xf32, #tpu.memory_space<vmem>>, vector<16xf32>,
        tpu.vector_store %arg7[%swap3A_971, %swap3A_972, %swap3A_973], %gather3A_966 {strides = array<i32>} : memref<2x20x2048xf32, #tpu.memory_space<vmem>>, vector<16xf32>,
        %lt3A_975 = arith.constant 0 : i32
        %lt3A_976 = vector.broadcast %lt3A_975 : i32 to vector<16xi32>
        %lt3A_977 = arith.cmpi slt, %add3A_722, %lt3A_976 : vector<16xi32>
        %add3A_978 = arith.constant 16 : i32
        %add3A_979 = vector.broadcast %add3A_978 : i32 to vector<16xi32>
        %add3A_980 = arith.addi %add3A_722, %add3A_979 : vector<16xi32>
        %select_n3A_981 = arith.select %lt3A_977, %add3A_980, %add3A_722 : vector<16xi1>, vector<16xi32>
        %broadcast_in_dim3A_982 = vector.shape_cast %select_n3A_981 : vector<16xi32> to vector<16x1xi32>
        %gather3A_983 = vector.shape_cast %broadcast_in_dim3A_982 : vector<16x1xi32> to vector<16xi32>
        %gather3A_984 = tpu.dynamic_gather %gather3A_47[%gather3A_983] in [0] : vector<16xf32>, vector<16xi32> -> vector<16xf32>
        %mul3A_985 = arith.constant 16 : i32
        %mul3A_986 = arith.muli %scan3A_642, %mul3A_985 : i32
        %swap3A_987 = arith.constant 1 : i32
        %swap3A_988 = arith.constant 14 : i32
        %swap3A_989 = arith.index_cast %swap3A_987 : i32 to index
        %swap3A_990 = arith.index_cast %swap3A_988 : i32 to index
        %swap3A_991 = arith.index_cast %mul3A_986 : i32 to index
        %swap3A_992 = tpu.vector_load %arg7[%swap3A_989, %swap3A_990, %swap3A_991] {strides = array<i32>} : memref<2x20x2048xf32, #tpu.memory_space<vmem>>, vector<16xf32>,
        tpu.vector_store %arg7[%swap3A_989, %swap3A_990, %swap3A_991], %gather3A_984 {strides = array<i32>} : memref<2x20x2048xf32, #tpu.memory_space<vmem>>, vector<16xf32>,
        %lt3A_993 = arith.constant 0 : i32
        %lt3A_994 = vector.broadcast %lt3A_993 : i32 to vector<16xi32>
        %lt3A_995 = arith.cmpi slt, %add3A_722, %lt3A_994 : vector<16xi32>
        %add3A_996 = arith.constant 16 : i32
        %add3A_997 = vector.broadcast %add3A_996 : i32 to vector<16xi32>
        %add3A_998 = arith.addi %add3A_722, %add3A_997 : vector<16xi32>
        %select_n3A_999 = arith.select %lt3A_995, %add3A_998, %add3A_722 : vector<16xi1>, vector<16xi32>
        %broadcast_in_dim3A_1000 = vector.shape_cast %select_n3A_999 : vector<16xi32> to vector<16x1xi32>
        %gather3A_1001 = vector.shape_cast %broadcast_in_dim3A_1000 : vector<16x1xi32> to vector<16xi32>
        %gather3A_1002 = tpu.dynamic_gather %gather3A_50[%gather3A_1001] in [0] : vector<16xf32>, vector<16xi32> -> vector<16xf32>
        %mul3A_1003 = arith.constant 16 : i32
        %mul3A_1004 = arith.muli %scan3A_642, %mul3A_1003 : i32
        %swap3A_1005 = arith.constant 1 : i32
        %swap3A_1006 = arith.constant 15 : i32
        %swap3A_1007 = arith.index_cast %swap3A_1005 : i32 to index
        %swap3A_1008 = arith.index_cast %swap3A_1006 : i32 to index
        %swap3A_1009 = arith.index_cast %mul3A_1004 : i32 to index
        %swap3A_1010 = tpu.vector_load %arg7[%swap3A_1007, %swap3A_1008, %swap3A_1009] {strides = array<i32>} : memref<2x20x2048xf32, #tpu.memory_space<vmem>>, vector<16xf32>,
        tpu.vector_store %arg7[%swap3A_1007, %swap3A_1008, %swap3A_1009], %gather3A_1002 {strides = array<i32>} : memref<2x20x2048xf32, #tpu.memory_space<vmem>>, vector<16xf32>,
        %lt3A_1011 = arith.constant 0 : i32
        %lt3A_1012 = vector.broadcast %lt3A_1011 : i32 to vector<16xi32>
        %lt3A_1013 = arith.cmpi slt, %add3A_722, %lt3A_1012 : vector<16xi32>
        %add3A_1014 = arith.constant 16 : i32
        %add3A_1015 = vector.broadcast %add3A_1014 : i32 to vector<16xi32>
        %add3A_1016 = arith.addi %add3A_722, %add3A_1015 : vector<16xi32>
        %select_n3A_1017 = arith.select %lt3A_1013, %add3A_1016, %add3A_722 : vector<16xi1>, vector<16xi32>
        %broadcast_in_dim3A_1018 = vector.shape_cast %select_n3A_1017 : vector<16xi32> to vector<16x1xi32>
        %gather3A_1019 = vector.shape_cast %broadcast_in_dim3A_1018 : vector<16x1xi32> to vector<16xi32>
        %gather3A_1020 = tpu.dynamic_gather %gather3A_53[%gather3A_1019] in [0] : vector<16xf32>, vector<16xi32> -> vector<16xf32>
        %mul3A_1021 = arith.constant 16 : i32
        %mul3A_1022 = arith.muli %scan3A_642, %mul3A_1021 : i32
        %swap3A_1023 = arith.constant 1 : i32
        %swap3A_1024 = arith.constant 16 : i32
        %swap3A_1025 = arith.index_cast %swap3A_1023 : i32 to index
        %swap3A_1026 = arith.index_cast %swap3A_1024 : i32 to index
        %swap3A_1027 = arith.index_cast %mul3A_1022 : i32 to index
        %swap3A_1028 = tpu.vector_load %arg7[%swap3A_1025, %swap3A_1026, %swap3A_1027] {strides = array<i32>} : memref<2x20x2048xf32, #tpu.memory_space<vmem>>, vector<16xf32>,
        tpu.vector_store %arg7[%swap3A_1025, %swap3A_1026, %swap3A_1027], %gather3A_1020 {strides = array<i32>} : memref<2x20x2048xf32, #tpu.memory_space<vmem>>, vector<16xf32>,
        %lt3A_1029 = arith.constant 0 : i32
        %lt3A_1030 = vector.broadcast %lt3A_1029 : i32 to vector<16xi32>
        %lt3A_1031 = arith.cmpi slt, %add3A_722, %lt3A_1030 : vector<16xi32>
        %add3A_1032 = arith.constant 16 : i32
        %add3A_1033 = vector.broadcast %add3A_1032 : i32 to vector<16xi32>
        %add3A_1034 = arith.addi %add3A_722, %add3A_1033 : vector<16xi32>
        %select_n3A_1035 = arith.select %lt3A_1031, %add3A_1034, %add3A_722 : vector<16xi1>, vector<16xi32>
        %broadcast_in_dim3A_1036 = vector.shape_cast %select_n3A_1035 : vector<16xi32> to vector<16x1xi32>
        %gather3A_1037 = vector.shape_cast %broadcast_in_dim3A_1036 : vector<16x1xi32> to vector<16xi32>
        %gather3A_1038 = tpu.dynamic_gather %gather3A_56[%gather3A_1037] in [0] : vector<16xf32>, vector<16xi32> -> vector<16xf32>
        %mul3A_1039 = arith.constant 16 : i32
        %mul3A_1040 = arith.muli %scan3A_642, %mul3A_1039 : i32
        %swap3A_1041 = arith.constant 1 : i32
        %swap3A_1042 = arith.constant 17 : i32
        %swap3A_1043 = arith.index_cast %swap3A_1041 : i32 to index
        %swap3A_1044 = arith.index_cast %swap3A_1042 : i32 to index
        %swap3A_1045 = arith.index_cast %mul3A_1040 : i32 to index
        %swap3A_1046 = tpu.vector_load %arg7[%swap3A_1043, %swap3A_1044, %swap3A_1045] {strides = array<i32>} : memref<2x20x2048xf32, #tpu.memory_space<vmem>>, vector<16xf32>,
        tpu.vector_store %arg7[%swap3A_1043, %swap3A_1044, %swap3A_1045], %gather3A_1038 {strides = array<i32>} : memref<2x20x2048xf32, #tpu.memory_space<vmem>>, vector<16xf32>,
        %lt3A_1047 = arith.constant 0 : i32
        %lt3A_1048 = vector.broadcast %lt3A_1047 : i32 to vector<16xi32>
        %lt3A_1049 = arith.cmpi slt, %add3A_722, %lt3A_1048 : vector<16xi32>
        %add3A_1050 = arith.constant 16 : i32
        %add3A_1051 = vector.broadcast %add3A_1050 : i32 to vector<16xi32>
        %add3A_1052 = arith.addi %add3A_722, %add3A_1051 : vector<16xi32>
        %select_n3A_1053 = arith.select %lt3A_1049, %add3A_1052, %add3A_722 : vector<16xi1>, vector<16xi32>
        %broadcast_in_dim3A_1054 = vector.shape_cast %select_n3A_1053 : vector<16xi32> to vector<16x1xi32>
        %gather3A_1055 = vector.shape_cast %broadcast_in_dim3A_1054 : vector<16x1xi32> to vector<16xi32>
        %gather3A_1056 = tpu.dynamic_gather %gather3A_59[%gather3A_1055] in [0] : vector<16xf32>, vector<16xi32> -> vector<16xf32>
        %mul3A_1057 = arith.constant 16 : i32
        %mul3A_1058 = arith.muli %scan3A_642, %mul3A_1057 : i32
        %swap3A_1059 = arith.constant 1 : i32
        %swap3A_1060 = arith.constant 18 : i32
        %swap3A_1061 = arith.index_cast %swap3A_1059 : i32 to index
        %swap3A_1062 = arith.index_cast %swap3A_1060 : i32 to index
        %swap3A_1063 = arith.index_cast %mul3A_1058 : i32 to index
        %swap3A_1064 = tpu.vector_load %arg7[%swap3A_1061, %swap3A_1062, %swap3A_1063] {strides = array<i32>} : memref<2x20x2048xf32, #tpu.memory_space<vmem>>, vector<16xf32>,
        tpu.vector_store %arg7[%swap3A_1061, %swap3A_1062, %swap3A_1063], %gather3A_1056 {strides = array<i32>} : memref<2x20x2048xf32, #tpu.memory_space<vmem>>, vector<16xf32>,
        %lt3A_1065 = arith.constant 0 : i32
        %lt3A_1066 = vector.broadcast %lt3A_1065 : i32 to vector<16xi32>
        %lt3A_1067 = arith.cmpi slt, %add3A_722, %lt3A_1066 : vector<16xi32>
        %add3A_1068 = arith.constant 16 : i32
        %add3A_1069 = vector.broadcast %add3A_1068 : i32 to vector<16xi32>
        %add3A_1070 = arith.addi %add3A_722, %add3A_1069 : vector<16xi32>
        %select_n3A_1071 = arith.select %lt3A_1067, %add3A_1070, %add3A_722 : vector<16xi1>, vector<16xi32>
        %broadcast_in_dim3A_1072 = vector.shape_cast %select_n3A_1071 : vector<16xi32> to vector<16x1xi32>
        %gather3A_1073 = vector.shape_cast %broadcast_in_dim3A_1072 : vector<16x1xi32> to vector<16xi32>
        %gather3A_1074 = tpu.dynamic_gather %gather3A_62[%gather3A_1073] in [0] : vector<16xf32>, vector<16xi32> -> vector<16xf32>
        %mul3A_1075 = arith.constant 16 : i32
        %mul3A_1076 = arith.muli %scan3A_642, %mul3A_1075 : i32
        %swap3A_1077 = arith.constant 1 : i32
        %swap3A_1078 = arith.constant 19 : i32
        %swap3A_1079 = arith.index_cast %swap3A_1077 : i32 to index
        %swap3A_1080 = arith.index_cast %swap3A_1078 : i32 to index
        %swap3A_1081 = arith.index_cast %mul3A_1076 : i32 to index
        %swap3A_1082 = tpu.vector_load %arg7[%swap3A_1079, %swap3A_1080, %swap3A_1081] {strides = array<i32>} : memref<2x20x2048xf32, #tpu.memory_space<vmem>>, vector<16xf32>,
        tpu.vector_store %arg7[%swap3A_1079, %swap3A_1080, %swap3A_1081], %gather3A_1074 {strides = array<i32>} : memref<2x20x2048xf32, #tpu.memory_space<vmem>>, vector<16xf32>,
      }
      %scan3A_187 = arith.constant 128 : i32
      %mul3A_188 = arith.constant 2048 : i32
      %mul3A_189 = arith.muli %add3A_157, %mul3A_188 : i32
      %add3A_190 = arith.addi %mul3A_2, %mul3A_189 : i32
      %dma_start3A_191 = arith.constant 1 : i32
      %dma_start3A_192 = arith.constant 0 : i32
      %dma_start3A_193 = arith.constant 0 : i32
      %dma_start3A_194 = tpu.memref_slice %arg7[%dma_start3A_191, %dma_start3A_192, %dma_start3A_193] : memref<2x20x2048xf32, #tpu.memory_space<vmem>> -> memref<1x20x2048xf32, #tpu.memory_space<vmem>>
      %dma_start3A_195 = tpu.memref_squeeze %dma_start3A_194 : memref<1x20x2048xf32, #tpu.memory_space<vmem>> -> memref<20x2048xf32, #tpu.memory_space<vmem>>
      %dma_start3A_196 = arith.constant 0 : i32
      %dma_start3A_197 = tpu.memref_slice %arg4[%dma_start3A_196, %add3A_190] : memref<20x1048576xf32, #tpu.memory_space<hbm>> -> memref<20x2048xf32, #tpu.memory_space<hbm>>
      %dma_start3A_198 = arith.constant 0 : i32
      %dma_start3A_199 = tpu.memref_slice %arg4[%dma_start3A_198, %add3A_190] : memref<20x1048576xf32, #tpu.memory_space<hbm>> -> memref<20x2048xf32, #tpu.memory_space<hbm>>
      %dma_start3A_200 = arith.constant 0 : i32
      %dma_start3A_201 = arith.constant 0 : i32
      %dma_start3A_202 = tpu.memref_slice %arg7[%dma_start3A_191, %dma_start3A_200, %dma_start3A_201] : memref<2x20x2048xf32, #tpu.memory_space<vmem>> -> memref<1x20x2048xf32, #tpu.memory_space<vmem>>
      %dma_start3A_203 = tpu.memref_squeeze %dma_start3A_202 : memref<1x20x2048xf32, #tpu.memory_space<vmem>> -> memref<20x2048xf32, #tpu.memory_space<vmem>>
      tpu.enqueue_dma source(%dma_start3A_203 : memref<20x2048xf32, #tpu.memory_space<vmem>>) target(%dma_start3A_199 : memref<20x2048xf32, #tpu.memory_space<hbm>>) target_semaphore(%arg9 : memref<!tpu.dma_semaphore, #tpu.memory_space<semaphore_mem>>)
    }
    %scan3A_77 = arith.constant 8 : i32
    %add3A_78 = arith.constant 28672 : i32
    %add3A_79 = arith.addi %mul3A_2, %add3A_78 : i32
    %dma_wait3A = arith.constant 0 : i32
    %dma_wait3A_80 = arith.constant 0 : i32
    %dma_wait3A_81 = arith.constant 0 : i32
    %dma_wait3A_82 = tpu.memref_slice %arg7[%dma_wait3A, %dma_wait3A_80, %dma_wait3A_81] : memref<2x20x2048xf32, #tpu.memory_space<vmem>> -> memref<1x20x2048xf32, #tpu.memory_space<vmem>>
    %dma_wait3A_83 = tpu.memref_squeeze %dma_wait3A_82 : memref<1x20x2048xf32, #tpu.memory_space<vmem>> -> memref<20x2048xf32, #tpu.memory_space<vmem>>
    %dma_wait3A_84 = arith.constant 0 : i32
    %dma_wait3A_85 = tpu.memref_slice %arg4[%dma_wait3A_84, %add3A_79] : memref<20x1048576xf32, #tpu.memory_space<hbm>> -> memref<20x2048xf32, #tpu.memory_space<hbm>>
    %dma_wait3A_86 = arith.constant 0 : i32
    %dma_wait3A_87 = tpu.memref_slice %arg4[%dma_wait3A_86, %add3A_79] : memref<20x1048576xf32, #tpu.memory_space<hbm>> -> memref<20x2048xf32, #tpu.memory_space<hbm>>
    %dma_wait3A_88 = arith.constant 0 : i32
    %dma_wait3A_89 = arith.constant 0 : i32
    %dma_wait3A_90 = tpu.memref_slice %arg7[%dma_wait3A, %dma_wait3A_88, %dma_wait3A_89] : memref<2x20x2048xf32, #tpu.memory_space<vmem>> -> memref<1x20x2048xf32, #tpu.memory_space<vmem>>
    %dma_wait3A_91 = tpu.memref_squeeze %dma_wait3A_90 : memref<1x20x2048xf32, #tpu.memory_space<vmem>> -> memref<20x2048xf32, #tpu.memory_space<vmem>>
    tpu.wait_dma2 semaphore(%arg9 : memref<!tpu.dma_semaphore, #tpu.memory_space<semaphore_mem>>) src(%dma_wait3A_91 : memref<20x2048xf32, #tpu.memory_space<vmem>>) dst(%dma_wait3A_87 : memref<20x2048xf32, #tpu.memory_space<hbm>>)
    %add3A_92 = arith.constant 30720 : i32
    %add3A_93 = arith.addi %mul3A_2, %add3A_92 : i32
    %dma_wait3A_94 = arith.constant 1 : i32
    %dma_wait3A_95 = arith.constant 0 : i32
    %dma_wait3A_96 = arith.constant 0 : i32
    %dma_wait3A_97 = tpu.memref_slice %arg7[%dma_wait3A_94, %dma_wait3A_95, %dma_wait3A_96] : memref<2x20x2048xf32, #tpu.memory_space<vmem>> -> memref<1x20x2048xf32, #tpu.memory_space<vmem>>
    %dma_wait3A_98 = tpu.memref_squeeze %dma_wait3A_97 : memref<1x20x2048xf32, #tpu.memory_space<vmem>> -> memref<20x2048xf32, #tpu.memory_space<vmem>>
    %dma_wait3A_99 = arith.constant 0 : i32
    %dma_wait3A_100 = tpu.memref_slice %arg4[%dma_wait3A_99, %add3A_93] : memref<20x1048576xf32, #tpu.memory_space<hbm>> -> memref<20x2048xf32, #tpu.memory_space<hbm>>
    %dma_wait3A_101 = arith.constant 0 : i32
    %dma_wait3A_102 = tpu.memref_slice %arg4[%dma_wait3A_101, %add3A_93] : memref<20x1048576xf32, #tpu.memory_space<hbm>> -> memref<20x2048xf32, #tpu.memory_space<hbm>>
    %dma_wait3A_103 = arith.constant 0 : i32
    %dma_wait3A_104 = arith.constant 0 : i32
    %dma_wait3A_105 = tpu.memref_slice %arg7[%dma_wait3A_94, %dma_wait3A_103, %dma_wait3A_104] : memref<2x20x2048xf32, #tpu.memory_space<vmem>> -> memref<1x20x2048xf32, #tpu.memory_space<vmem>>
    %dma_wait3A_106 = tpu.memref_squeeze %dma_wait3A_105 : memref<1x20x2048xf32, #tpu.memory_space<vmem>> -> memref<20x2048xf32, #tpu.memory_space<vmem>>
    tpu.wait_dma2 semaphore(%arg9 : memref<!tpu.dma_semaphore, #tpu.memory_space<semaphore_mem>>) src(%dma_wait3A_106 : memref<20x2048xf32, #tpu.memory_space<vmem>>) dst(%dma_wait3A_102 : memref<20x2048xf32, #tpu.memory_space<hbm>>)
    return
  }
}

</mosaic_0001>

<sc_bundles>
// kernel: kernel.3.cloned.1.call-start
scs
__scs_entry_jumppad:
0x0: {  	(pc) =	sbr.rel $0x88, $3  }
0x1: {  	(tag) =	ssettag $0x0;
	lr =	simm.s32 $0x1  }
0x2: {  	[smem:$0x3F9F] =	sst lr;
	_ =	strace $0xD0000000  }
0x3: {  	_ = 	snop  }
0x4: {  	_ = 	snop  }
0x5: {  	_ = 	snop  }
0x6: {  	_ = 	snop  }
0x7: {  	_ = 	snop  }
__scs_overlays_trampoline_lowered:
0x8: {  	[smem:$0x3FAE] =	sst s0  }
0x9: {  	[smem:$0x3FAF] =	sst s1  }
0xa: {  	[smem:$0x3FB0] =	sst s2  }
0xb: {  	[smem:$0x3FB1] =	sst s3  }
0xc: {  	[smem:$0x3FB2] =	sst s4  }
0xd: {  	[smem:$0x3FB3] =	sst s5  }
0xe: {  	[smem:$0x3FB4] =	sst s6  }
0xf: {  	[smem:$0x3FB5] =	sst s7  }
0x10: {  	[smem:$0x3FB6] =	sst s8  }
0x11: {  	[smem:$0x3FB7] =	sst s9;
	s0 =	simm.s32 @!p0 $0x0  }
0x12: {  	s1 =	sld [smem:$0x3F9D];
	s0 =	simm.s32 @p0 $0x1  }
0x13: {  	[smem:$0x3FB8] =	sst s0;
	s0 =	simm.s32 @!p1 $0x0  }
0x14: {  	s2 =	sld [smem:$0x3F9C];
	s0 =	simm.s32 @p1 $0x1  }
0x15: {  	[smem:$0x3FB9] =	sst s0;
	s0 =	simm.s32 @!p2 $0x0  }
0x16: {  	s3 =	sld [smem:$0x3FDB];
	s0 =	simm.s32 @p2 $0x1  }
0x17: {  	s4 =	simm.s32 $0x1BF5;
	[smem:$0x3FBB] =	sst s0  }
0x18: {  	s0 =	sld [smem:$0x3F9E];
	_ =	swait.ge [sflag:s4], $0x0  }
0x19: {  	s7 =	sld [smem:$0x3F9F]  }
0x1a: {  	s8 =	sadd.s32 $0xFFFFE003, lr  }
0x1b: {  	s9 =	sadd.s32 $0xFFFFFEF7, lr;
	s5 =	simm.s32 $0xFFFFFFFF;
	p2 =	slt.u32 s8, $0xFFFFF086  }
0x1c: {  	p1 =	slt.u32 s9, $0xF7A;
	s5 =	simm.s32 @!p2 $0x0  }
0x1d: {  	s5 =	simm.s32 @p1 $0x1;
	p0 =	seq.s32 s7, s2  }
0x1e: {  	s7 =	smul.u32 @!p0 $0xF7A, s2;
	p2 =	seq.s32 @!p0 s5, $0x0  }
0x1f: {  	s9 =	smul.u32 $0xF7A, s1;
	s8 =	simm.s32 @!p0 $0x1BF5;
	p2 =	por !p2, p0  }
0x20: {  	[sflag:s8] =	ssyncset.s32 @!p0 $0xFFFFF086;
	s6 =	sadd.s32 @!p0 s3, s7;
	s7 =	simm.s32 @!p0 $0x108  }
0x21: {  	s3 =	sadd.s32 s3, s9;
	s6 =	sadd.s32 @!p0 $0x88, s6;
	s7 =	simm.s32 @p2 $0x1082  }
0x22: {  	[simem:s7], [sflag:s8] =	dma.local @!p0 [hbm:s6], $0xF7A  }
0x23: {  	s9 =	sor.u32 $0xD0000000, s2;
	s6 =	simm.s32 $0x108;
	_ =	swait.ge @!p0 [sflag:s8], $0x0  }
0x24: {  	s3 =	sadd.s32 $0x88, s3;
	s6 =	simm.s32 @!p1 $0x1082;
	[sflag:s4] =	ssyncset.s32 $0xFFFFF086  }
0x25: {  	[simem:s6], [sflag:s4] =	dma.local [hbm:s3], $0xF7A  }
0x26: {  	[smem:$0x3F9F] =	sst s1;
	(tag) =	ssettag s2;
	_ =	strace s9  }
0x27: {  	s1 =	sld [smem:$0x3FAF]  }
0x28: {  	s2 =	sld [smem:$0x3FB0]  }
0x29: {  	s4 =	sld [smem:$0x3FB2]  }
0x2a: {  	p0 =	seq.s32 s5, $0x0;
	s5 =	sld [smem:$0x3FB3]  }
0x2b: {  	s6 =	sld [smem:$0x3FB4]  }
0x2c: {  	s7 =	sld [smem:$0x3FB5]  }
0x2d: {  	s3 =	simm.s32 $0x108;
	s8 =	sld [smem:$0x3FB6]  }
0x2e: {  	s3 =	simm.s32 @!p0 $0x1082;
	s9 =	sld [smem:$0x3FB7]  }
0x2f: {  	lr =	sadd.s32 s0, s3;
	s0 =	sld [smem:$0x3FAE]  }
0x30: {  	s3 =	sld [smem:$0x3FB1]  }
0x31: {  	[smem:$0x3FBA] =	sst s10  }
0x32: {  	s10 =	sld [smem:$0x3FB8];
	_ =	sdelay $0x3  }
0x33: {  	p0 =	seq.s32 s10, $0x1;
	s10 =	sld [smem:$0x3FBA];
	_ =	sdelay $0x3  }
0x34: {  	[smem:$0x3FBA] =	sst s10  }
0x35: {  	s10 =	sld [smem:$0x3FB9];
	_ =	sdelay $0x3  }
0x36: {  	p1 =	seq.s32 s10, $0x1;
	s10 =	sld [smem:$0x3FBA];
	_ =	sdelay $0x3  }
0x37: {  	[smem:$0x3FBA] =	sst s10  }
0x38: {  	s10 =	sld [smem:$0x3FBB]  }
0x39: {  	_ = 	snop;
	(pc) =	sbr.ind lr, $3  }
0x3a: {  	_ = 	snop  }
0x3b: {  	_ = 	snop  }
0x3c: {  	p2 =	seq.s32 s10, $0x1;
	s10 =	sld [smem:$0x3FBA]  }
0x3d: {  	_ =	shalt  }
0x3e: {  	_ =	shalt  }
0x3f: {  	_ =	shalt  }
0x40: {  	_ =	shalt  }
0x41: {  	_ =	shalt  }
0x42: {  	_ =	shalt  }
0x43: {  	_ =	shalt  }
0x44: {  	_ =	shalt  }
0x45: {  	_ =	shalt  }
0x46: {  	_ =	shalt  }
0x47: {  	_ =	shalt  }
0x48: {  	_ =	shalt  }
0x49: {  	_ =	shalt  }
0x4a: {  	_ =	shalt  }
0x4b: {  	_ =	shalt  }
0x4c: {  	_ =	shalt  }
0x4d: {  	_ =	shalt  }
0x4e: {  	_ =	shalt  }
0x4f: {  	_ =	shalt  }
0x50: {  	_ =	shalt  }
0x51: {  	_ =	shalt  }
0x52: {  	_ =	shalt  }
0x53: {  	_ =	shalt  }
0x54: {  	_ =	shalt  }
0x55: {  	_ =	shalt  }
0x56: {  	_ =	shalt  }
0x57: {  	_ =	shalt  }
0x58: {  	_ =	shalt  }
0x59: {  	_ =	shalt  }
0x5a: {  	_ =	shalt  }
0x5b: {  	_ =	shalt  }
0x5c: {  	_ =	shalt  }
0x5d: {  	_ =	shalt  }
0x5e: {  	_ =	shalt  }
0x5f: {  	_ =	shalt  }
0x60: {  	_ =	shalt  }
0x61: {  	_ =	shalt  }
0x62: {  	_ =	shalt  }
0x63: {  	_ =	shalt  }
0x64: {  	_ =	shalt  }
0x65: {  	_ =	shalt  }
0x66: {  	_ =	shalt  }
0x67: {  	_ =	shalt  }
0x68: {  	_ =	shalt  }
0x69: {  	_ =	shalt  }
0x6a: {  	_ =	shalt  }
0x6b: {  	_ =	shalt  }
0x6c: {  	_ =	shalt  }
0x6d: {  	_ =	shalt  }
0x6e: {  	_ =	shalt  }
0x6f: {  	_ =	shalt  }
0x70: {  	_ =	shalt  }
0x71: {  	_ =	shalt  }
0x72: {  	_ =	shalt  }
0x73: {  	_ =	shalt  }
0x74: {  	_ =	shalt  }
0x75: {  	_ =	shalt  }
0x76: {  	_ =	shalt  }
0x77: {  	_ =	shalt  }
0x78: {  	_ =	shalt  }
0x79: {  	_ =	shalt  }
0x7a: {  	_ =	shalt  }
0x7b: {  	_ =	shalt  }
0x7c: {  	_ =	shalt  }
0x7d: {  	_ =	shalt  }
0x7e: {  	_ =	shalt  }
0x7f: {  	_ =	shalt  }
0x80: {  	_ =	shalt  }
0x81: {  	_ =	shalt  }
0x82: {  	_ =	shalt  }
0x83: {  	_ =	shalt  }
0x84: {  	_ =	shalt  }
0x85: {  	_ =	shalt  }
0x86: {  	_ =	shalt  }
0x87: {  	_ =	shalt  }
.Lfunc_end0:
.L_simem_size_0:
called_computation_lowered:
.L_overlay_start_0:
0x88: {  	s2 =	sld [smem:$0x3FD9]  }
0x89: {  	s3 =	sld [smem:$0x3FFE];
	_ =	sdelay $0x1  }
0x8a: {  	s1 =	srdreg.scid  }
0x8b: {  	s0 =	sand.u32 $0x1, s1  }
0x8c: {  	s18 =	sshll.u32 s0, $0xA;
	s2 =	sadd.s32 s3, s2  }
0x8d: {  	s2 =	sadd.s32 s2, s18  }
0x8e: {  	[smem:$0x3FC6] =	sst s2  }
0x8f: {  	_ = 	snop  }
0x90: {  	s2 =	sld [smem:$0x3FC9]  }
0x91: {  	s19 =	sld [smem:$0x3FC8]  }
0x92: {  	s4 =	sld [smem:$0x3FD0];
	(tm) =	ssettm $0x1  }
0x93: {  	s5 =	sld [smem:$0x3FFB];
	_ =	sdelay $0x3  }
0x94: {  	_ =	strace s5  }
0x95: {  	s5 =	sld [smem:$0x3FFC];
	_ =	sdelay $0x3  }
0x96: {  	_ =	strace s5  }
0x97: {  	s5 =	sld [smem:$0x3FFD];
	_ =	sdelay $0x3  }
0x98: {  	_ =	strace s5  }
0x99: {  	_ =	strace $0x8FFFFFFF  }
0x9a: {  	s20 =	sld [smem:$0x3FDB];
	_ =	sdelay $0x1  }
0x9b: {  	s6 =	simm.s32 $_scs_section_size  }
0x9c: {  	s7 =	simm.s32 $_size__tile_overlayer_lowered;
	s8 =	simm.s32 $_tile_overlayer_lowered  }
0x9d: {  	s23 =	simm.s32 $0x1BFF;
	s22 =	sshll.u32 s8, $0x1;
	s5 =	sadd.s32 s6, s20  }
0x9e: {  	s9 =	simm.s32 $0x0;
	s21 =	sshll.u32 s7, $0x1;
	s7 =	sadd.s32 s22, s5  }
0x9f: {  	[timem:s9], [sflag:s23] =	dma.local [hbm:s7], s21  }
0xa0: {  	_ =	swait.ge [sflag:s23], s21  }
0xa1: {  	s6 =	ssub.s32 $0x0, s21;
	[sflag:s23] =	ssyncset.done $0x0  }
0xa2: {  	[sflag:s23] =	ssyncadd.s32 s6;
	_ =	sdelay $0x1  }
0xa3: {  	s24 =	simm.s32 $0x1B8B  }
0xa4: {  	_ =	swait.ge [sflag:s24], $0x1  }
0xa5: {  	[sflag:s24] =	ssyncset.done $0x0  }
0xa6: {  	s25 =	simm.s32 $0x1B8E;
	[sflag:s24] =	ssyncadd.s32 $0xFFFFFFFF  }
0xa7: {  	s26 =	simm.s32 $execute0_lowered;
	[smem:$0x3FD2] =	sst s25  }
0xa8: {  	s6 =	sshll.u32 s26, $0x1;
	_ =	strace $0x80000046;
	[dreg:$0x1] =	wrdreg $0xFFFFFFFF  }
0xa9: {  	s28 =	simm.s32 $_size_execute0_lowered;
	s5 =	sadd.s32 s5, s6;
	[dreg:$0x0] =	wrdreg $0x0  }
0xaa: {  	s6 =	sshll.u32 s28, $0x1;
	[dreg:$0x2] =	wrdreg s5  }
0xab: {  	[dreg:$0x3] =	wrdreg s6  }
0xac: {  	[dreg:$0x4] =	wrdreg $0xC0  }
0xad: {  	_ =	task [dreg:s9], $0x5FFFF  }
0xae: {  	[dreg:$0x1] =	wrdreg $0xFFFFFFFF  }
0xaf: {  	[dreg:$0x0] =	wrdreg $0x60  }
0xb0: {  	[dreg:$0x2] =	wrdreg s2  }
0xb1: {  	[dreg:$0x3] =	wrdreg s19  }
0xb2: {  	[dreg:$0x4] =	wrdreg s4  }
0xb3: {  	[dreg:$0x5] =	wrdreg $0x9  }
0xb4: {  	_ =	task.clear_ibuf [dreg:s9], $0x6FFFF;
	_ =	strace $0x90000046  }
0xb5: {  	s29 =	simm.s32 $0x9;
	_ =	strace $0x80000048  }
0xb6: {  	_ =	swait.ge [sflag:s29], $0x1  }
0xb7: {  	[sflag:s29] =	ssyncadd.s32 $0xFFFFFFFF  }
0xb8: {  	_ =	strace $0x90000048  }
0xb9: {  	_ =	sfence  }
0xba: {  	s30 =	sld [smem:$0x0];
	_ =	sdelay $0x2  }
0xbb: {  	s31 =	sshll.u32 s1, $0xD;
	s1 =	sshrl.u32 s1, $0x2  }
0xbc: {  	s3 =	sand.u32 $0x4000, s31;
	s1 =	sadd.s32 s1, s30  }
0xbd: {  	s0 =	sor.u32 s3, s0;
	s1 =	sshll.u32 s1, $0x11  }
0xbe: {  	s0 =	sor.u32 s1, s0  }
0xbf: {  	s0 =	sadd.s32 $0x8F2B, s0  }
0xc0: {  	[sflag:s0] =	ssyncadd.remote.s32 $0x1  }
0xc1: {  	_ =	sfence.sel $0xFFFF  }
0xc2: {  	[dreg:$0x0] =	wrdreg $0xFFFFFFFF;
	(pc) =	sbr.abs _section_cstart, $3  }
0xc3: {  	[dreg:$0x1] =	wrdreg $0xFFFFFFFF  }
0xc4: {  	_ =	task.clear_ibuf [dreg:s9], $0x2FFFF;
	_ =	strace $0x9FFFFFFF  }
0xc5: {  	(tm) =	ssettm $0x7FFFFFFF  }
tec
execute0_lowered:
.L_overlay_start_1:
0x0: {  	(tag) =	ssettag $0x1  }
0x1: {  	v0 =	vimm.s32 $0x400;
	vm7 =	vcmask $0x300;
	v1 =	vimm.s32 $0x401  }
0x2: {  	vm6 =	vcmask $0x704;
	vm5 =	vcmask $0xB08;
	vm4 =	vcmask $0xF0C  }
0x3: {  	vm3 =	vcmask $0x1310;
	vm2 =	vcmask $0x1714;
	vm1 =	vcmask $0x1B18  }
0x4: {  	vm0 =	vcmask $0x1F1C;
	v2 =	vimm.s32 $0x402;
	v3 =	vimm.s32 $0x403  }
0x5: {  	v4 =	vimm.s32 $0x404;
	v5 =	vimm.s32 $0x405;
	v6 =	vimm.s32 $0x406  }
0x6: {  	v7 =	vimm.s32 $0x407;
	v8 =	vimm.s32 $0x408;
	v9 =	vimm.s32 $0x409  }
0x7: {  	v10 =	vimm.s32 $0x40A;
	v11 =	vimm.s32 $0x40B;
	v12 =	vimm.s32 $0x40C  }
0x8: {  	v13 =	vimm.s32 $0x40D;
	v14 =	vimm.s32 $0x40E;
	v15 =	vimm.s32 $0x40F  }
0x9: {  	v16 =	vimm.s32 $0x410;
	v17 =	vimm.s32 $0x411;
	v18 =	vimm.s32 $0x412  }
0xa: {  	v19 =	vimm.s32 $0x413;
	v20 =	vimm.s32 $0x0;
	v0 =	vsel vm7, $0x0, v0  }
0xb: {  	v1 =	vsel vm7, $0x1, v1;
	v2 =	vsel vm7, $0x2, v2;
	v3 =	vsel vm7, $0x3, v3  }
0xc: {  	v4 =	vsel vm7, $0x4, v4;
	v5 =	vsel vm7, $0x5, v5;
	v6 =	vsel vm7, $0x6, v6  }
0xd: {  	v7 =	vsel vm7, $0x7, v7;
	v8 =	vsel vm7, $0x8, v8;
	v9 =	vsel vm7, $0x9, v9  }
0xe: {  	v10 =	vsel vm7, $0xA, v10;
	v11 =	vsel vm7, $0xB, v11;
	v12 =	vsel vm7, $0xC, v12  }
0xf: {  	v13 =	vsel vm7, $0xD, v13;
	v14 =	vsel vm7, $0xE, v14;
	v15 =	vsel vm7, $0xF, v15  }
0x10: {  	v16 =	vsel vm7, $0x10, v16;
	v17 =	vsel vm7, $0x11, v17;
	v18 =	vsel vm7, $0x12, v18  }
0x11: {  	v19 =	vsel vm7, $0x13, v19;
	v0 =	vsel vm6, $0x80, v0;
	v1 =	vsel vm6, $0x81, v1  }
0x12: {  	v2 =	vsel vm6, $0x82, v2;
	v3 =	vsel vm6, $0x83, v3;
	v4 =	vsel vm6, $0x84, v4  }
0x13: {  	v5 =	vsel vm6, $0x85, v5;
	v6 =	vsel vm6, $0x86, v6;
	v7 =	vsel vm6, $0x87, v7  }
0x14: {  	v8 =	vsel vm6, $0x88, v8;
	v9 =	vsel vm6, $0x89, v9;
	v10 =	vsel vm6, $0x8A, v10  }
0x15: {  	v11 =	vsel vm6, $0x8B, v11;
	v12 =	vsel vm6, $0x8C, v12;
	v13 =	vsel vm6, $0x8D, v13  }
0x16: {  	v14 =	vsel vm6, $0x8E, v14;
	v15 =	vsel vm6, $0x8F, v15;
	v16 =	vsel vm6, $0x90, v16  }
0x17: {  	v17 =	vsel vm6, $0x91, v17;
	v18 =	vsel vm6, $0x92, v18;
	v19 =	vsel vm6, $0x93, v19  }
0x18: {  	v0 =	vsel vm5, $0x100, v0;
	v1 =	vsel vm5, $0x101, v1;
	v2 =	vsel vm5, $0x102, v2  }
0x19: {  	v3 =	vsel vm5, $0x103, v3;
	v4 =	vsel vm5, $0x104, v4;
	v5 =	vsel vm5, $0x105, v5  }
0x1a: {  	v6 =	vsel vm5, $0x106, v6;
	v7 =	vsel vm5, $0x107, v7;
	v8 =	vsel vm5, $0x108, v8  }
0x1b: {  	v9 =	vsel vm5, $0x109, v9;
	v10 =	vsel vm5, $0x10A, v10;
	v11 =	vsel vm5, $0x10B, v11  }
0x1c: {  	v12 =	vsel vm5, $0x10C, v12;
	v13 =	vsel vm5, $0x10D, v13;
	v14 =	vsel vm5, $0x10E, v14  }
0x1d: {  	v15 =	vsel vm5, $0x10F, v15;
	v16 =	vsel vm5, $0x110, v16;
	v17 =	vsel vm5, $0x111, v17  }
0x1e: {  	v18 =	vsel vm5, $0x112, v18;
	v19 =	vsel vm5, $0x113, v19;
	v0 =	vsel vm4, $0x180, v0  }
0x1f: {  	v1 =	vsel vm4, $0x181, v1;
	v2 =	vsel vm4, $0x182, v2;
	v3 =	vsel vm4, $0x183, v3  }
0x20: {  	v4 =	vsel vm4, $0x184, v4;
	v5 =	vsel vm4, $0x185, v5;
	v6 =	vsel vm4, $0x186, v6  }
0x21: {  	v7 =	vsel vm4, $0x187, v7;
	v8 =	vsel vm4, $0x188, v8;
	v9 =	vsel vm4, $0x189, v9  }
0x22: {  	v10 =	vsel vm4, $0x18A, v10;
	v11 =	vsel vm4, $0x18B, v11;
	v12 =	vsel vm4, $0x18C, v12  }
0x23: {  	v13 =	vsel vm4, $0x18D, v13;
	v14 =	vsel vm4, $0x18E, v14;
	v15 =	vsel vm4, $0x18F, v15  }
0x24: {  	v16 =	vsel vm4, $0x190, v16;
	v17 =	vsel vm4, $0x191, v17;
	v18 =	vsel vm4, $0x192, v18  }
0x25: {  	v19 =	vsel vm4, $0x193, v19;
	v0 =	vsel vm3, $0x200, v0;
	v1 =	vsel vm3, $0x201, v1  }
0x26: {  	v2 =	vsel vm3, $0x202, v2;
	v3 =	vsel vm3, $0x203, v3;
	v4 =	vsel vm3, $0x204, v4  }
0x27: {  	v5 =	vsel vm3, $0x205, v5;
	v6 =	vsel vm3, $0x206, v6;
	v7 =	vsel vm3, $0x207, v7  }
0x28: {  	v8 =	vsel vm3, $0x208, v8;
	v9 =	vsel vm3, $0x209, v9;
	v10 =	vsel vm3, $0x20A, v10  }
0x29: {  	v11 =	vsel vm3, $0x20B, v11;
	v12 =	vsel vm3, $0x20C, v12;
	v13 =	vsel vm3, $0x20D, v13  }
0x2a: {  	v14 =	vsel vm3, $0x20E, v14;
	v15 =	vsel vm3, $0x20F, v15;
	v16 =	vsel vm3, $0x210, v16  }
0x2b: {  	v17 =	vsel vm3, $0x211, v17;
	v18 =	vsel vm3, $0x212, v18;
	v19 =	vsel vm3, $0x213, v19  }
0x2c: {  	v0 =	vsel vm2, $0x280, v0;
	v1 =	vsel vm2, $0x281, v1;
	v2 =	vsel vm2, $0x282, v2  }
0x2d: {  	v3 =	vsel vm2, $0x283, v3;
	v4 =	vsel vm2, $0x284, v4;
	v5 =	vsel vm2, $0x285, v5  }
0x2e: {  	s25 =	rddreg [dreg:$0x0];
	s0 =	srdreg.scid;
	v6 =	vsel vm2, $0x286, v6;
	v7 =	vsel vm2, $0x287, v7;
	v8 =	vsel vm2, $0x288, v8  }
0x2f: {  	s4 =	rddreg [dreg:$0x2];
	s1 =	stileid.u32;
	s0 =	sand.u32 $0x1, s0;
	v9 =	vsel vm2, $0x289, v9;
	v10 =	vsel vm2, $0x28A, v10;
	v11 =	vsel vm2, $0x28B, v11  }
0x30: {  	s5 =	simm.s32 $0x0;
	s1 =	sshll.u32 s1, $0x10;
	s2 =	sshll.u32 s0, $0xF;
	v12 =	vsel vm2, $0x28C, v12;
	v13 =	vsel vm2, $0x28D, v13;
	v14 =	vsel vm2, $0x28E, v14  }
0x31: {  	[smem:$0x7FF] =	sst s5;
	s0 =	ssub.s32 $0x2, s0;
	s1 =	sor.u32 s2, s1;
	v15 =	vsel vm2, $0x28F, v15;
	v16 =	vsel vm2, $0x290, v16;
	v17 =	vsel vm2, $0x291, v17  }
0x32: {  	_ =	strace $0x80000047;
	s17 =	sshrl.u32 s0, $0x1;
	s19 =	sor.u32 $0x800, s1;
	v18 =	vsel vm2, $0x292, v18;
	v19 =	vsel vm2, $0x293, v19;
	v0 =	vsel vm1, $0x300, v0  }
0x33: {  	s3 =	sshrl.u32 s1, $0x3;
	s20 =	sadd.s32 s4, s1;
	[dreg:$0x5] =	wrdreg s19;
	v1 =	vsel vm1, $0x301, v1;
	v2 =	vsel vm1, $0x302, v2;
	v3 =	vsel vm1, $0x303, v3  }
0x34: {  	s0 =	ssub.s32 s0, s17;
	s1 =	sor.u32 $0x1000, s1;
	[dreg:$0x6] =	wrdreg s20;
	v4 =	vsel vm1, $0x304, v4;
	v5 =	vsel vm1, $0x305, v5;
	v6 =	vsel vm1, $0x306, v6  }
0x35: {  	[dreg:$0x7] =	wrdreg s1;
	s0 =	smax.u32 s0, $0x1;
	v7 =	vsel vm1, $0x307, v7;
	v8 =	vsel vm1, $0x308, v8;
	v9 =	vsel vm1, $0x309, v9  }
0x36: {  	s18 =	sadd.s32 s25, s3;
	[dreg:$0x8] =	wrdreg s0;
	v10 =	vsel vm1, $0x30A, v10;
	v11 =	vsel vm1, $0x30B, v11;
	v12 =	vsel vm1, $0x30C, v12  }
0x37: {  	s21 =	sadd.s32 $0x10, s18;
	[dreg:$0x4] =	wrdreg s18;
	v13 =	vsel vm1, $0x30D, v13;
	v14 =	vsel vm1, $0x30E, v14;
	v15 =	vsel vm1, $0x30F, v15  }
0x38: {  	s22 =	sadd.s32 $0x20, s18;
	[dreg:$0x9] =	wrdreg s21;
	v16 =	vsel vm1, $0x310, v16;
	v17 =	vsel vm1, $0x311, v17;
	v18 =	vsel vm1, $0x312, v18  }
0x39: {  	s23 =	sadd.s32 $0x30, s18;
	[dreg:$0xa] =	wrdreg s22;
	v19 =	vsel vm1, $0x313, v19;
	v0 =	vsel vm0, $0x380, v0;
	v1 =	vsel vm0, $0x381, v1  }
0x3a: {  	s24 =	sadd.s32 $0x40, s18;
	[dreg:$0xb] =	wrdreg s23;
	v2 =	vsel vm0, $0x382, v2;
	v3 =	vsel vm0, $0x383, v3;
	v4 =	vsel vm0, $0x384, v4  }
0x3b: {  	s26 =	sadd.s32 $0x50, s18;
	[dreg:$0xc] =	wrdreg s24;
	v5 =	vsel vm0, $0x385, v5;
	v6 =	vsel vm0, $0x386, v6;
	v7 =	vsel vm0, $0x387, v7  }
0x3c: {  	s28 =	sadd.s32 $0x60, s18;
	[dreg:$0xd] =	wrdreg s26;
	v8 =	vsel vm0, $0x388, v8;
	v9 =	vsel vm0, $0x389, v9;
	v10 =	vsel vm0, $0x38A, v10  }
0x3d: {  	s16 =	simm.s32 $0x1;
	s30 =	sadd.s32 $0x70, s18;
	[dreg:$0xe] =	wrdreg s28;
	v11 =	vsel vm0, $0x38B, v11;
	v12 =	vsel vm0, $0x38C, v12;
	v13 =	vsel vm0, $0x38D, v13  }
0x3e: {  	s29 =	simm.s32 $0x800000;
	s31 =	sadd.s32 $0x80, s18;
	[dreg:$0xf] =	wrdreg s30;
	v14 =	vsel vm0, $0x38E, v14;
	v15 =	vsel vm0, $0x38F, v15;
	v16 =	vsel vm0, $0x390, v16  }
0x3f: {  	s2 =	simm.s32 $0x0;
	[dreg:$0x10] =	wrdreg s31;
	s26 =	simm.s32 $0x4000;
	v17 =	vsel vm0, $0x391, v17;
	v18 =	vsel vm0, $0x392, v18;
	v19 =	vsel vm0, $0x393, v19  }
.LBB2_1:
0x40: {  	[dreg:$0x11] =	wrdreg s2  }
0x41: {  	s0 =	rddreg [dreg:$0x1];
	s20 =	simm.s32 $0x3  }
0x42: {  	[tilespmem:s5], [sflag:$0x3] =	stream.linear.gather [hbm4b:s0+s5], $0x480, $0x38;
	[tilespmem:$0x19800] =	vst v63  }
0x43: {  	_ =	swait.ge [sflag:s20], $0x480  }
0x44: {  	[sflag:s20] =	ssyncset.done $0x0  }
0x45: {  	[sflag:s20] =	ssyncadd.s32 $0xFFFFFB80  }
0x46: {  	v21 =	vld.idx.msk [tilespmem:v0+s5+$0x0], $0xffff  }
0x47: {  	v22 =	vld.idx.msk [tilespmem:v1+s5+$0x0], $0xffff  }
0x48: {  	v23 =	vld.idx.msk [tilespmem:v2+s5+$0x0], $0xffff  }
0x49: {  	v24 =	vld.idx.msk [tilespmem:v3+s5+$0x0], $0xffff  }
0x4a: {  	v25 =	vld.idx.msk [tilespmem:v4+s5+$0x0], $0xffff  }
0x4b: {  	v26 =	vld.idx.msk [tilespmem:v5+s5+$0x0], $0xffff  }
0x4c: {  	v27 =	vld.idx.msk [tilespmem:v6+s5+$0x0], $0xffff  }
0x4d: {  	v28 =	vld.idx.msk [tilespmem:v7+s5+$0x0], $0xffff  }
0x4e: {  	v29 =	vld.idx.msk [tilespmem:v8+s5+$0x0], $0xffff  }
0x4f: {  	v30 =	vld.idx.msk [tilespmem:v9+s5+$0x0], $0xffff  }
0x50: {  	v31 =	vld.idx.msk [tilespmem:v10+s5+$0x0], $0xffff  }
0x51: {  	v32 =	vld.idx.msk [tilespmem:v11+s5+$0x0], $0xffff  }
0x52: {  	v33 =	vld.idx.msk [tilespmem:v12+s5+$0x0], $0xffff  }
0x53: {  	v34 =	vld.idx.msk [tilespmem:v13+s5+$0x0], $0xffff  }
0x54: {  	v35 =	vld.idx.msk [tilespmem:v14+s5+$0x0], $0xffff  }
0x55: {  	v36 =	vld.idx.msk [tilespmem:v15+s5+$0x0], $0xffff  }
0x56: {  	v37 =	vld.idx.msk [tilespmem:v16+s5+$0x0], $0xffff  }
0x57: {  	v38 =	vld.idx.msk [tilespmem:v17+s5+$0x0], $0xffff  }
0x58: {  	s21 =	simm.s32 $0x800;
	s1 =	rddreg [dreg:$0x4];
	v39 =	vld.idx.msk [tilespmem:v18+s5+$0x0], $0xffff  }
0x59: {  	v40 =	vld.idx.msk [tilespmem:v19+s5+$0x0], $0xffff;
	[tilespmem:s21], [sflag:$0x1] =	stream.linear.gather [hbm4b:s1+s5], $0x80, $0x38  }
0x5a: {  	s23 =	simm.s32 $0x900;
	s22 =	rddreg [dreg:$0x9]  }
0x5b: {  	[tilespmem:s23], [sflag:$0x1] =	stream.linear.gather [hbm4b:s22+s5], $0x80, $0x38;
	[tilespmem:$0x19800] =	vst v63  }
0x5c: {  	s28 =	simm.s32 $0xA00;
	s24 =	rddreg [dreg:$0xa]  }
0x5d: {  	[tilespmem:s28], [sflag:$0x1] =	stream.linear.gather [hbm4b:s24+s5], $0x80, $0x38;
	[tilespmem:$0x19800] =	vst v63  }
0x5e: {  	s31 =	simm.s32 $0xB00;
	s30 =	rddreg [dreg:$0xb]  }
0x5f: {  	[tilespmem:s31], [sflag:$0x1] =	stream.linear.gather [hbm4b:s30+s5], $0x80, $0x38;
	[tilespmem:$0x19800] =	vst v63  }
0x60: {  	s3 =	simm.s32 $0xC00;
	s2 =	rddreg [dreg:$0xc]  }
0x61: {  	[tilespmem:s3], [sflag:$0x1] =	stream.linear.gather [hbm4b:s2+s5], $0x80, $0x38;
	[tilespmem:$0x19800] =	vst v63  }
0x62: {  	s6 =	simm.s32 $0xD00;
	s4 =	rddreg [dreg:$0xd]  }
0x63: {  	[tilespmem:s6], [sflag:$0x1] =	stream.linear.gather [hbm4b:s4+s5], $0x80, $0x38;
	[tilespmem:$0x19800] =	vst v63  }
0x64: {  	s8 =	simm.s32 $0xE00;
	s7 =	rddreg [dreg:$0xe]  }
0x65: {  	[tilespmem:s8], [sflag:$0x1] =	stream.linear.gather [hbm4b:s7+s5], $0x80, $0x38;
	[tilespmem:$0x19800] =	vst v63  }
0x66: {  	s10 =	simm.s32 $0xF00;
	s9 =	rddreg [dreg:$0xf]  }
0x67: {  	[tilespmem:s10], [sflag:$0x1] =	stream.linear.gather [hbm4b:s9+s5], $0x80, $0x38;
	[tilespmem:$0x19800] =	vst v63  }
0x68: {  	s12 =	simm.s32 $0x1000;
	s11 =	rddreg [dreg:$0x10]  }
0x69: {  	[tilespmem:s12], [sflag:$0x1] =	stream.linear.gather [hbm4b:s11+s5], $0x80, $0x38;
	[tilespmem:$0x19800] =	vst v63  }
0x6a: {  	s14 =	simm.s32 $0x1100;
	s13 =	sadd.s32 $0x90, s1  }
0x6b: {  	[tilespmem:s14], [sflag:$0x1] =	stream.linear.gather [hbm4b:s13+s5], $0x80, $0x38;
	[tilespmem:$0x19800] =	vst v63  }
0x6c: {  	s17 =	simm.s32 $0x1200;
	s15 =	sadd.s32 $0xA0, s1  }
0x6d: {  	[tilespmem:s17], [sflag:$0x1] =	stream.linear.gather [hbm4b:s15+s5], $0x80, $0x38;
	[tilespmem:$0x19800] =	vst v63  }
0x6e: {  	s19 =	simm.s32 $0x1300;
	s18 =	sadd.s32 $0xB0, s1  }
0x6f: {  	[tilespmem:s19], [sflag:$0x1] =	stream.linear.gather [hbm4b:s18+s5], $0x80, $0x38;
	[tilespmem:$0x19800] =	vst v63  }
0x70: {  	s20 =	sadd.s32 $0xC0, s1;
	s21 =	simm.s32 $0x1400  }
0x71: {  	[tilespmem:s21], [sflag:$0x1] =	stream.linear.gather [hbm4b:s20+s5], $0x80, $0x38;
	[tilespmem:$0x19800] =	vst v63  }
0x72: {  	s22 =	sadd.s32 $0xD0, s1;
	s23 =	simm.s32 $0x1500  }
0x73: {  	[tilespmem:s23], [sflag:$0x1] =	stream.linear.gather [hbm4b:s22+s5], $0x80, $0x38;
	[tilespmem:$0x19800] =	vst v63  }
0x74: {  	s24 =	sadd.s32 $0xE0, s1;
	s28 =	simm.s32 $0x1600  }
0x75: {  	[tilespmem:s28], [sflag:$0x1] =	stream.linear.gather [hbm4b:s24+s5], $0x80, $0x38;
	[tilespmem:$0x19800] =	vst v63  }
0x76: {  	s30 =	sadd.s32 $0xF0, s1;
	s31 =	simm.s32 $0x1700;
	s11 =	simm.s32 $0x0  }
0x77: {  	[tilespmem:s31], [sflag:$0x1] =	stream.linear.gather [hbm4b:s30+s5], $0x80, $0x38;
	[tilespmem:$0x19800] =	vst v63  }
.LBB2_2:
0x78: {  	_ =	swait.ge [sflag:s16], $0x800  }
0x79: {  	s6 =	sshll.u32 s11, $0xC;
	s0 =	rddreg [dreg:$0x5]  }
0x7a: {  	s28 =	sadd.s32 s0, s6  }
0x7b: {  	[sflag:s16] =	ssyncset.done $0x0;
	s0 =	sshrl.u32 s28, $0x3  }
0x7c: {  	s1 =	simm.s32 $0x880;
	[sflag:s16] =	ssyncadd.s32 $0xFFFFF800;
	s0 =	sadd.s32 s25, s0  }
0x7d: {  	[tilespmem:s1], [sflag:$0x1] =	stream.linear.gather [hbm4b:s0+s5], $0x80, $0x38;
	[tilespmem:$0x19800] =	vst v63  }
0x7e: {  	s2 =	simm.s32 $0x980;
	s20 =	sadd.s32 $0x10, s0  }
0x7f: {  	[tilespmem:s2], [sflag:$0x1] =	stream.linear.gather [hbm4b:s20+s5], $0x80, $0x38;
	[tilespmem:$0x19800] =	vst v63  }
0x80: {  	s22 =	simm.s32 $0xA80;
	s21 =	sadd.s32 $0x20, s0  }
0x81: {  	[tilespmem:s22], [sflag:$0x1] =	stream.linear.gather [hbm4b:s21+s5], $0x80, $0x38;
	[tilespmem:$0x19800] =	vst v63  }
0x82: {  	s24 =	simm.s32 $0xB80;
	s23 =	sadd.s32 $0x30, s0  }
0x83: {  	[tilespmem:s24], [sflag:$0x1] =	stream.linear.gather [hbm4b:s23+s5], $0x80, $0x38;
	[tilespmem:$0x19800] =	vst v63  }
0x84: {  	s31 =	simm.s32 $0xC80;
	s30 =	sadd.s32 $0x40, s0  }
0x85: {  	[tilespmem:s31], [sflag:$0x1] =	stream.linear.gather [hbm4b:s30+s5], $0x80, $0x38;
	[tilespmem:$0x19800] =	vst v63  }
0x86: {  	s3 =	simm.s32 $0xD80;
	s2 =	sadd.s32 $0x50, s0  }
0x87: {  	[tilespmem:s3], [sflag:$0x1] =	stream.linear.gather [hbm4b:s2+s5], $0x80, $0x38;
	[tilespmem:$0x19800] =	vst v63  }
0x88: {  	s7 =	simm.s32 $0xE80;
	s4 =	sadd.s32 $0x60, s0  }
0x89: {  	[tilespmem:s7], [sflag:$0x1] =	stream.linear.gather [hbm4b:s4+s5], $0x80, $0x38;
	[tilespmem:$0x19800] =	vst v63  }
0x8a: {  	s9 =	simm.s32 $0xF80;
	s8 =	sadd.s32 $0x70, s0  }
0x8b: {  	[tilespmem:s9], [sflag:$0x1] =	stream.linear.gather [hbm4b:s8+s5], $0x80, $0x38;
	[tilespmem:$0x19800] =	vst v63  }
0x8c: {  	s12 =	simm.s32 $0x1080;
	s10 =	sadd.s32 $0x80, s0  }
0x8d: {  	[tilespmem:s12], [sflag:$0x1] =	stream.linear.gather [hbm4b:s10+s5], $0x80, $0x38;
	[tilespmem:$0x19800] =	vst v63  }
0x8e: {  	s14 =	simm.s32 $0x1180;
	s13 =	sadd.s32 $0x90, s0  }
0x8f: {  	[tilespmem:s14], [sflag:$0x1] =	stream.linear.gather [hbm4b:s13+s5], $0x80, $0x38;
	[tilespmem:$0x19800] =	vst v63  }
0x90: {  	s17 =	simm.s32 $0x1280;
	s15 =	sadd.s32 $0xA0, s0  }
0x91: {  	[tilespmem:s17], [sflag:$0x1] =	stream.linear.gather [hbm4b:s15+s5], $0x80, $0x38;
	[tilespmem:$0x19800] =	vst v63  }
0x92: {  	s19 =	simm.s32 $0x1380;
	s18 =	sadd.s32 $0xB0, s0  }
0x93: {  	[tilespmem:s19], [sflag:$0x1] =	stream.linear.gather [hbm4b:s18+s5], $0x80, $0x38;
	[tilespmem:$0x19800] =	vst v63  }
0x94: {  	p0 =	seq.s32 s11, $0x0;
	s20 =	sadd.s32 $0xC0, s0;
	s21 =	simm.s32 $0x1480  }
0x95: {  	[tilespmem:s21], [sflag:$0x1] =	stream.linear.gather [hbm4b:s20+s5], $0x80, $0x38;
	[tilespmem:$0x19800] =	vst v63  }
0x96: {  	s22 =	sadd.s32 $0xD0, s0;
	s23 =	simm.s32 $0x1580;
	s24 =	sadd.s32 $0xE0, s0  }
0x97: {  	[tilespmem:s23], [sflag:$0x1] =	stream.linear.gather [hbm4b:s22+s5], $0x80, $0x38;
	[tilespmem:$0x19800] =	vst v63  }
0x98: {  	s0 =	sadd.s32 $0xF0, s0;
	s30 =	simm.s32 $0x1680;
	s3 =	simm.s32 $0x0  }
0x99: {  	[tilespmem:s30], [sflag:$0x1] =	stream.linear.gather [hbm4b:s24+s5], $0x80, $0x38;
	[tilespmem:$0x19800] =	vst v63  }
0x9a: {  	s31 =	simm.s32 $0x1780;
	s2 =	sand.u32 $0x3C00, s3;
	s4 =	simm.s32 @!p0 $0x2  }
0x9b: {  	[tilespmem:s31], [sflag:$0x1] =	stream.linear.gather [hbm4b:s0+s5], $0x80, $0x38;
	[tilespmem:$0x19800] =	vst v63  }
0x9c: {  	s30 =	sshrl.u32 s2, $0x2;
	_ =	swait.ge @!p0 [sflag:s4], $0xC000  }
0x9d: {  	s1 =	sadd.s32 $0x800, s30;
	s31 =	sand.u32 $0x60, s3;
	[sflag:s4] =	ssyncset.done @!p0 $0x0  }
0x9e: {  	s17 =	sor.u32 s31, s1;
	[sflag:s4] =	ssyncadd.s32 @!p0 $0xFFFF4000  }
0x9f: {  	v41 =	vld [tilespmem:s17+$0x0];
	_ =	sdelay $0x4  }
0xa0: {  	vm0 =	vgt.s32 v41, $0x0;
	vm1 =	vgt.s32 v41, $0x1  }
0xa1: {  	vm2 =	vgt.s32 v41, $0x2;
	v42 =	vsel vm0, $0x1, v20;
	v43 =	vsel vm1, $0x1, v20  }
0xa2: {  	vm15 =	vgt.s32 v41, $0x3;
	v47 =	vsel vm2, $0x1, v20;
	v42 =	vadd.s32 v43, v42  }
0xa3: {  	vm4 =	vgt.s32 v41, $0x7;
	v48 =	vsel vm15, $0x1, v20;
	v42 =	vadd.s32 v47, v42  }
0xa4: {  	vm5 =	vgt.s32 v41, $0xF;
	v49 =	vsel vm4, $0x1, v20;
	v42 =	vadd.s32 v48, v42  }
0xa5: {  	vm6 =	vgt.s32 v41, $0x1F;
	v50 =	vsel vm5, $0x1, v20;
	v42 =	vadd.s32 v49, v42  }
0xa6: {  	vm7 =	vgt.s32 v41, $0x3F;
	v52 =	vsel vm6, $0x1, v20;
	v51 =	vadd.s32 v50, v42  }
0xa7: {  	v53 =	vsel vm7, $0x1, v20;
	v41 =	vadd.s32 v52, v51  }
0xa8: {  	v41 =	vadd.s32 v53, v41  }
0xa9: {  	s18 =	sadd.s32 $0x1800, s2;
	v42 =	vperm.xlane v21, v41  }
0xaa: {  	s8 =	sor.u32 s31, s18;
	v54 =	vperm.xlane v24, v41  }
0xab: {  	v55 =	vperm.xlane v25, v41;
	[tilespmem:s8+$0x0] =	vst v42  }
0xac: {  	v56 =	vperm.xlane v26, v41;
	[tilespmem:s8+$0x180] =	vst v54  }
0xad: {  	v57 =	vperm.xlane v28, v41;
	[tilespmem:s8+$0x200] =	vst v55  }
0xae: {  	v44 =	vperm.xlane v23, v41;
	[tilespmem:s8+$0x280] =	vst v56  }
0xaf: {  	v58 =	vperm.xlane v22, v41;
	[tilespmem:s8+$0x380] =	vst v57  }
0xb0: {  	v59 =	vperm.xlane v27, v41;
	[tilespmem:s8+$0x100] =	vst v44  }
0xb1: {  	s7 =	sadd.s32 $0x5800, s2;
	v60 =	vperm.xlane v29, v41;
	[tilespmem:s8+$0x80] =	vst v58  }
0xb2: {  	s9 =	sor.u32 s31, s7;
	v61 =	vperm.xlane v30, v41;
	[tilespmem:s8+$0x300] =	vst v59;
	s8 =	sadd.s32 $0x5880, s2  }
0xb3: {  	v62 =	vperm.xlane v31, v41;
	[tilespmem:s9+$0x0] =	vst v60;
	s10 =	sor.u32 s31, s8;
	s9 =	sadd.s32 $0x5900, s2  }
0xb4: {  	v63 =	vperm.xlane v32, v41;
	[tilespmem:s10+$0x0] =	vst v61;
	s12 =	sor.u32 s31, s9;
	s10 =	sadd.s32 $0x5980, s2  }
0xb5: {  	v45 =	vperm.xlane v33, v41;
	[tilespmem:s12+$0x0] =	vst v62;
	s13 =	sor.u32 s31, s10;
	s12 =	sadd.s32 $0x5A00, s2  }
0xb6: {  	v46 =	vperm.xlane v34, v41;
	[tilespmem:s13+$0x0] =	vst v63;
	s14 =	sor.u32 s31, s12;
	s13 =	sadd.s32 $0x5A80, s2  }
0xb7: {  	v47 =	vperm.xlane v35, v41;
	[tilespmem:s14+$0x0] =	vst v45;
	s15 =	sor.u32 s31, s13;
	s14 =	sadd.s32 $0x5B00, s2  }
0xb8: {  	v48 =	vperm.xlane v36, v41;
	[tilespmem:s15+$0x0] =	vst v46;
	s17 =	sor.u32 s31, s14;
	s15 =	sadd.s32 $0x5B80, s2  }
0xb9: {  	s19 =	sadd.s32 $0x9800, s2;
	v49 =	vperm.xlane v37, v41;
	[tilespmem:s17+$0x0] =	vst v47;
	s21 =	sor.u32 s31, s15  }
0xba: {  	s20 =	sadd.s32 $0x9880, s2;
	s22 =	sor.u32 s31, s19;
	v50 =	vperm.xlane v38, v41;
	[tilespmem:s21+$0x0] =	vst v48  }
0xbb: {  	s23 =	sor.u32 s31, s20;
	v51 =	vperm.xlane v39, v41;
	s21 =	sadd.s32 $0x9900, s2;
	[tilespmem:s22+$0x0] =	vst v49  }
0xbc: {  	v41 =	vperm.xlane v40, v41;
	s24 =	sor.u32 s31, s21;
	s22 =	sadd.s32 $0x9980, s2;
	[tilespmem:s23+$0x0] =	vst v50  }
0xbd: {  	s30 =	sor.u32 $0x10, s31;
	s0 =	sor.u32 s31, s22;
	[tilespmem:s24+$0x0] =	vst v51  }
0xbe: {  	s31 =	sor.u32 s30, s1;
	[tilespmem:s0+$0x0] =	vst v41  }
0xbf: {  	v41 =	vld [tilespmem:s31+$0x0];
	_ =	sdelay $0x4  }
0xc0: {  	vm8 =	vgt.s32 v41, $0x0;
	vm9 =	vgt.s32 v41, $0x1  }
0xc1: {  	vm10 =	vgt.s32 v41, $0x2;
	v52 =	vsel vm8, $0x1, v20;
	v53 =	vsel vm9, $0x1, v20  }
0xc2: {  	vm11 =	vgt.s32 v41, $0x3;
	v54 =	vsel vm10, $0x1, v20;
	v42 =	vadd.s32 v53, v52  }
0xc3: {  	vm12 =	vgt.s32 v41, $0x7;
	v55 =	vsel vm11, $0x1, v20;
	v42 =	vadd.s32 v54, v42  }
0xc4: {  	vm13 =	vgt.s32 v41, $0xF;
	v56 =	vsel vm12, $0x1, v20;
	v42 =	vadd.s32 v55, v42  }
0xc5: {  	vm14 =	vgt.s32 v41, $0x1F;
	v57 =	vsel vm13, $0x1, v20;
	v42 =	vadd.s32 v56, v42  }
0xc6: {  	vm15 =	vgt.s32 v41, $0x3F;
	v59 =	vsel vm14, $0x1, v20;
	v58 =	vadd.s32 v57, v42  }
0xc7: {  	v60 =	vsel vm15, $0x1, v20;
	v41 =	vadd.s32 v59, v58  }
0xc8: {  	v41 =	vadd.s32 v60, v41  }
0xc9: {  	v42 =	vperm.xlane v21, v41  }
0xca: {  	s0 =	sor.u32 s30, s18;
	v61 =	vperm.xlane v23, v41  }
0xcb: {  	s4 =	sor.u32 s30, s9;
	s9 =	sor.u32 s30, s13;
	v62 =	vperm.xlane v26, v41;
	[tilespmem:s0+$0x0] =	vst v42  }
0xcc: {  	s13 =	sor.u32 s30, s19;
	s2 =	sor.u32 s30, s8;
	s8 =	sor.u32 s30, s12;
	v63 =	vperm.xlane v27, v41;
	[tilespmem:s0+$0x100] =	vst v61  }
0xcd: {  	s12 =	sor.u32 s30, s15;
	s15 =	sor.u32 s30, s21;
	s1 =	sor.u32 s30, s7;
	v46 =	vperm.xlane v28, v41;
	[tilespmem:s0+$0x280] =	vst v62  }
0xce: {  	s7 =	sor.u32 s30, s10;
	s10 =	sor.u32 s30, s14;
	s14 =	sor.u32 s30, s20;
	v43 =	vperm.xlane v24, v41;
	v45 =	vperm.xlane v22, v41;
	[tilespmem:s0+$0x300] =	vst v63  }
0xcf: {  	s17 =	sor.u32 s30, s22;
	s20 =	simm.s32 $0x0;
	s18 =	simm.s32 $0x0;
	v44 =	vperm.xlane v29, v41;
	v42 =	vperm.xlane v25, v41;
	[tilespmem:s0+$0x380] =	vst v46  }
.LBB2_3:
0xd0: {  	s18 =	sadd.s32 $0x2, s18;
	[tilespmem:s0+$0x180] =	vst v43;
	s3 =	sadd.s32 $0x20, s3;
	s20 =	sadd.s32 $0x100, s20  }
0xd1: {  	v43 =	vperm.xlane v30, v41;
	p0 =	slt.u32 s18, $0x7E;
	[tilespmem:s0+$0x80] =	vst v45  }
0xd2: {  	[tilespmem:s0+$0x200] =	vst v42;
	v42 =	vperm.xlane v31, v41  }
0xd3: {  	[tilespmem:s1+$0x0] =	vst v44;
	v44 =	vperm.xlane v32, v41  }
0xd4: {  	[tilespmem:s2+$0x0] =	vst v43;
	v43 =	vperm.xlane v33, v41  }
0xd5: {  	[tilespmem:s4+$0x0] =	vst v42;
	v42 =	vperm.xlane v34, v41  }
0xd6: {  	[tilespmem:s7+$0x0] =	vst v44;
	v44 =	vperm.xlane v35, v41  }
0xd7: {  	[tilespmem:s8+$0x0] =	vst v43;
	v43 =	vperm.xlane v36, v41  }
0xd8: {  	[tilespmem:s9+$0x0] =	vst v42;
	v42 =	vperm.xlane v37, v41  }
0xd9: {  	[tilespmem:s10+$0x0] =	vst v44;
	v44 =	vperm.xlane v38, v41  }
0xda: {  	[tilespmem:s12+$0x0] =	vst v43;
	v43 =	vperm.xlane v39, v41  }
0xdb: {  	s21 =	sand.u32 $0x3C00, s20;
	v41 =	vperm.xlane v40, v41;
	[tilespmem:s13+$0x0] =	vst v42  }
0xdc: {  	s0 =	sshrl.u32 s21, $0x2;
	[tilespmem:s14+$0x0] =	vst v44  }
0xdd: {  	s22 =	sand.u32 $0x60, s3;
	s1 =	sadd.s32 $0x800, s0;
	[tilespmem:s15+$0x0] =	vst v43  }
0xde: {  	s0 =	sor.u32 $0x10, s22;
	s2 =	sor.u32 s22, s1;
	[tilespmem:s17+$0x0] =	vst v41  }
0xdf: {  	s24 =	sor.u32 s0, s1;
	v41 =	vld [tilespmem:s2+$0x0];
	_ =	sdelay $0x4  }
0xe0: {  	vm0 =	vgt.s32 v41, $0x0;
	vm1 =	vgt.s32 v41, $0x1;
	vm2 =	vgt.s32 v41, $0x2  }
0xe1: {  	v42 =	vsel vm0, $0x1, v20;
	v43 =	vsel vm1, $0x1, v20;
	vm0 =	vgt.s32 v41, $0x3  }
0xe2: {  	vm1 =	vgt.s32 v41, $0x7;
	v42 =	vadd.s32 v43, v42;
	v43 =	vsel vm2, $0x1, v20  }
0xe3: {  	v42 =	vadd.s32 v43, v42;
	v43 =	vsel vm0, $0x1, v20;
	vm0 =	vgt.s32 v41, $0xF  }
0xe4: {  	v42 =	vadd.s32 v43, v42;
	v43 =	vsel vm1, $0x1, v20;
	vm1 =	vgt.s32 v41, $0x1F  }
0xe5: {  	v42 =	vadd.s32 v43, v42;
	v43 =	vsel vm0, $0x1, v20;
	vm0 =	vgt.s32 v41, $0x3F  }
0xe6: {  	v41 =	vadd.s32 v43, v42;
	v42 =	vsel vm1, $0x1, v20  }
0xe7: {  	v41 =	vadd.s32 v42, v41;
	v42 =	vsel vm0, $0x1, v20  }
0xe8: {  	v41 =	vadd.s32 v42, v41  }
0xe9: {  	s23 =	sadd.s32 $0x1800, s21;
	v42 =	vperm.xlane v21, v41;
	v43 =	vperm.xlane v29, v41  }
0xea: {  	s1 =	sor.u32 s22, s23;
	v44 =	vperm.xlane v23, v41;
	v45 =	vperm.xlane v24, v41  }
0xeb: {  	v46 =	vperm.xlane v27, v41;
	[tilespmem:s1+$0x0] =	vst v42;
	v42 =	vperm.xlane v25, v41  }
0xec: {  	v47 =	vperm.xlane v22, v41;
	[tilespmem:s1+$0x180] =	vst v45;
	v45 =	vperm.xlane v26, v41  }
0xed: {  	[tilespmem:s1+$0x200] =	vst v42;
	v42 =	vperm.xlane v28, v41  }
0xee: {  	[tilespmem:s1+$0x280] =	vst v45  }
0xef: {  	[tilespmem:s1+$0x380] =	vst v42  }
0xf0: {  	[tilespmem:s1+$0x100] =	vst v44  }
0xf1: {  	s2 =	sadd.s32 $0x5800, s21;
	[tilespmem:s1+$0x80] =	vst v47  }
0xf2: {  	s7 =	sadd.s32 $0x5880, s21;
	s4 =	sor.u32 s22, s2;
	v42 =	vperm.xlane v30, v41;
	[tilespmem:s1+$0x300] =	vst v46;
	s1 =	sor.u32 s0, s2  }
0xf3: {  	s8 =	sadd.s32 $0x5900, s21;
	s2 =	sor.u32 s0, s7;
	[tilespmem:s4+$0x0] =	vst v43;
	s4 =	sor.u32 s22, s7;
	v43 =	vperm.xlane v31, v41  }
0xf4: {  	s9 =	sadd.s32 $0x5980, s21;
	s7 =	sor.u32 s22, s8;
	[tilespmem:s4+$0x0] =	vst v42;
	v42 =	vperm.xlane v32, v41;
	s4 =	sor.u32 s0, s8  }
0xf5: {  	s10 =	sadd.s32 $0x5A00, s21;
	s8 =	sor.u32 s22, s9;
	[tilespmem:s7+$0x0] =	vst v43;
	v43 =	vperm.xlane v33, v41;
	s7 =	sor.u32 s0, s9  }
0xf6: {  	s12 =	sadd.s32 $0x5A80, s21;
	s9 =	sor.u32 s22, s10;
	[tilespmem:s8+$0x0] =	vst v42;
	v42 =	vperm.xlane v34, v41;
	s8 =	sor.u32 s0, s10  }
0xf7: {  	s13 =	sadd.s32 $0x5B00, s21;
	s10 =	sor.u32 s22, s12;
	[tilespmem:s9+$0x0] =	vst v43;
	v43 =	vperm.xlane v35, v41;
	s9 =	sor.u32 s0, s12  }
0xf8: {  	s14 =	sadd.s32 $0x5B80, s21;
	s12 =	sor.u32 s22, s13;
	[tilespmem:s10+$0x0] =	vst v42;
	v42 =	vperm.xlane v36, v41;
	s10 =	sor.u32 s0, s13  }
0xf9: {  	s15 =	sadd.s32 $0x9800, s21;
	s13 =	sor.u32 s22, s14;
	[tilespmem:s12+$0x0] =	vst v43;
	v43 =	vperm.xlane v37, v41;
	s12 =	sor.u32 s0, s14  }
0xfa: {  	s17 =	sadd.s32 $0x9880, s21;
	s14 =	sor.u32 s22, s15;
	[tilespmem:s13+$0x0] =	vst v42;
	v42 =	vperm.xlane v38, v41;
	s13 =	sor.u32 s0, s15  }
0xfb: {  	s19 =	sadd.s32 $0x9900, s21;
	s15 =	sor.u32 s22, s17;
	[tilespmem:s14+$0x0] =	vst v43;
	v43 =	vperm.xlane v39, v41;
	s14 =	sor.u32 s0, s17  }
0xfc: {  	s21 =	sadd.s32 $0x9980, s21;
	s17 =	sor.u32 s22, s19;
	v41 =	vperm.xlane v40, v41;
	[tilespmem:s15+$0x0] =	vst v42;
	s15 =	sor.u32 s0, s19  }
0xfd: {  	s19 =	sor.u32 s22, s21;
	[tilespmem:s17+$0x0] =	vst v43;
	s17 =	sor.u32 s0, s21  }
0xfe: {  	[tilespmem:s19+$0x0] =	vst v41  }
0xff: {  	v41 =	vld [tilespmem:s24+$0x0];
	_ =	sdelay $0x4  }
0x100: {  	vm0 =	vgt.s32 v41, $0x0;
	vm1 =	vgt.s32 v41, $0x1;
	vm2 =	vgt.s32 v41, $0x2  }
0x101: {  	v42 =	vsel vm0, $0x1, v20;
	v43 =	vsel vm1, $0x1, v20;
	vm0 =	vgt.s32 v41, $0x3F  }
0x102: {  	vm1 =	vgt.s32 v41, $0x3;
	v42 =	vadd.s32 v43, v42;
	v43 =	vsel vm2, $0x1, v20  }
0x103: {  	v42 =	vadd.s32 v43, v42;
	v43 =	vsel vm1, $0x1, v20;
	vm1 =	vgt.s32 v41, $0x7  }
0x104: {  	v42 =	vadd.s32 v43, v42;
	v43 =	vsel vm1, $0x1, v20;
	vm1 =	vgt.s32 v41, $0xF  }
0x105: {  	v42 =	vadd.s32 v43, v42;
	v43 =	vsel vm1, $0x1, v20;
	vm1 =	vgt.s32 v41, $0x1F  }
0x106: {  	v41 =	vadd.s32 v43, v42;
	v42 =	vsel vm1, $0x1, v20  }
0x107: {  	v41 =	vadd.s32 v42, v41;
	v42 =	vsel vm0, $0x1, v20  }
0x108: {  	v41 =	vadd.s32 v42, v41  }
0x109: {  	v44 =	vperm.xlane v21, v41;
	v42 =	vperm.xlane v25, v41  }
0x10a: {  	s0 =	sor.u32 s0, s23;
	v46 =	vperm.xlane v23, v41;
	v43 =	vperm.xlane v24, v41  }
.Ltmp0:
0x10b: {  	v45 =	vperm.xlane v22, v41;
	[tilespmem:s0+$0x0] =	vst v44;
	v44 =	vperm.xlane v26, v41;
	(pc) =	sbr.rel @p0 .LBB2_3-.Ltmp0, $4  }
0x10c: {  	v47 =	vperm.xlane v28, v41;
	[tilespmem:s0+$0x100] =	vst v46;
	v46 =	vperm.xlane v27, v41  }
0x10d: {  	[tilespmem:s0+$0x280] =	vst v44;
	v44 =	vperm.xlane v29, v41  }
0x10e: {  	[tilespmem:s0+$0x300] =	vst v46  }
0x10f: {  	[tilespmem:s0+$0x380] =	vst v47  }
0x110: {  	[tilespmem:s0+$0x180] =	vst v43  }
0x111: {  	[tilespmem:s0+$0x80] =	vst v45  }
0x112: {  	v55 =	vperm.xlane v30, v41;
	[tilespmem:s0+$0x200] =	vst v42  }
0x113: {  	v56 =	vperm.xlane v31, v41;
	[tilespmem:s1+$0x0] =	vst v44  }
0x114: {  	v57 =	vperm.xlane v32, v41;
	[tilespmem:s2+$0x0] =	vst v55  }
0x115: {  	v58 =	vperm.xlane v33, v41;
	[tilespmem:s4+$0x0] =	vst v56  }
0x116: {  	v59 =	vperm.xlane v34, v41;
	[tilespmem:s7+$0x0] =	vst v57  }
0x117: {  	v60 =	vperm.xlane v35, v41;
	[tilespmem:s8+$0x0] =	vst v58  }
0x118: {  	v61 =	vperm.xlane v36, v41;
	[tilespmem:s9+$0x0] =	vst v59  }
0x119: {  	v62 =	vperm.xlane v37, v41;
	[tilespmem:s10+$0x0] =	vst v60  }
0x11a: {  	v63 =	vperm.xlane v38, v41;
	[tilespmem:s12+$0x0] =	vst v61  }
0x11b: {  	v45 =	vperm.xlane v39, v41;
	[tilespmem:s13+$0x0] =	vst v62  }
0x11c: {  	v46 =	vperm.xlane v40, v41;
	[tilespmem:s14+$0x0] =	vst v63  }
0x11d: {  	s12 =	rddreg [dreg:$0x6];
	[tilespmem:s15+$0x0] =	vst v45  }
0x11e: {  	s0 =	sadd.s32 s6, s12;
	s13 =	simm.s32 $0x1800;
	[tilespmem:s17+$0x0] =	vst v46  }
0x11f: {  	[hbm4b:s0+s26] =	stream.strided.scatter [tilespmem:s13], [sflag:$0x2], $0xC000, s29, s26, $0x38;
	[tilespmem:$0x19800] =	vst v63  }
0x120: {  	_ =	swait.ge [sflag:s16], $0x800  }
0x121: {  	p0 =	seq.s32 s11, $0x7;
	s0 =	rddreg [dreg:$0x7]  }
0x122: {  	s0 =	sadd.s32 @!p0 s6, s0  }
0x123: {  	s1 =	simm.s32 @!p0 $0x0;
	[sflag:s16] =	ssyncset.done $0x0;
	s0 =	sshrl.u32 @!p0 s0, $0x3  }
0x124: {  	s2 =	simm.s32 @!p0 $0x800;
	[sflag:s16] =	ssyncadd.s32 $0xFFFFF800;
	s0 =	sadd.s32 @!p0 s25, s0  }
0x125: {  	[tilespmem:s2], [sflag:$0x1] =	stream.linear.gather @!p0 [hbm4b:s0+s1], $0x80, $0x38;
	[tilespmem:$0x19800] =	vst v63  }
0x126: {  	s3 =	simm.s32 @!p0 $0x900;
	s2 =	sadd.s32 @!p0 $0x10, s0  }
0x127: {  	[tilespmem:s3], [sflag:$0x1] =	stream.linear.gather @!p0 [hbm4b:s2+s1], $0x80, $0x38;
	[tilespmem:$0x19800] =	vst v63  }
0x128: {  	s2 =	sadd.s32 @!p0 $0x20, s0;
	s3 =	simm.s32 @!p0 $0xA00  }
0x129: {  	[tilespmem:s3], [sflag:$0x1] =	stream.linear.gather @!p0 [hbm4b:s2+s1], $0x80, $0x38;
	[tilespmem:$0x19800] =	vst v63  }
0x12a: {  	s2 =	sadd.s32 @!p0 $0x30, s0;
	s3 =	simm.s32 @!p0 $0xB00  }
0x12b: {  	[tilespmem:s3], [sflag:$0x1] =	stream.linear.gather @!p0 [hbm4b:s2+s1], $0x80, $0x38;
	[tilespmem:$0x19800] =	vst v63  }
0x12c: {  	s2 =	sadd.s32 @!p0 $0x40, s0;
	s3 =	simm.s32 @!p0 $0xC00  }
0x12d: {  	[tilespmem:s3], [sflag:$0x1] =	stream.linear.gather @!p0 [hbm4b:s2+s1], $0x80, $0x38;
	[tilespmem:$0x19800] =	vst v63  }
0x12e: {  	s2 =	sadd.s32 @!p0 $0x50, s0;
	s3 =	simm.s32 @!p0 $0xD00  }
0x12f: {  	[tilespmem:s3], [sflag:$0x1] =	stream.linear.gather @!p0 [hbm4b:s2+s1], $0x80, $0x38;
	[tilespmem:$0x19800] =	vst v63  }
0x130: {  	s2 =	sadd.s32 @!p0 $0x60, s0;
	s3 =	simm.s32 @!p0 $0xE00  }
0x131: {  	[tilespmem:s3], [sflag:$0x1] =	stream.linear.gather @!p0 [hbm4b:s2+s1], $0x80, $0x38;
	[tilespmem:$0x19800] =	vst v63  }
0x132: {  	s2 =	sadd.s32 @!p0 $0x70, s0;
	s3 =	simm.s32 @!p0 $0xF00  }
0x133: {  	[tilespmem:s3], [sflag:$0x1] =	stream.linear.gather @!p0 [hbm4b:s2+s1], $0x80, $0x38;
	[tilespmem:$0x19800] =	vst v63  }
0x134: {  	s2 =	sadd.s32 @!p0 $0x80, s0;
	s3 =	simm.s32 @!p0 $0x1000  }
0x135: {  	[tilespmem:s3], [sflag:$0x1] =	stream.linear.gather @!p0 [hbm4b:s2+s1], $0x80, $0x38;
	[tilespmem:$0x19800] =	vst v63  }
0x136: {  	s2 =	sadd.s32 @!p0 $0x90, s0;
	s3 =	simm.s32 @!p0 $0x1100  }
0x137: {  	[tilespmem:s3], [sflag:$0x1] =	stream.linear.gather @!p0 [hbm4b:s2+s1], $0x80, $0x38;
	[tilespmem:$0x19800] =	vst v63  }
0x138: {  	s2 =	sadd.s32 @!p0 $0xA0, s0;
	s3 =	simm.s32 @!p0 $0x1200  }
0x139: {  	[tilespmem:s3], [sflag:$0x1] =	stream.linear.gather @!p0 [hbm4b:s2+s1], $0x80, $0x38;
	[tilespmem:$0x19800] =	vst v63  }
0x13a: {  	s2 =	sadd.s32 @!p0 $0xB0, s0;
	s3 =	simm.s32 @!p0 $0x1300  }
0x13b: {  	[tilespmem:s3], [sflag:$0x1] =	stream.linear.gather @!p0 [hbm4b:s2+s1], $0x80, $0x38;
	[tilespmem:$0x19800] =	vst v63  }
0x13c: {  	s2 =	sadd.s32 @!p0 $0xC0, s0;
	s3 =	simm.s32 @!p0 $0x1400  }
0x13d: {  	[tilespmem:s3], [sflag:$0x1] =	stream.linear.gather @!p0 [hbm4b:s2+s1], $0x80, $0x38;
	[tilespmem:$0x19800] =	vst v63  }
0x13e: {  	s2 =	sadd.s32 @!p0 $0xD0, s0;
	s3 =	simm.s32 @!p0 $0x1500  }
0x13f: {  	[tilespmem:s3], [sflag:$0x1] =	stream.linear.gather @!p0 [hbm4b:s2+s1], $0x80, $0x38;
	[tilespmem:$0x19800] =	vst v63  }
0x140: {  	s2 =	sadd.s32 @!p0 $0xE0, s0;
	s3 =	simm.s32 @!p0 $0x1600  }
0x141: {  	[tilespmem:s3], [sflag:$0x1] =	stream.linear.gather @!p0 [hbm4b:s2+s1], $0x80, $0x38;
	[tilespmem:$0x19800] =	vst v63  }
0x142: {  	p1 =	seq.s32 @!p0 s11, $0x0;
	s0 =	sadd.s32 @!p0 $0xF0, s0;
	s2 =	simm.s32 @!p0 $0x1700  }
0x143: {  	[tilespmem:s2], [sflag:$0x1] =	stream.linear.gather @!p0 [hbm4b:s0+s1], $0x80, $0x38;
	[tilespmem:$0x19800] =	vst v63  }
0x144: {  	s14 =	simm.s32 $0x0;
	p0 =	por p0, !p1  }
0x145: {  	s12 =	sand.u32 $0x3C00, s14;
	s0 =	simm.s32 @p0 $0x2  }
0x146: {  	s15 =	sshrl.u32 s12, $0x2;
	_ =	swait.ge @p0 [sflag:s0], $0xC000  }
0x147: {  	s6 =	sand.u32 $0x60, s14;
	s3 =	sadd.s32 $0x800, s15;
	[sflag:s0] =	ssyncset.done @p0 $0x0  }
0x148: {  	[sflag:s0] =	ssyncadd.s32 @p0 $0xFFFF4000;
	s0 =	sor.u32 s6, s3  }
0x149: {  	v47 =	vld [tilespmem:s0+$0x80];
	_ =	sdelay $0x4  }
0x14a: {  	vm0 =	vgt.s32 v47, $0x0;
	vm1 =	vgt.s32 v47, $0x1  }
0x14b: {  	vm2 =	vgt.s32 v47, $0x2;
	v48 =	vsel vm0, $0x1, v20;
	v49 =	vsel vm1, $0x1, v20  }
0x14c: {  	vm15 =	vgt.s32 v47, $0x3;
	v50 =	vsel vm2, $0x1, v20;
	v42 =	vadd.s32 v49, v48  }
0x14d: {  	vm4 =	vgt.s32 v47, $0x7;
	v51 =	vsel vm15, $0x1, v20;
	v42 =	vadd.s32 v50, v42  }
0x14e: {  	vm5 =	vgt.s32 v47, $0xF;
	v52 =	vsel vm4, $0x1, v20;
	v42 =	vadd.s32 v51, v42  }
0x14f: {  	vm6 =	vgt.s32 v47, $0x1F;
	v53 =	vsel vm5, $0x1, v20;
	v42 =	vadd.s32 v52, v42  }
0x150: {  	vm7 =	vgt.s32 v47, $0x3F;
	v55 =	vsel vm6, $0x1, v20;
	v54 =	vadd.s32 v53, v42  }
0x151: {  	v56 =	vsel vm7, $0x1, v20;
	v41 =	vadd.s32 v55, v54  }
0x152: {  	v41 =	vadd.s32 v56, v41  }
0x153: {  	s2 =	sadd.s32 $0xD800, s12;
	v42 =	vperm.xlane v21, v41  }
0x154: {  	s17 =	sor.u32 s6, s2;
	s0 =	sadd.s32 $0xD880, s12;
	v57 =	vperm.xlane v22, v41  }
0x155: {  	s1 =	sadd.s32 $0xD900, s12;
	s18 =	sor.u32 s6, s0;
	v58 =	vperm.xlane v23, v41;
	[tilespmem:s17+$0x0] =	vst v42  }
0x156: {  	s4 =	sadd.s32 $0xD980, s12;
	s19 =	sor.u32 s6, s1;
	v59 =	vperm.xlane v24, v41;
	[tilespmem:s18+$0x0] =	vst v57  }
0x157: {  	s7 =	sadd.s32 $0xDA00, s12;
	s20 =	sor.u32 s6, s4;
	v60 =	vperm.xlane v25, v41;
	[tilespmem:s19+$0x0] =	vst v58  }
0x158: {  	s8 =	sadd.s32 $0xDA80, s12;
	s21 =	sor.u32 s6, s7;
	v61 =	vperm.xlane v26, v41;
	[tilespmem:s20+$0x0] =	vst v59  }
0x159: {  	s9 =	sadd.s32 $0xDB00, s12;
	s22 =	sor.u32 s6, s8;
	v62 =	vperm.xlane v27, v41;
	[tilespmem:s21+$0x0] =	vst v60  }
0x15a: {  	s10 =	sadd.s32 $0xDB80, s12;
	s23 =	sor.u32 s6, s9;
	v63 =	vperm.xlane v28, v41;
	[tilespmem:s22+$0x0] =	vst v61  }
0x15b: {  	s13 =	sadd.s32 $0x11800, s12;
	s24 =	sor.u32 s6, s10;
	v45 =	vperm.xlane v29, v41;
	[tilespmem:s23+$0x0] =	vst v62  }
0x15c: {  	s16 =	smov.u32 s25;
	s14 =	sadd.s32 $0x11880, s12;
	s25 =	sor.u32 s6, s13;
	v46 =	vperm.xlane v30, v41;
	[tilespmem:s24+$0x0] =	vst v63  }
0x15d: {  	s15 =	sadd.s32 $0x11900, s12;
	v47 =	vperm.xlane v31, v41;
	s18 =	sor.u32 s6, s14;
	[tilespmem:s25+$0x0] =	vst v45  }
0x15e: {  	s26 =	sor.u32 s6, s15;
	v48 =	vperm.xlane v32, v41;
	s17 =	sadd.s32 $0x11980, s12;
	[tilespmem:s18+$0x0] =	vst v46  }
0x15f: {  	v49 =	vperm.xlane v33, v41;
	s31 =	sor.u32 s6, s17;
	s19 =	sadd.s32 $0x11A00, s12;
	[tilespmem:s26+$0x0] =	vst v47  }
0x160: {  	v50 =	vperm.xlane v34, v41;
	s20 =	sor.u32 s6, s19;
	s21 =	sadd.s32 $0x11A80, s12;
	[tilespmem:s31+$0x0] =	vst v48  }
0x161: {  	v51 =	vperm.xlane v35, v41;
	s22 =	sor.u32 s6, s21;
	s23 =	sadd.s32 $0x11B00, s12;
	[tilespmem:s20+$0x0] =	vst v49  }
0x162: {  	v52 =	vperm.xlane v36, v41;
	s24 =	sor.u32 s6, s23;
	s26 =	sadd.s32 $0x11B80, s12;
	[tilespmem:s22+$0x0] =	vst v50  }
0x163: {  	v53 =	vperm.xlane v37, v41;
	s20 =	sadd.s32 $0x15800, s12;
	s22 =	sor.u32 s6, s26;
	[tilespmem:s24+$0x0] =	vst v51  }
0x164: {  	v54 =	vperm.xlane v38, v41;
	s18 =	sadd.s32 $0x15880, s12;
	s25 =	sor.u32 s6, s20;
	[tilespmem:s22+$0x0] =	vst v52  }
0x165: {  	s30 =	sadd.s32 $0x15900, s12;
	v55 =	vperm.xlane v39, v41;
	s31 =	sor.u32 s6, s18;
	[tilespmem:s25+$0x0] =	vst v53  }
0x166: {  	v41 =	vperm.xlane v40, v41;
	s12 =	sadd.s32 $0x15980, s12;
	s24 =	sor.u32 s6, s30;
	[tilespmem:s31+$0x0] =	vst v54  }
0x167: {  	s25 =	sor.u32 s6, s12;
	s6 =	sor.u32 $0x10, s6;
	[tilespmem:s24+$0x0] =	vst v55  }
0x168: {  	s3 =	sor.u32 s6, s3;
	[tilespmem:s25+$0x0] =	vst v41  }
0x169: {  	v41 =	vld [tilespmem:s3+$0x80];
	_ =	sdelay $0x4  }
0x16a: {  	vm8 =	vgt.s32 v41, $0x0;
	vm9 =	vgt.s32 v41, $0x1  }
0x16b: {  	vm10 =	vgt.s32 v41, $0x2;
	v56 =	vsel vm8, $0x1, v20;
	v57 =	vsel vm9, $0x1, v20  }
0x16c: {  	vm11 =	vgt.s32 v41, $0x3;
	v58 =	vsel vm10, $0x1, v20;
	v42 =	vadd.s32 v57, v56  }
0x16d: {  	vm12 =	vgt.s32 v41, $0x7;
	v59 =	vsel vm11, $0x1, v20;
	v42 =	vadd.s32 v58, v42  }
0x16e: {  	vm13 =	vgt.s32 v41, $0xF;
	v60 =	vsel vm12, $0x1, v20;
	v42 =	vadd.s32 v59, v42  }
0x16f: {  	vm14 =	vgt.s32 v41, $0x1F;
	v61 =	vsel vm13, $0x1, v20;
	v42 =	vadd.s32 v60, v42  }
0x170: {  	vm15 =	vgt.s32 v41, $0x3F;
	v63 =	vsel vm14, $0x1, v20;
	v62 =	vadd.s32 v61, v42  }
0x171: {  	v45 =	vsel vm15, $0x1, v20;
	v41 =	vadd.s32 v63, v62  }
0x172: {  	v41 =	vadd.s32 v45, v41  }
0x173: {  	v42 =	vperm.xlane v21, v41  }
0x174: {  	s2 =	sor.u32 s6, s2;
	v46 =	vperm.xlane v22, v41  }
0x175: {  	s0 =	sor.u32 s6, s0;
	v47 =	vperm.xlane v23, v41;
	[tilespmem:s2+$0x0] =	vst v42  }
0x176: {  	s31 =	sor.u32 s6, s1;
	v48 =	vperm.xlane v24, v41;
	[tilespmem:s0+$0x0] =	vst v46  }
0x177: {  	s1 =	sor.u32 s6, s4;
	v49 =	vperm.xlane v25, v41;
	[tilespmem:s31+$0x0] =	vst v47  }
0x178: {  	v50 =	vperm.xlane v26, v41;
	s2 =	sor.u32 s6, s7;
	[tilespmem:s1+$0x0] =	vst v48  }
0x179: {  	s3 =	sor.u32 s6, s8;
	v51 =	vperm.xlane v27, v41;
	[tilespmem:s2+$0x0] =	vst v49  }
0x17a: {  	s4 =	sor.u32 s6, s9;
	v52 =	vperm.xlane v28, v41;
	[tilespmem:s3+$0x0] =	vst v50  }
0x17b: {  	v53 =	vperm.xlane v29, v41;
	s7 =	sor.u32 s6, s10;
	[tilespmem:s4+$0x0] =	vst v51  }
0x17c: {  	s8 =	sor.u32 s6, s13;
	v54 =	vperm.xlane v30, v41;
	[tilespmem:s7+$0x0] =	vst v52  }
0x17d: {  	s9 =	sor.u32 s6, s14;
	v55 =	vperm.xlane v31, v41;
	[tilespmem:s8+$0x0] =	vst v53  }
0x17e: {  	v56 =	vperm.xlane v32, v41;
	s10 =	sor.u32 s6, s15;
	[tilespmem:s9+$0x0] =	vst v54  }
0x17f: {  	s13 =	sor.u32 s6, s17;
	v57 =	vperm.xlane v33, v41;
	[tilespmem:s10+$0x0] =	vst v55  }
0x180: {  	s14 =	sor.u32 s6, s19;
	v58 =	vperm.xlane v34, v41;
	[tilespmem:s13+$0x0] =	vst v56  }
0x181: {  	v59 =	vperm.xlane v35, v41;
	s15 =	sor.u32 s6, s21;
	[tilespmem:s14+$0x0] =	vst v57  }
0x182: {  	s22 =	simm.s32 $0x2;
	s17 =	sor.u32 s6, s23;
	v60 =	vperm.xlane v36, v41;
	[tilespmem:s15+$0x0] =	vst v58  }
0x183: {  	s19 =	sor.u32 s6, s26;
	s26 =	simm.s32 $0x20;
	s24 =	simm.s32 $0x100;
	v61 =	vperm.xlane v37, v41;
	[tilespmem:s17+$0x0] =	vst v59  }
0x184: {  	s29 =	sand.u32 $0x60, s26;
	s25 =	sor.u32 s6, s30;
	v62 =	vperm.xlane v38, v41;
	s21 =	sor.u32 s6, s20;
	[tilespmem:s19+$0x0] =	vst v60  }
0x185: {  	s23 =	sor.u32 s6, s18;
	v63 =	vperm.xlane v39, v41;
	s0 =	sor.u32 s6, s12;
	s1 =	sand.u32 $0x3C00, s24;
	[tilespmem:s21+$0x0] =	vst v61  }
0x186: {  	v41 =	vperm.xlane v40, v41;
	s31 =	sshrl.u32 s1, $0x2;
	s20 =	sadd.s32 $0xD800, s1;
	s6 =	sadd.s32 $0xD880, s1;
	[tilespmem:s23+$0x0] =	vst v62  }
0x187: {  	s18 =	sadd.s32 $0xD900, s1;
	s30 =	sadd.s32 $0x800, s31;
	s3 =	sadd.s32 $0xD980, s1;
	[tilespmem:s25+$0x0] =	vst v63  }
.LBB2_5:
0x188: {  	s2 =	sor.u32 s29, s30;
	s17 =	sadd.s32 $0xDA00, s1;
	s8 =	sadd.s32 $0xDA80, s1;
	[tilespmem:s0+$0x0] =	vst v41  }
0x189: {  	s9 =	sadd.s32 $0xDB00, s1;
	s7 =	sadd.s32 $0xDB80, s1;
	s0 =	sadd.s32 $0x11800, s1;
	v41 =	vld [tilespmem:s2+$0x80]  }
0x18a: {  	s23 =	sadd.s32 $0x11880, s1;
	s21 =	sadd.s32 $0x11900, s1;
	s15 =	sadd.s32 $0x11980, s1  }
0x18b: {  	s13 =	sadd.s32 $0x11A00, s1;
	s10 =	sadd.s32 $0x11A80, s1;
	s14 =	sadd.s32 $0x11B00, s1  }
0x18c: {  	s12 =	sadd.s32 $0x11B80, s1;
	s4 =	sadd.s32 $0x15800, s1;
	s31 =	sadd.s32 $0x15880, s1  }
0x18d: {  	s22 =	sadd.s32 $0x2, s22;
	s2 =	sadd.s32 $0x15900, s1;
	s1 =	sadd.s32 $0x15980, s1  }
0x18e: {  	p0 =	slt.u32 s22, $0x7E;
	vm0 =	vgt.s32 v41, $0x0;
	vm1 =	vgt.s32 v41, $0x1;
	vm2 =	vgt.s32 v41, $0x2  }
0x18f: {  	v42 =	vsel vm0, $0x1, v20;
	v43 =	vsel vm1, $0x1, v20;
	vm0 =	vgt.s32 v41, $0x3  }
0x190: {  	vm1 =	vgt.s32 v41, $0x7;
	v42 =	vadd.s32 v43, v42;
	v43 =	vsel vm2, $0x1, v20  }
0x191: {  	v42 =	vadd.s32 v43, v42;
	v43 =	vsel vm0, $0x1, v20;
	vm0 =	vgt.s32 v41, $0xF  }
0x192: {  	v42 =	vadd.s32 v43, v42;
	v43 =	vsel vm1, $0x1, v20;
	vm1 =	vgt.s32 v41, $0x1F  }
0x193: {  	v42 =	vadd.s32 v43, v42;
	v43 =	vsel vm0, $0x1, v20;
	vm0 =	vgt.s32 v41, $0x3F  }
0x194: {  	v41 =	vadd.s32 v43, v42;
	v42 =	vsel vm1, $0x1, v20  }
0x195: {  	v41 =	vadd.s32 v42, v41;
	v42 =	vsel vm0, $0x1, v20  }
0x196: {  	v41 =	vadd.s32 v42, v41  }
0x197: {  	v42 =	vperm.xlane v21, v41  }
0x198: {  	s19 =	sor.u32 s29, s20;
	v43 =	vperm.xlane v22, v41  }
0x199: {  	[tilespmem:s19+$0x0] =	vst v42;
	s19 =	sor.u32 s29, s6;
	v42 =	vperm.xlane v23, v41  }
0x19a: {  	[tilespmem:s19+$0x0] =	vst v43;
	s19 =	sor.u32 s29, s18;
	v43 =	vperm.xlane v24, v41  }
0x19b: {  	[tilespmem:s19+$0x0] =	vst v42;
	s19 =	sor.u32 s29, s3;
	v42 =	vperm.xlane v25, v41  }
0x19c: {  	[tilespmem:s19+$0x0] =	vst v43;
	s19 =	sor.u32 s29, s17;
	v43 =	vperm.xlane v26, v41  }
0x19d: {  	[tilespmem:s19+$0x0] =	vst v42;
	s19 =	sor.u32 s29, s8;
	v42 =	vperm.xlane v27, v41  }
0x19e: {  	[tilespmem:s19+$0x0] =	vst v43;
	s19 =	sor.u32 s29, s9;
	v43 =	vperm.xlane v28, v41  }
0x19f: {  	[tilespmem:s19+$0x0] =	vst v42;
	s19 =	sor.u32 s29, s7;
	v42 =	vperm.xlane v29, v41  }
0x1a0: {  	[tilespmem:s19+$0x0] =	vst v43;
	s19 =	sor.u32 s29, s0;
	v43 =	vperm.xlane v30, v41  }
0x1a1: {  	[tilespmem:s19+$0x0] =	vst v42;
	s19 =	sor.u32 s29, s23;
	v42 =	vperm.xlane v31, v41  }
0x1a2: {  	[tilespmem:s19+$0x0] =	vst v43;
	s19 =	sor.u32 s29, s21;
	v43 =	vperm.xlane v32, v41  }
0x1a3: {  	[tilespmem:s19+$0x0] =	vst v42;
	s19 =	sor.u32 s29, s15;
	v42 =	vperm.xlane v33, v41  }
0x1a4: {  	[tilespmem:s19+$0x0] =	vst v43;
	s19 =	sor.u32 s29, s13;
	v43 =	vperm.xlane v34, v41  }
0x1a5: {  	[tilespmem:s19+$0x0] =	vst v42;
	s19 =	sor.u32 s29, s10;
	v42 =	vperm.xlane v35, v41  }
0x1a6: {  	[tilespmem:s19+$0x0] =	vst v43;
	s19 =	sor.u32 s29, s14;
	v43 =	vperm.xlane v36, v41  }
0x1a7: {  	[tilespmem:s19+$0x0] =	vst v42;
	s19 =	sor.u32 s29, s12;
	v42 =	vperm.xlane v37, v41  }
0x1a8: {  	[tilespmem:s19+$0x0] =	vst v43;
	s19 =	sor.u32 s29, s4;
	v43 =	vperm.xlane v38, v41  }
0x1a9: {  	[tilespmem:s19+$0x0] =	vst v42;
	s19 =	sor.u32 s29, s31;
	v42 =	vperm.xlane v39, v41  }
0x1aa: {  	v41 =	vperm.xlane v40, v41;
	[tilespmem:s19+$0x0] =	vst v43;
	s19 =	sor.u32 s29, s2  }
0x1ab: {  	s25 =	sor.u32 s29, s1;
	[tilespmem:s19+$0x0] =	vst v42;
	s19 =	sor.u32 $0x10, s29  }
0x1ac: {  	[tilespmem:s25+$0x0] =	vst v41;
	s25 =	sor.u32 s19, s30  }
0x1ad: {  	v41 =	vld [tilespmem:s25+$0x80];
	_ =	sdelay $0x4  }
0x1ae: {  	vm0 =	vgt.s32 v41, $0x0;
	vm1 =	vgt.s32 v41, $0x1;
	vm2 =	vgt.s32 v41, $0x2  }
0x1af: {  	v42 =	vsel vm0, $0x1, v20;
	v43 =	vsel vm1, $0x1, v20;
	vm0 =	vgt.s32 v41, $0x3  }
0x1b0: {  	vm1 =	vgt.s32 v41, $0x7;
	v42 =	vadd.s32 v43, v42;
	v43 =	vsel vm2, $0x1, v20  }
0x1b1: {  	v42 =	vadd.s32 v43, v42;
	v43 =	vsel vm0, $0x1, v20;
	vm0 =	vgt.s32 v41, $0xF  }
0x1b2: {  	v42 =	vadd.s32 v43, v42;
	v43 =	vsel vm1, $0x1, v20;
	vm1 =	vgt.s32 v41, $0x1F  }
0x1b3: {  	v42 =	vadd.s32 v43, v42;
	v43 =	vsel vm0, $0x1, v20;
	vm0 =	vgt.s32 v41, $0x3F  }
0x1b4: {  	v41 =	vadd.s32 v43, v42;
	v42 =	vsel vm1, $0x1, v20  }
0x1b5: {  	v41 =	vadd.s32 v42, v41;
	v42 =	vsel vm0, $0x1, v20  }
0x1b6: {  	v41 =	vadd.s32 v42, v41  }
0x1b7: {  	v42 =	vperm.xlane v21, v41  }
0x1b8: {  	s20 =	sor.u32 s19, s20;
	v43 =	vperm.xlane v22, v41  }
0x1b9: {  	s6 =	sor.u32 s19, s6;
	[tilespmem:s20+$0x0] =	vst v42;
	v42 =	vperm.xlane v23, v41  }
0x1ba: {  	[tilespmem:s6+$0x0] =	vst v43;
	s6 =	sor.u32 s19, s18;
	v43 =	vperm.xlane v24, v41  }
0x1bb: {  	s3 =	sor.u32 s19, s3;
	[tilespmem:s6+$0x0] =	vst v42;
	v42 =	vperm.xlane v25, v41  }
0x1bc: {  	[tilespmem:s3+$0x0] =	vst v43;
	s3 =	sor.u32 s19, s17;
	v43 =	vperm.xlane v26, v41  }
0x1bd: {  	[tilespmem:s3+$0x0] =	vst v42;
	s3 =	sor.u32 s19, s8;
	v42 =	vperm.xlane v27, v41  }
0x1be: {  	[tilespmem:s3+$0x0] =	vst v43;
	s3 =	sor.u32 s19, s9;
	v43 =	vperm.xlane v28, v41  }
0x1bf: {  	[tilespmem:s3+$0x0] =	vst v42;
	s3 =	sor.u32 s19, s7;
	v42 =	vperm.xlane v29, v41  }
0x1c0: {  	s0 =	sor.u32 s19, s0;
	[tilespmem:s3+$0x0] =	vst v43;
	v43 =	vperm.xlane v30, v41  }
0x1c1: {  	[tilespmem:s0+$0x0] =	vst v42;
	s0 =	sor.u32 s19, s23;
	v42 =	vperm.xlane v31, v41  }
0x1c2: {  	[tilespmem:s0+$0x0] =	vst v43;
	s0 =	sor.u32 s19, s21;
	v43 =	vperm.xlane v32, v41  }
0x1c3: {  	[tilespmem:s0+$0x0] =	vst v42;
	s0 =	sor.u32 s19, s15;
	v42 =	vperm.xlane v33, v41  }
0x1c4: {  	[tilespmem:s0+$0x0] =	vst v43;
	s0 =	sor.u32 s19, s13;
	v43 =	vperm.xlane v34, v41  }
0x1c5: {  	[tilespmem:s0+$0x0] =	vst v42;
	s0 =	sor.u32 s19, s10;
	v42 =	vperm.xlane v35, v41  }
0x1c6: {  	s24 =	sadd.s32 $0x100, s24;
	[tilespmem:s0+$0x0] =	vst v43;
	s0 =	sor.u32 s19, s14;
	v43 =	vperm.xlane v36, v41  }
.Ltmp1:
0x1c7: {  	s26 =	sadd.s32 $0x20, s26;
	[tilespmem:s0+$0x0] =	vst v42;
	s0 =	sor.u32 s19, s12;
	v42 =	vperm.xlane v37, v41;
	(pc) =	sbr.rel @p0 .LBB2_5-.Ltmp1, $4  }
0x1c8: {  	s29 =	sand.u32 $0x60, s26;
	s3 =	sor.u32 s19, s4;
	[tilespmem:s0+$0x0] =	vst v43;
	v43 =	vperm.xlane v38, v41;
	s0 =	sor.u32 s19, s1  }
0x1c9: {  	s2 =	sor.u32 s19, s2;
	s1 =	sand.u32 $0x3C00, s24;
	[tilespmem:s3+$0x0] =	vst v42;
	s3 =	sor.u32 s19, s31;
	v42 =	vperm.xlane v39, v41  }
0x1ca: {  	s4 =	sshrl.u32 s1, $0x2;
	s20 =	sadd.s32 $0xD800, s1;
	s6 =	sadd.s32 $0xD880, s1;
	v41 =	vperm.xlane v40, v41;
	[tilespmem:s3+$0x0] =	vst v43  }
0x1cb: {  	s18 =	sadd.s32 $0xD900, s1;
	s30 =	sadd.s32 $0x800, s4;
	s3 =	sadd.s32 $0xD980, s1;
	[tilespmem:s2+$0x0] =	vst v42  }
0x1cc: {  	s2 =	sor.u32 s29, s30;
	[tilespmem:s0+$0x0] =	vst v41  }
0x1cd: {  	v41 =	vld [tilespmem:s2+$0x80];
	_ =	sdelay $0x4  }
0x1ce: {  	vm0 =	vgt.s32 v41, $0x0;
	vm1 =	vgt.s32 v41, $0x1  }
0x1cf: {  	vm2 =	vgt.s32 v41, $0x2;
	v42 =	vsel vm0, $0x1, v20;
	v43 =	vsel vm1, $0x1, v20  }
0x1d0: {  	vm15 =	vgt.s32 v41, $0x3;
	v50 =	vsel vm2, $0x1, v20;
	v42 =	vadd.s32 v43, v42  }
0x1d1: {  	vm4 =	vgt.s32 v41, $0x7;
	v51 =	vsel vm15, $0x1, v20;
	v42 =	vadd.s32 v50, v42  }
0x1d2: {  	vm5 =	vgt.s32 v41, $0xF;
	v52 =	vsel vm4, $0x1, v20;
	v42 =	vadd.s32 v51, v42  }
0x1d3: {  	vm6 =	vgt.s32 v41, $0x1F;
	v53 =	vsel vm5, $0x1, v20;
	v42 =	vadd.s32 v52, v42  }
0x1d4: {  	vm7 =	vgt.s32 v41, $0x3F;
	v55 =	vsel vm6, $0x1, v20;
	v54 =	vadd.s32 v53, v42  }
0x1d5: {  	v56 =	vsel vm7, $0x1, v20;
	v41 =	vadd.s32 v55, v54  }
0x1d6: {  	v41 =	vadd.s32 v56, v41  }
0x1d7: {  	v42 =	vperm.xlane v21, v41  }
0x1d8: {  	s22 =	sor.u32 s29, s20;
	v57 =	vperm.xlane v22, v41  }
0x1d9: {  	s23 =	sor.u32 s29, s6;
	v58 =	vperm.xlane v23, v41;
	[tilespmem:s22+$0x0] =	vst v42  }
0x1da: {  	s24 =	sor.u32 s29, s18;
	v59 =	vperm.xlane v24, v41;
	[tilespmem:s23+$0x0] =	vst v57  }
0x1db: {  	s0 =	sadd.s32 $0xDA00, s1;
	s4 =	sor.u32 s29, s3;
	v60 =	vperm.xlane v25, v41;
	[tilespmem:s24+$0x0] =	vst v58  }
0x1dc: {  	s2 =	sadd.s32 $0xDA80, s1;
	s7 =	sor.u32 s29, s0;
	v61 =	vperm.xlane v26, v41;
	[tilespmem:s4+$0x0] =	vst v59  }
0x1dd: {  	s8 =	sor.u32 s29, s2;
	v62 =	vperm.xlane v27, v41;
	s4 =	sadd.s32 $0xDB00, s1;
	[tilespmem:s7+$0x0] =	vst v60  }
0x1de: {  	v63 =	vperm.xlane v28, v41;
	s7 =	sadd.s32 $0xDB80, s1;
	s9 =	sor.u32 s29, s4;
	[tilespmem:s8+$0x0] =	vst v61  }
0x1df: {  	v45 =	vperm.xlane v29, v41;
	s8 =	sadd.s32 $0x11800, s1;
	s10 =	sor.u32 s29, s7;
	[tilespmem:s9+$0x0] =	vst v62  }
0x1e0: {  	v46 =	vperm.xlane v30, v41;
	s9 =	sadd.s32 $0x11880, s1;
	s12 =	sor.u32 s29, s8;
	[tilespmem:s10+$0x0] =	vst v63  }
0x1e1: {  	v47 =	vperm.xlane v31, v41;
	s10 =	sadd.s32 $0x11900, s1;
	s13 =	sor.u32 s29, s9;
	[tilespmem:s12+$0x0] =	vst v45  }
0x1e2: {  	v48 =	vperm.xlane v32, v41;
	s12 =	sadd.s32 $0x11980, s1;
	s14 =	sor.u32 s29, s10;
	[tilespmem:s13+$0x0] =	vst v46  }
0x1e3: {  	v49 =	vperm.xlane v33, v41;
	s13 =	sadd.s32 $0x11A00, s1;
	s15 =	sor.u32 s29, s12;
	[tilespmem:s14+$0x0] =	vst v47  }
0x1e4: {  	v50 =	vperm.xlane v34, v41;
	s14 =	sadd.s32 $0x11A80, s1;
	s17 =	sor.u32 s29, s13;
	[tilespmem:s15+$0x0] =	vst v48  }
0x1e5: {  	v51 =	vperm.xlane v35, v41;
	s15 =	sadd.s32 $0x11B00, s1;
	s19 =	sor.u32 s29, s14;
	[tilespmem:s17+$0x0] =	vst v49  }
0x1e6: {  	v52 =	vperm.xlane v36, v41;
	s17 =	sadd.s32 $0x11B80, s1;
	s21 =	sor.u32 s29, s15;
	[tilespmem:s19+$0x0] =	vst v50  }
0x1e7: {  	v53 =	vperm.xlane v37, v41;
	s19 =	sadd.s32 $0x15800, s1;
	s22 =	sor.u32 s29, s17;
	[tilespmem:s21+$0x0] =	vst v51  }
0x1e8: {  	v54 =	vperm.xlane v38, v41;
	s21 =	sadd.s32 $0x15880, s1;
	s23 =	sor.u32 s29, s19;
	[tilespmem:s22+$0x0] =	vst v52  }
0x1e9: {  	v55 =	vperm.xlane v39, v41;
	s22 =	sadd.s32 $0x15900, s1;
	s25 =	sor.u32 s29, s21;
	[tilespmem:s23+$0x0] =	vst v53  }
0x1ea: {  	v41 =	vperm.xlane v40, v41;
	s1 =	sadd.s32 $0x15980, s1;
	s26 =	sor.u32 s29, s22;
	[tilespmem:s25+$0x0] =	vst v54  }
0x1eb: {  	s24 =	sor.u32 s29, s1;
	s23 =	sor.u32 $0x10, s29;
	[tilespmem:s26+$0x0] =	vst v55  }
0x1ec: {  	s31 =	sor.u32 s23, s30;
	[tilespmem:s24+$0x0] =	vst v41  }
0x1ed: {  	v41 =	vld [tilespmem:s31+$0x80];
	_ =	sdelay $0x4  }
0x1ee: {  	vm8 =	vgt.s32 v41, $0x0;
	vm9 =	vgt.s32 v41, $0x1  }
0x1ef: {  	vm10 =	vgt.s32 v41, $0x2;
	v56 =	vsel vm8, $0x1, v20;
	v57 =	vsel vm9, $0x1, v20  }
0x1f0: {  	vm11 =	vgt.s32 v41, $0x3;
	v58 =	vsel vm10, $0x1, v20;
	v42 =	vadd.s32 v57, v56  }
0x1f1: {  	vm12 =	vgt.s32 v41, $0x7;
	v59 =	vsel vm11, $0x1, v20;
	v42 =	vadd.s32 v58, v42  }
0x1f2: {  	vm13 =	vgt.s32 v41, $0xF;
	v60 =	vsel vm12, $0x1, v20;
	v42 =	vadd.s32 v59, v42  }
0x1f3: {  	vm14 =	vgt.s32 v41, $0x1F;
	v61 =	vsel vm13, $0x1, v20;
	v42 =	vadd.s32 v60, v42  }
0x1f4: {  	vm15 =	vgt.s32 v41, $0x3F;
	v63 =	vsel vm14, $0x1, v20;
	v62 =	vadd.s32 v61, v42  }
0x1f5: {  	v45 =	vsel vm15, $0x1, v20;
	v41 =	vadd.s32 v63, v62  }
0x1f6: {  	v41 =	vadd.s32 v45, v41  }
0x1f7: {  	v42 =	vperm.xlane v21, v41  }
0x1f8: {  	s25 =	sor.u32 s23, s20;
	v46 =	vperm.xlane v22, v41  }
0x1f9: {  	s26 =	sor.u32 s23, s6;
	v47 =	vperm.xlane v23, v41;
	[tilespmem:s25+$0x0] =	vst v42  }
0x1fa: {  	s30 =	sor.u32 s23, s18;
	v48 =	vperm.xlane v24, v41;
	[tilespmem:s26+$0x0] =	vst v46  }
0x1fb: {  	s31 =	sor.u32 s23, s3;
	v49 =	vperm.xlane v25, v41;
	[tilespmem:s30+$0x0] =	vst v47  }
0x1fc: {  	s0 =	sor.u32 s23, s0;
	v50 =	vperm.xlane v26, v41;
	[tilespmem:s31+$0x0] =	vst v48  }
0x1fd: {  	s3 =	sor.u32 s23, s2;
	v51 =	vperm.xlane v27, v41;
	[tilespmem:s0+$0x0] =	vst v49  }
0x1fe: {  	s6 =	sor.u32 s23, s4;
	v52 =	vperm.xlane v28, v41;
	[tilespmem:s3+$0x0] =	vst v50  }
0x1ff: {  	s7 =	sor.u32 s23, s7;
	v53 =	vperm.xlane v29, v41;
	[tilespmem:s6+$0x0] =	vst v51  }
0x200: {  	s8 =	sor.u32 s23, s8;
	v54 =	vperm.xlane v30, v41;
	[tilespmem:s7+$0x0] =	vst v52  }
0x201: {  	s9 =	sor.u32 s23, s9;
	v55 =	vperm.xlane v31, v41;
	[tilespmem:s8+$0x0] =	vst v53  }
0x202: {  	s10 =	sor.u32 s23, s10;
	v56 =	vperm.xlane v32, v41;
	[tilespmem:s9+$0x0] =	vst v54  }
0x203: {  	s12 =	sor.u32 s23, s12;
	v57 =	vperm.xlane v33, v41;
	[tilespmem:s10+$0x0] =	vst v55  }
0x204: {  	s13 =	sor.u32 s23, s13;
	v58 =	vperm.xlane v34, v41;
	[tilespmem:s12+$0x0] =	vst v56  }
0x205: {  	s14 =	sor.u32 s23, s14;
	v59 =	vperm.xlane v35, v41;
	[tilespmem:s13+$0x0] =	vst v57  }
0x206: {  	s18 =	sor.u32 s23, s15;
	v60 =	vperm.xlane v36, v41;
	[tilespmem:s14+$0x0] =	vst v58  }
0x207: {  	s11 =	sadd.s32 $0x1, s11;
	s20 =	sor.u32 s23, s17;
	v61 =	vperm.xlane v37, v41;
	[tilespmem:s18+$0x0] =	vst v59  }
0x208: {  	p0 =	sne.s32 s11, $0x8;
	s24 =	sor.u32 s23, s19;
	v62 =	vperm.xlane v38, v41;
	[tilespmem:s20+$0x0] =	vst v60  }
.Ltmp2:
0x209: {  	v63 =	vperm.xlane v39, v41;
	s25 =	sor.u32 s23, s21;
	[tilespmem:s24+$0x0] =	vst v61;
	(pc) =	sbr.rel @p0 .LBB2_2-.Ltmp2, $4  }
0x20a: {  	s29 =	simm.s32 $0x800000;
	v41 =	vperm.xlane v40, v41;
	s26 =	sor.u32 s23, s22;
	s30 =	rddreg [dreg:$0x2];
	[tilespmem:s25+$0x0] =	vst v62  }
0x20b: {  	s1 =	sor.u32 s23, s1;
	s31 =	simm.s32 $0xD800;
	s0 =	sadd.s32 s30, s28;
	[tilespmem:s26+$0x0] =	vst v63  }
0x20c: {  	s25 =	smov.u32 s16;
	s16 =	simm.s32 $0x1;
	s26 =	simm.s32 $0x4000;
	[tilespmem:s1+$0x0] =	vst v41  }
0x20d: {  	[hbm4b:s0+s26] =	stream.strided.scatter [tilespmem:s31], [sflag:$0x2], $0xC000, s29, s26, $0x38;
	[tilespmem:$0x19800] =	vst v63  }
0x20e: {  	s1 =	simm.s32 $0x2  }
0x20f: {  	_ =	swait.ge [sflag:s1], $0xC000  }
0x210: {  	[sflag:s1] =	ssyncset.done $0x0  }
0x211: {  	[sflag:s1] =	ssyncadd.s32 $0xFFFF4000  }
0x212: {  	_ =	swait.ge [sflag:s1], $0xC000  }
0x213: {  	s2 =	rddreg [dreg:$0x11]  }
0x214: {  	s0 =	rddreg [dreg:$0x8];
	s2 =	sadd.s32 $0x1, s2  }
0x215: {  	p0 =	sne.s32 s2, s0  }
.Ltmp3:
0x216: {  	_ = 	snop;
	(pc) =	sbr.rel @p0 .LBB2_1-.Ltmp3, $3  }
0x217: {  	_ =	sdelay $0x1  }
0x218: {  	[sflag:s1] =	ssyncset.done $0x0  }
0x219: {  	[sflag:s1] =	ssyncadd.s32 $0xFFFF4000  }
0x21a: {  	_ =	sfence.sel $0x180000  }
0x21b: {  	[bflag:$0x0] =	sbarrier.arrive $0xFFFF  }
0x21c: {  	_ =	strace $0x90000047  }
0x21d: {  	s0 =	stileid.u32;
	[bflag:$0x2] =	sbarrier.arrive $0xFFFF  }
0x21e: {  	p0 =	sne.s32 s0, $0x0;
	s0 =	rddreg [dreg:$0x3]  }
0x21f: {  	s0 =	sadd.s32 @!p0 $0x100000, s0  }
0x220: {  	[sflag:s0] =	ssyncadd.tile.s32 @!p0 $0x1;
	_ =	shalt  }
.Lfunc_end2:
_tile_overlayer_lowered:
.L_overlay_start_2:
0x221: {  	(tag) =	ssettag $0x2  }
0x222: {  	s0 =	rddreg [dreg:$0x0];
	s2 =	stileid.u32  }
0x223: {  	s1 =	rddreg [dreg:$0x1];
	p0 =	sne.s32 s2, $0x0  }
0x224: {  	s3 =	rddreg [dreg:$0x2];
	[bflag:$0x3] =	sbarrier.arrive $0xFFFF;
	s2 =	simm.s32 @!p0 $0x1C03  }
0x225: {  	[timem:s3], [sflag:s2] =	dma.local @!p0 [hbm:s0], s1  }
0x226: {  	s0 =	simm.s32 @!p0 $0x3  }
0x227: {  	_ =	swait.ge @!p0 [sflag:s0], s1  }
0x228: {  	s1 =	ssub.s32 @!p0 $0x0, s1;
	[sflag:s0] =	ssyncset.done @!p0 $0x0  }
0x229: {  	[sflag:s0] =	ssyncadd.s32 @!p0 s1  }
0x22a: {  	[bflag:$0x3] =	sbarrier.arrive $0xFFFF  }
0x22b: {  	_ =	shalt  }

</sc_bundles>
